<compile_context>
chip_gen: v7x
topology: tpu7x:2x2x1
jax: 0.10.2.dev20260603
libtpu: 0.0.44.dev20260713+nightly
codegen_flags: <defaults>
</compile_context>

<pallas_src>
import functools

import jax
import jax.numpy as jnp
from jax import lax
from jax.experimental import pallas as pl
from jax.experimental.pallas import tpu as pltpu
from jax.experimental.pallas import tpu_sc as plsc

N_NODES = 10000
N_EDGES = 160000
D_MODEL = 256
N_HEADS = 8
D_HEAD = D_MODEL // N_HEADS
INV_SQRT_DH = 1.0 / (D_HEAD ** 0.5)

NC, NS, LANES = 2, 16, 16
HALF = D_MODEL // NC
HEADS_PER_SC = N_HEADS // NC
ACCW = HALF + LANES
CH = 32
NCHUNK = N_EDGES // CH
NPT = ((NCHUNK + NS - 1) // NS + 1) // 2 * 2
ZROWS = 40
NZCH = N_NODES // ZROWS
ZCH_PER_TILE = -(-NZCH // NS)

BM = 400
NBLK = N_NODES // BM


def _qkv_body(x_ref, wq_ref, wk_ref, wv_ref, bq_ref, bk_ref, bv_ref,
              q_ref, k_ref, v_ref):
    xb = x_ref[...]
    q_ref[...] = jnp.dot(xb, wq_ref[...],
                         preferred_element_type=jnp.float32) + bq_ref[...]
    k_ref[...] = jnp.dot(xb, wk_ref[...],
                         preferred_element_type=jnp.float32) + bk_ref[...]
    v_ref[...] = jnp.dot(xb, wv_ref[...],
                         preferred_element_type=jnp.float32) + bv_ref[...]


def _qkv(x, Wq, Wk, Wv, bq, bk, bv):
    out_sh = jax.ShapeDtypeStruct((NC * N_NODES, HALF), jnp.float32)
    return pl.pallas_call(
        _qkv_body,
        grid=(NC, NBLK),
        in_specs=[
            pl.BlockSpec((BM, D_MODEL), lambda c, i: (i, 0)),
            pl.BlockSpec((D_MODEL, HALF), lambda c, i: (0, c)),
            pl.BlockSpec((D_MODEL, HALF), lambda c, i: (0, c)),
            pl.BlockSpec((D_MODEL, HALF), lambda c, i: (0, c)),
            pl.BlockSpec((1, HALF), lambda c, i: (0, c)),
            pl.BlockSpec((1, HALF), lambda c, i: (0, c)),
            pl.BlockSpec((1, HALF), lambda c, i: (0, c)),
        ],
        out_specs=[
            pl.BlockSpec((BM, HALF), lambda c, i: (c * NBLK + i, 0)),
            pl.BlockSpec((BM, HALF), lambda c, i: (c * NBLK + i, 0)),
            pl.BlockSpec((BM, HALF), lambda c, i: (c * NBLK + i, 0)),
        ],
        out_shape=[out_sh, out_sh, out_sh],
    )(x, Wq, Wk, Wv, bq.reshape(1, D_MODEL), bk.reshape(1, D_MODEL),
      bv.reshape(1, D_MODEL))


def _edge_body(qh, kh, vh, src, dst, out,
               srcv0, dstv0, srcov0, dstov0, dsc0, qv0, kv0, vv0, msgv0,
               srcv1, dstv1, srcov1, dstov1, dsc1, qv1, kv1, vv1, msgv1,
               zb, acc_sh,
               semg0, semi0, sems0, semg1, semi1, sems1):
    c = lax.axis_index("c")
    s = lax.axis_index("s")
    c_n = c * N_NODES
    zero16 = jnp.zeros((LANES,), jnp.float32)
    lane = lax.iota(jnp.int32, LANES)
    bufs = (
        (srcv0, dstv0, srcov0, dstov0, dsc0, qv0, kv0, vv0, msgv0,
         semg0, semi0, sems0),
        (srcv1, dstv1, srcov1, dstov1, dsc1, qv1, kv1, vv1, msgv1,
         semg1, semi1, sems1),
    )

    def _zrow(r, _):
        for t in range(ACCW // LANES):
            zb[r, pl.ds(t * LANES, LANES)] = zero16
        return 0
    lax.fori_loop(0, ZROWS, _zrow, 0, unroll=False)

    def _zcopy(b, _):
        ch = s + NS * b

        @pl.when(ch < NZCH)
        def _():
            pltpu.sync_copy(zb, acc_sh.at[pl.ds(ch * ZROWS, ZROWS)])

        return 0
    lax.fori_loop(0, ZCH_PER_TILE, _zcopy, 0, unroll=False)
    plsc.subcore_barrier()

    def _base(jj):
        return jnp.minimum(s + NS * jj, NCHUNK - 1) * CH

    def _offsets(bset):
        srcv, dstv, srcov, dstov, dsc = bset[:5]
        for t in range(CH // LANES):
            sl = pl.ds(t * LANES, LANES)
            sv = srcv[sl]
            dv = dstv[sl]
            srcov[sl] = sv + c_n
            dstov[sl] = dv + c_n
            dsc[sl] = dv

    def _issue_gathers(bset):
        _, _, srcov, dstov, _, qv, kv, vv, _, semg, _, _ = bset
        return (pltpu.async_copy(qh.at[dstov], qv, semg),
                pltpu.async_copy(kh.at[srcov], kv, semg),
                pltpu.async_copy(vh.at[srcov], vv, semg))

    def _issue_idx(bset, base):
        srcv, dstv, semi = bset[0], bset[1], bset[10]
        pltpu.async_copy(src.at[pl.ds(base, CH)], srcv, semi)
        pltpu.async_copy(dst.at[pl.ds(base, CH)], dstv, semi)

    def _wait_idx(bset):
        srcv, dstv, semi = bset[0], bset[1], bset[10]
        pltpu.make_async_copy(src.at[pl.ds(0, CH)], srcv, semi).wait()
        pltpu.make_async_copy(dst.at[pl.ds(0, CH)], dstv, semi).wait()

    def _issue_scatter(bset):
        dsc, msgv, sems = bset[4], bset[8], bset[11]
        return pltpu.async_copy(msgv, acc_sh.at[dsc], sems, add=True)

    def _compute_msgs(bset, jj):
        qv, kv, vv, msgv = bset[5], bset[6], bset[7], bset[8]
        g = s + NS * jj
        scale = jnp.where(g < NCHUNK, 1.0, 0.0)
        scale_v = jnp.full((LANES,), scale, jnp.float32)

        @plsc.parallel_loop(0, CH, unroll=4)
        def _edge(e):
            prods = []
            for r in range(HALF // LANES):
                sl = pl.ds(r * LANES, LANES)
                prods.append(qv[e, sl] * kv[e, sl])
            evecs = []
            for h in range(HEADS_PER_SC):
                t = prods[2 * h] + prods[2 * h + 1]
                sc = jnp.sum(t) * INV_SQRT_DH
                ev = jnp.exp(jnp.full((LANES,), sc, jnp.float32)) * scale_v
                lo = pl.ds(D_HEAD * h, LANES)
                hi = pl.ds(D_HEAD * h + LANES, LANES)
                msgv[e, lo] = ev * vv[e, lo]
                msgv[e, hi] = ev * vv[e, hi]
                evecs.append(ev)
            dvec = jnp.where(
                lane == 0, evecs[0],
                jnp.where(lane == 1, evecs[1],
                          jnp.where(lane == 2, evecs[2],
                                    jnp.where(lane == 3, evecs[3],
                                              zero16))))
            msgv[e, pl.ds(HALF, LANES)] = dvec

    A, B = bufs
    _issue_idx(A, _base(0))
    _issue_idx(B, _base(1))

    def _pair(j, _):
        ja = 2 * j
        _wait_idx(A)
        _offsets(A)
        cp_a = _issue_gathers(A)
        _wait_idx(B)
        _offsets(B)
        cp_b = _issue_gathers(B)
        _issue_idx(A, _base(ja + 2))
        _issue_idx(B, _base(ja + 3))
        for d in cp_a:
            d.wait()
        _compute_msgs(A, ja)
        sc_a = _issue_scatter(A)
        for d in cp_b:
            d.wait()
        _compute_msgs(B, ja + 1)
        sc_b = _issue_scatter(B)
        sc_a.wait()
        sc_b.wait()
        return 0

    lax.fori_loop(0, NPT // 2, _pair, 0, unroll=False)

    _wait_idx(A)
    _wait_idx(B)
    plsc.subcore_barrier()

    def _ocopy(b, _):
        ch = s + NS * b

        @pl.when(ch < NZCH)
        def _():
            row0 = ch * ZROWS
            pltpu.sync_copy(acc_sh.at[pl.ds(row0, ZROWS)], zb)
            pltpu.sync_copy(zb, out.at[pl.ds(c_n + row0, ZROWS)])

        return 0
    lax.fori_loop(0, ZCH_PER_TILE, _ocopy, 0, unroll=False)


def _edge_pass(qh, kh, vh, src, dst):
    mesh = plsc.VectorSubcoreMesh(core_axis_name="c", subcore_axis_name="s")
    idx_t = pltpu.VMEM((CH,), jnp.int32)
    row_t = pltpu.VMEM((CH, HALF), jnp.float32)
    msg_t = pltpu.VMEM((CH, ACCW), jnp.float32)
    fn = pl.kernel(
        _edge_body,
        out_type=jax.ShapeDtypeStruct((NC * N_NODES, ACCW), jnp.float32),
        mesh=mesh,
        scratch_types=(
            [idx_t] * 5 + [row_t] * 3 + [msg_t]
            + [idx_t] * 5 + [row_t] * 3 + [msg_t]
            + [pltpu.VMEM((ZROWS, ACCW), jnp.float32),
               pltpu.VMEM_SHARED((N_NODES, ACCW), jnp.float32)]
            + [pltpu.SemaphoreType.DMA] * 6
        ),
        compiler_params=pltpu.CompilerParams(
            needs_layout_passes=False, use_tc_tiling_on_sc=False),
    )
    return fn(qh, kh, vh, src, dst)


def _fin_body(a0_ref, a1_ref, x_ref, wo_ref, bo_ref, skip_ref,
              lng_ref, lnb_ref, o_ref):
    a0 = a0_ref[...]
    a1 = a1_ref[...]
    parts = []
    for a in (a0, a1):
        for h in range(HEADS_PER_SC):
            num = a[:, D_HEAD * h:D_HEAD * (h + 1)]
            den = a[:, HALF + h:HALF + h + 1] + 1e-16
            parts.append(num / den)
    agg = jnp.concatenate(parts, axis=1)
    hval = jnp.dot(agg, wo_ref[...],
                   preferred_element_type=jnp.float32) + bo_ref[...]
    g = jax.nn.sigmoid(skip_ref[0, 0])
    out = g * hval + (1.0 - g) * x_ref[...]
    mean = jnp.mean(out, axis=1, keepdims=True)
    ctr = out - mean
    var = jnp.mean(ctr * ctr, axis=1, keepdims=True)
    o_ref[...] = ctr * jax.lax.rsqrt(var + 1e-5) * lng_ref[...] + lnb_ref[...]


def _finalize(acc, x, Wo, bo, skip, ln_g, ln_b):
    return pl.pallas_call(
        _fin_body,
        grid=(NBLK,),
        in_specs=[
            pl.BlockSpec((BM, ACCW), lambda i: (i, 0)),
            pl.BlockSpec((BM, ACCW), lambda i: (NBLK + i, 0)),
            pl.BlockSpec((BM, D_MODEL), lambda i: (i, 0)),
            pl.BlockSpec((D_MODEL, D_MODEL), lambda i: (0, 0)),
            pl.BlockSpec((1, D_MODEL), lambda i: (0, 0)),
            pl.BlockSpec((1, 1), lambda i: (0, 0)),
            pl.BlockSpec((1, D_MODEL), lambda i: (0, 0)),
            pl.BlockSpec((1, D_MODEL), lambda i: (0, 0)),
        ],
        out_specs=pl.BlockSpec((BM, D_MODEL), lambda i: (i, 0)),
        out_shape=jax.ShapeDtypeStruct((N_NODES, D_MODEL), jnp.float32),
    )(acc, acc, x, Wo, bo.reshape(1, D_MODEL), skip.reshape(1, 1),
      ln_g.reshape(1, D_MODEL), ln_b.reshape(1, D_MODEL))


def kernel(x, edge_index, Wq, bq, Wk, bk, Wv, bv, Wo, bo, skip, ln_g, ln_b):
    src = edge_index[0]
    dst = edge_index[1]
    qh, kh, vh = _qkv(x, Wq, Wk, Wv, bq, bk, bv)
    acc = _edge_pass(qh, kh, vh, src, dst)
    return _finalize(acc, x, Wo, bo, skip, ln_g, ln_b)

# --- scband reference (transcript-rebuilt; emitter-appended) ---
"""Pipeline reference for scband-gtlayer-86947317941124 (READ-ONLY COPY).

The authoritative reference and input builder live on the scoring server;
editing this copy changes nothing except your own understanding.
"""

import jax, jax.numpy as jnp
import numpy as np

N, E, D, H = 10000, 160000, 256, 8
DH = D // H

def setup_inputs(seed: int = 0):
    key = jax.random.key(seed)
    ks = jax.random.split(key, 12)
    s = 1.0 / np.sqrt(D)
    x = jax.random.normal(ks[0], (N, D), dtype=jnp.float32)
    edge_index = jax.random.randint(ks[1], (2, E), 0, N, dtype=jnp.int32)
    Wq = jax.random.normal(ks[2], (D, D), dtype=jnp.float32) * s
    bq = jnp.zeros((D,), jnp.float32)
    Wk = jax.random.normal(ks[3], (D, D), dtype=jnp.float32) * s
    bk = jnp.zeros((D,), jnp.float32)
    Wv = jax.random.normal(ks[4], (D, D), dtype=jnp.float32) * s
    bv = jnp.zeros((D,), jnp.float32)
    Wo = jax.random.normal(ks[5], (D, D), dtype=jnp.float32) * s
    bo = jnp.zeros((D,), jnp.float32)
    skip = jnp.zeros((1,), jnp.float32)
    ln_g = jnp.ones((D,), jnp.float32)
    ln_b = jnp.zeros((D,), jnp.float32)
    return {"x": x, "edge_index": edge_index, "Wq": Wq, "bq": bq, "Wk": Wk, "bk": bk, "Wv": Wv, "bv": bv, "Wo": Wo, "bo": bo, "skip": skip, "ln_g": ln_g, "ln_b": ln_b}

def reference(x, edge_index, Wq, bq, Wk, bk, Wv, bv, Wo, bo, skip, ln_g, ln_b):
    # SparseNodeTransformer global attention branch of GTLayer (single node/edge type)
    q = (x @ Wq + bq).reshape(N, H, DH)
    k = (x @ Wk + bk).reshape(N, H, DH)
    v = (x @ Wv + bv).reshape(N, H, DH)
    src = edge_index[0]
    dst = edge_index[1]
    # per-edge attention logits: query at dst attends to key at src
    scores = jnp.sum(q[dst] * k[src], axis=-1) / jnp.sqrt(float(DH))  # [E, H]
    # segment softmax over incoming edges of each dst node
    seg_max = jax.ops.segment_max(scores, dst, num_segments=N)  # [N, H]
    seg_max = jnp.where(jnp.isfinite(seg_max), seg_max, 0.0)
    ex = jnp.exp(scores - seg_max[dst])  # [E, H]
    denom = jax.ops.segment_sum(ex, dst, num_segments=N) + 1e-16  # [N, H]
    alpha = ex / denom[dst]  # [E, H]
    msg = alpha[..., None] * v[src]  # [E, H, DH]
    agg = jax.ops.segment_sum(msg, dst, num_segments=N).reshape(N, D)
    h = agg @ Wo + bo  # o_lin
    # gated skip connection (skip_global parameter)
    g = jax.nn.sigmoid(skip)
    out = g * h + (1.0 - g) * x
    # norm1_global LayerNorm
    mean = jnp.mean(out, axis=-1, keepdims=True)
    var = jnp.var(out, axis=-1, keepdims=True)
    out = (out - mean) / jnp.sqrt(var + 1e-5) * ln_g + ln_b
    return out

if __name__ == "__main__":
    import jax
    _d = setup_inputs()
    print(jax.jit(kernel)(*tuple(_d.values())))

</pallas_src>

<mosaic_0001>
#map = affine_map<(d0, d1) -> (0, 0)>
#map1 = affine_map<(d0, d1) -> (0)>
module attributes {stable_mosaic.version = 14 : i64} {
  func.func @_edge_body(%arg0: i32, %arg1: i32, %arg2: memref<20000x128xf32, #tpu.memory_space<hbm>>, %arg3: memref<20000x128xf32, #tpu.memory_space<hbm>>, %arg4: memref<20000x128xf32, #tpu.memory_space<hbm>>, %arg5: memref<160000xi32, #tpu.memory_space<hbm>>, %arg6: memref<160000xi32, #tpu.memory_space<hbm>>, %arg7: memref<20000x144xf32, #tpu.memory_space<hbm>>, %arg8: memref<32xi32, #tpu.memory_space<vmem>>, %arg9: memref<32xi32, #tpu.memory_space<vmem>>, %arg10: memref<32xi32, #tpu.memory_space<vmem>>, %arg11: memref<32xi32, #tpu.memory_space<vmem>>, %arg12: memref<32xi32, #tpu.memory_space<vmem>>, %arg13: memref<32x128xf32, #tpu.memory_space<vmem>>, %arg14: memref<32x128xf32, #tpu.memory_space<vmem>>, %arg15: memref<32x128xf32, #tpu.memory_space<vmem>>, %arg16: memref<32x144xf32, #tpu.memory_space<vmem>>, %arg17: memref<32xi32, #tpu.memory_space<vmem>>, %arg18: memref<32xi32, #tpu.memory_space<vmem>>, %arg19: memref<32xi32, #tpu.memory_space<vmem>>, %arg20: memref<32xi32, #tpu.memory_space<vmem>>, %arg21: memref<32xi32, #tpu.memory_space<vmem>>, %arg22: memref<32x128xf32, #tpu.memory_space<vmem>>, %arg23: memref<32x128xf32, #tpu.memory_space<vmem>>, %arg24: memref<32x128xf32, #tpu.memory_space<vmem>>, %arg25: memref<32x144xf32, #tpu.memory_space<vmem>>, %arg26: memref<40x144xf32, #tpu.memory_space<vmem>>, %arg27: memref<10000x144xf32, #tpu.memory_space<vmem_shared>>, %arg28: memref<!tpu.dma_semaphore, #tpu.memory_space<semaphore_mem>>, %arg29: memref<!tpu.dma_semaphore, #tpu.memory_space<semaphore_mem>>, %arg30: memref<!tpu.dma_semaphore, #tpu.memory_space<semaphore_mem>>, %arg31: memref<!tpu.dma_semaphore, #tpu.memory_space<semaphore_mem>>, %arg32: memref<!tpu.dma_semaphore, #tpu.memory_space<semaphore_mem>>, %arg33: memref<!tpu.dma_semaphore, #tpu.memory_space<semaphore_mem>>) attributes {dimension_semantics = [#tpu.dimension_semantics<core_parallel>, #tpu.dimension_semantics<subcore_parallel>], iteration_bounds = array<i64: 2, 16>, scalar_prefetch = 0 : i64, scratch_operands = 26 : i64, tpu.core_type = #tpu.core_type<sc_vector_subcore>, window_params = [{transform_indices = #map}, {transform_indices = #map}, {transform_indices = #map}, {transform_indices = #map1}, {transform_indices = #map1}, {transform_indices = #map}]} {
    %mul3A = arith.constant 10000 : i32
    %mul3A_0 = arith.muli %arg0, %mul3A : i32
    %broadcast_in_dim3A = arith.constant 0.000000e+00 : f32
    %broadcast_in_dim3A_1 = vector.broadcast %broadcast_in_dim3A : f32 to vector<16xf32>
    %iota3A = tpu.iota {dimensions = array<i32: 0>} : vector<16xi32>
    %scan3A = arith.constant 0 : i32
    %scan3A_2 = arith.constant 0 : i32
    %scan3A_3 = arith.constant 40 : i32
    %scan3A_4 = arith.addi %scan3A_2, %scan3A_3 : i32
    %scan3A_5 = arith.constant 1 : i32
    %scan3A_6 = scf.for %scan3A_62 = %scan3A_2 to %scan3A_4 step %scan3A_5 iter_args(%scan3A_63 = %scan3A) -> (i32)  : i32 {
      %swap3A = arith.index_cast %scan3A_62 : i32 to index
      %swap3A_64 = arith.constant 0 : index
      %swap3A_65 = tpu.vector_load %arg26[%swap3A, %swap3A_64] {strides = array<i32>} : memref<40x144xf32, #tpu.memory_space<vmem>>, vector<16xf32>,
      tpu.vector_store %arg26[%swap3A, %swap3A_64], %broadcast_in_dim3A_1 {strides = array<i32>} : memref<40x144xf32, #tpu.memory_space<vmem>>, vector<16xf32>,
      %swap3A_66 = arith.index_cast %scan3A_62 : i32 to index
      %swap3A_67 = arith.constant 16 : index
      %swap3A_68 = tpu.vector_load %arg26[%swap3A_66, %swap3A_67] {strides = array<i32>} : memref<40x144xf32, #tpu.memory_space<vmem>>, vector<16xf32>,
      tpu.vector_store %arg26[%swap3A_66, %swap3A_67], %broadcast_in_dim3A_1 {strides = array<i32>} : memref<40x144xf32, #tpu.memory_space<vmem>>, vector<16xf32>,
      %swap3A_69 = arith.index_cast %scan3A_62 : i32 to index
      %swap3A_70 = arith.constant 32 : index
      %swap3A_71 = tpu.vector_load %arg26[%swap3A_69, %swap3A_70] {strides = array<i32>} : memref<40x144xf32, #tpu.memory_space<vmem>>, vector<16xf32>,
      tpu.vector_store %arg26[%swap3A_69, %swap3A_70], %broadcast_in_dim3A_1 {strides = array<i32>} : memref<40x144xf32, #tpu.memory_space<vmem>>, vector<16xf32>,
      %swap3A_72 = arith.index_cast %scan3A_62 : i32 to index
      %swap3A_73 = arith.constant 48 : index
      %swap3A_74 = tpu.vector_load %arg26[%swap3A_72, %swap3A_73] {strides = array<i32>} : memref<40x144xf32, #tpu.memory_space<vmem>>, vector<16xf32>,
      tpu.vector_store %arg26[%swap3A_72, %swap3A_73], %broadcast_in_dim3A_1 {strides = array<i32>} : memref<40x144xf32, #tpu.memory_space<vmem>>, vector<16xf32>,
      %swap3A_75 = arith.index_cast %scan3A_62 : i32 to index
      %swap3A_76 = arith.constant 64 : index
      %swap3A_77 = tpu.vector_load %arg26[%swap3A_75, %swap3A_76] {strides = array<i32>} : memref<40x144xf32, #tpu.memory_space<vmem>>, vector<16xf32>,
      tpu.vector_store %arg26[%swap3A_75, %swap3A_76], %broadcast_in_dim3A_1 {strides = array<i32>} : memref<40x144xf32, #tpu.memory_space<vmem>>, vector<16xf32>,
      %swap3A_78 = arith.index_cast %scan3A_62 : i32 to index
      %swap3A_79 = arith.constant 80 : index
      %swap3A_80 = tpu.vector_load %arg26[%swap3A_78, %swap3A_79] {strides = array<i32>} : memref<40x144xf32, #tpu.memory_space<vmem>>, vector<16xf32>,
      tpu.vector_store %arg26[%swap3A_78, %swap3A_79], %broadcast_in_dim3A_1 {strides = array<i32>} : memref<40x144xf32, #tpu.memory_space<vmem>>, vector<16xf32>,
      %swap3A_81 = arith.index_cast %scan3A_62 : i32 to index
      %swap3A_82 = arith.constant 96 : index
      %swap3A_83 = tpu.vector_load %arg26[%swap3A_81, %swap3A_82] {strides = array<i32>} : memref<40x144xf32, #tpu.memory_space<vmem>>, vector<16xf32>,
      tpu.vector_store %arg26[%swap3A_81, %swap3A_82], %broadcast_in_dim3A_1 {strides = array<i32>} : memref<40x144xf32, #tpu.memory_space<vmem>>, vector<16xf32>,
      %swap3A_84 = arith.index_cast %scan3A_62 : i32 to index
      %swap3A_85 = arith.constant 112 : index
      %swap3A_86 = tpu.vector_load %arg26[%swap3A_84, %swap3A_85] {strides = array<i32>} : memref<40x144xf32, #tpu.memory_space<vmem>>, vector<16xf32>,
      tpu.vector_store %arg26[%swap3A_84, %swap3A_85], %broadcast_in_dim3A_1 {strides = array<i32>} : memref<40x144xf32, #tpu.memory_space<vmem>>, vector<16xf32>,
      %swap3A_87 = arith.index_cast %scan3A_62 : i32 to index
      %swap3A_88 = arith.constant 128 : index
      %swap3A_89 = tpu.vector_load %arg26[%swap3A_87, %swap3A_88] {strides = array<i32>} : memref<40x144xf32, #tpu.memory_space<vmem>>, vector<16xf32>,
      tpu.vector_store %arg26[%swap3A_87, %swap3A_88], %broadcast_in_dim3A_1 {strides = array<i32>} : memref<40x144xf32, #tpu.memory_space<vmem>>, vector<16xf32>,
      %scan3A_90 = arith.constant 0 : i32
      scf.yield %scan3A_90 : i32
    }
    %scan3A_7 = arith.constant 40 : i32
    %scan3A_8 = arith.constant 0 : i32
    %scan3A_9 = arith.constant 0 : i32
    %scan3A_10 = arith.constant 16 : i32
    %scan3A_11 = arith.addi %scan3A_9, %scan3A_10 : i32
    %scan3A_12 = arith.constant 1 : i32
    %scan3A_13 = scf.for %scan3A_62 = %scan3A_9 to %scan3A_11 step %scan3A_12 iter_args(%scan3A_63 = %scan3A_8) -> (i32)  : i32 {
      %mul3A_64 = arith.constant 16 : i32
      %mul3A_65 = arith.muli %mul3A_64, %scan3A_62 : i32
      %add3A_66 = arith.addi %arg1, %mul3A_65 : i32
      %lt3A = arith.constant 250 : i32
      %lt3A_67 = arith.cmpi slt, %add3A_66, %lt3A : i32
      %convert_element_type3A = arith.extui %lt3A_67 : i1 to i32
      %cond3A = arith.constant 0 : i32
      %cond3A_68 = arith.cmpi ne, %convert_element_type3A, %cond3A : i32
      scf.if %cond3A_68 {
        %mul3A_70 = arith.constant 40 : i32
        %mul3A_71 = arith.muli %add3A_66, %mul3A_70 : i32
        "tpu.region"() ({
          %run_scoped3A = tpu.sem_alloc : memref<!tpu.dma_semaphore, #tpu.memory_space<semaphore_mem>>
          %dma_start3A_72 = arith.constant 0 : i32
          %dma_start3A_73 = tpu.memref_slice %arg27[%mul3A_71, %dma_start3A_72] : memref<10000x144xf32, #tpu.memory_space<vmem_shared>> -> memref<40x144xf32, #tpu.memory_space<vmem_shared>>
          %dma_start3A_74 = arith.constant 0 : i32
          %dma_start3A_75 = tpu.memref_slice %arg27[%mul3A_71, %dma_start3A_74] : memref<10000x144xf32, #tpu.memory_space<vmem_shared>> -> memref<40x144xf32, #tpu.memory_space<vmem_shared>>
          tpu.enqueue_dma source(%arg26 : memref<40x144xf32, #tpu.memory_space<vmem>>) target(%dma_start3A_75 : memref<40x144xf32, #tpu.memory_space<vmem_shared>>) target_semaphore(%run_scoped3A : memref<!tpu.dma_semaphore, #tpu.memory_space<semaphore_mem>>)
          %dma_wait3A_76 = arith.constant 0 : i32
          %dma_wait3A_77 = tpu.memref_slice %arg27[%mul3A_71, %dma_wait3A_76] : memref<10000x144xf32, #tpu.memory_space<vmem_shared>> -> memref<40x144xf32, #tpu.memory_space<vmem_shared>>
          %dma_wait3A_78 = arith.constant 0 : i32
          %dma_wait3A_79 = tpu.memref_slice %arg27[%mul3A_71, %dma_wait3A_78] : memref<10000x144xf32, #tpu.memory_space<vmem_shared>> -> memref<40x144xf32, #tpu.memory_space<vmem_shared>>
          tpu.wait_dma2 semaphore(%run_scoped3A : memref<!tpu.dma_semaphore, #tpu.memory_space<semaphore_mem>>) src(%arg26 : memref<40x144xf32, #tpu.memory_space<vmem>>) dst(%dma_wait3A_79 : memref<40x144xf32, #tpu.memory_space<vmem_shared>>)
          tpu.yield
        }) : () -> ()
      } else {
      }
      %scan3A_69 = arith.constant 0 : i32
      scf.yield %scan3A_69 : i32
    }
    %scan3A_14 = arith.constant 16 : i32
    %barrier3A = arith.constant 0 : index
    tpu.barrier barrier_id(%barrier3A)
    %add3A = arith.constant 0 : i32
    %add3A_15 = arith.addi %arg1, %add3A : i32
    %min3A = arith.constant 4999 : i32
    %min3A_16 = arith.minsi %add3A_15, %min3A : i32
    %mul3A_17 = arith.constant 32 : i32
    %mul3A_18 = arith.muli %min3A_16, %mul3A_17 : i32
    %dma_start3A = tpu.memref_slice %arg5[%mul3A_18] : memref<160000xi32, #tpu.memory_space<hbm>> -> memref<32xi32, #tpu.memory_space<hbm>>
    %dma_start3A_19 = tpu.memref_slice %arg5[%mul3A_18] : memref<160000xi32, #tpu.memory_space<hbm>> -> memref<32xi32, #tpu.memory_space<hbm>>
    tpu.enqueue_dma source(%dma_start3A_19 : memref<32xi32, #tpu.memory_space<hbm>>) target(%arg8 : memref<32xi32, #tpu.memory_space<vmem>>) target_semaphore(%arg29 : memref<!tpu.dma_semaphore, #tpu.memory_space<semaphore_mem>>)
    %dma_start3A_20 = tpu.memref_slice %arg6[%mul3A_18] : memref<160000xi32, #tpu.memory_space<hbm>> -> memref<32xi32, #tpu.memory_space<hbm>>
    %dma_start3A_21 = tpu.memref_slice %arg6[%mul3A_18] : memref<160000xi32, #tpu.memory_space<hbm>> -> memref<32xi32, #tpu.memory_space<hbm>>
    tpu.enqueue_dma source(%dma_start3A_21 : memref<32xi32, #tpu.memory_space<hbm>>) target(%arg9 : memref<32xi32, #tpu.memory_space<vmem>>) target_semaphore(%arg29 : memref<!tpu.dma_semaphore, #tpu.memory_space<semaphore_mem>>)
    %add3A_22 = arith.constant 16 : i32
    %add3A_23 = arith.addi %arg1, %add3A_22 : i32
    %min3A_24 = arith.constant 4999 : i32
    %min3A_25 = arith.minsi %add3A_23, %min3A_24 : i32
    %mul3A_26 = arith.constant 32 : i32
    %mul3A_27 = arith.muli %min3A_25, %mul3A_26 : i32
    %dma_start3A_28 = tpu.memref_slice %arg5[%mul3A_27] : memref<160000xi32, #tpu.memory_space<hbm>> -> memref<32xi32, #tpu.memory_space<hbm>>
    %dma_start3A_29 = tpu.memref_slice %arg5[%mul3A_27] : memref<160000xi32, #tpu.memory_space<hbm>> -> memref<32xi32, #tpu.memory_space<hbm>>
    tpu.enqueue_dma source(%dma_start3A_29 : memref<32xi32, #tpu.memory_space<hbm>>) target(%arg17 : memref<32xi32, #tpu.memory_space<vmem>>) target_semaphore(%arg32 : memref<!tpu.dma_semaphore, #tpu.memory_space<semaphore_mem>>)
    %dma_start3A_30 = tpu.memref_slice %arg6[%mul3A_27] : memref<160000xi32, #tpu.memory_space<hbm>> -> memref<32xi32, #tpu.memory_space<hbm>>
    %dma_start3A_31 = tpu.memref_slice %arg6[%mul3A_27] : memref<160000xi32, #tpu.memory_space<hbm>> -> memref<32xi32, #tpu.memory_space<hbm>>
    tpu.enqueue_dma source(%dma_start3A_31 : memref<32xi32, #tpu.memory_space<hbm>>) target(%arg18 : memref<32xi32, #tpu.memory_space<vmem>>) target_semaphore(%arg32 : memref<!tpu.dma_semaphore, #tpu.memory_space<semaphore_mem>>)
    %scan3A_32 = arith.constant 0 : i32
    %scan3A_33 = arith.constant 0 : i32
    %scan3A_34 = arith.constant 157 : i32
    %scan3A_35 = arith.addi %scan3A_33, %scan3A_34 : i32
    %scan3A_36 = arith.constant 1 : i32
    %scan3A_37 = scf.for %scan3A_62 = %scan3A_33 to %scan3A_35 step %scan3A_36 iter_args(%scan3A_63 = %scan3A_32) -> (i32)  : i32 {
      %mul3A_64 = arith.constant 2 : i32
      %mul3A_65 = arith.muli %mul3A_64, %scan3A_62 : i32
      %dma_wait3A_66 = arith.constant 0 : i32
      %dma_wait3A_67 = tpu.memref_slice %arg5[%dma_wait3A_66] : memref<160000xi32, #tpu.memory_space<hbm>> -> memref<32xi32, #tpu.memory_space<hbm>>
      %dma_wait3A_68 = arith.constant 0 : i32
      %dma_wait3A_69 = tpu.memref_slice %arg5[%dma_wait3A_68] : memref<160000xi32, #tpu.memory_space<hbm>> -> memref<32xi32, #tpu.memory_space<hbm>>
      tpu.wait_dma2 semaphore(%arg29 : memref<!tpu.dma_semaphore, #tpu.memory_space<semaphore_mem>>) src(%dma_wait3A_69 : memref<32xi32, #tpu.memory_space<hbm>>) dst(%arg8 : memref<32xi32, #tpu.memory_space<vmem>>)
      %dma_wait3A_70 = arith.constant 0 : i32
      %dma_wait3A_71 = tpu.memref_slice %arg6[%dma_wait3A_70] : memref<160000xi32, #tpu.memory_space<hbm>> -> memref<32xi32, #tpu.memory_space<hbm>>
      %dma_wait3A_72 = arith.constant 0 : i32
      %dma_wait3A_73 = tpu.memref_slice %arg6[%dma_wait3A_72] : memref<160000xi32, #tpu.memory_space<hbm>> -> memref<32xi32, #tpu.memory_space<hbm>>
      tpu.wait_dma2 semaphore(%arg29 : memref<!tpu.dma_semaphore, #tpu.memory_space<semaphore_mem>>) src(%dma_wait3A_73 : memref<32xi32, #tpu.memory_space<hbm>>) dst(%arg9 : memref<32xi32, #tpu.memory_space<vmem>>)
      %get3A = arith.constant 0 : index
      %get3A_74 = tpu.vector_load %arg8[%get3A] {strides = array<i32>} : memref<32xi32, #tpu.memory_space<vmem>>, vector<16xi32>,
      %get3A_75 = arith.constant 0 : index
      %get3A_76 = tpu.vector_load %arg9[%get3A_75] {strides = array<i32>} : memref<32xi32, #tpu.memory_space<vmem>>, vector<16xi32>,
      %add3A_77 = vector.broadcast %mul3A_0 : i32 to vector<16xi32>
      %add3A_78 = arith.addi %get3A_74, %add3A_77 : vector<16xi32>
      %swap3A = arith.constant 0 : index
      %swap3A_79 = tpu.vector_load %arg10[%swap3A] {strides = array<i32>} : memref<32xi32, #tpu.memory_space<vmem>>, vector<16xi32>,
      tpu.vector_store %arg10[%swap3A], %add3A_78 {strides = array<i32>} : memref<32xi32, #tpu.memory_space<vmem>>, vector<16xi32>,
      %add3A_80 = vector.broadcast %mul3A_0 : i32 to vector<16xi32>
      %add3A_81 = arith.addi %get3A_76, %add3A_80 : vector<16xi32>
      %swap3A_82 = arith.constant 0 : index
      %swap3A_83 = tpu.vector_load %arg11[%swap3A_82] {strides = array<i32>} : memref<32xi32, #tpu.memory_space<vmem>>, vector<16xi32>,
      tpu.vector_store %arg11[%swap3A_82], %add3A_81 {strides = array<i32>} : memref<32xi32, #tpu.memory_space<vmem>>, vector<16xi32>,
      %swap3A_84 = arith.constant 0 : index
      %swap3A_85 = tpu.vector_load %arg12[%swap3A_84] {strides = array<i32>} : memref<32xi32, #tpu.memory_space<vmem>>, vector<16xi32>,
      tpu.vector_store %arg12[%swap3A_84], %get3A_76 {strides = array<i32>} : memref<32xi32, #tpu.memory_space<vmem>>, vector<16xi32>,
      %get3A_86 = arith.constant 16 : index
      %get3A_87 = tpu.vector_load %arg8[%get3A_86] {strides = array<i32>} : memref<32xi32, #tpu.memory_space<vmem>>, vector<16xi32>,
      %get3A_88 = arith.constant 16 : index
      %get3A_89 = tpu.vector_load %arg9[%get3A_88] {strides = array<i32>} : memref<32xi32, #tpu.memory_space<vmem>>, vector<16xi32>,
      %add3A_90 = vector.broadcast %mul3A_0 : i32 to vector<16xi32>
      %add3A_91 = arith.addi %get3A_87, %add3A_90 : vector<16xi32>
      %swap3A_92 = arith.constant 16 : index
      %swap3A_93 = tpu.vector_load %arg10[%swap3A_92] {strides = array<i32>} : memref<32xi32, #tpu.memory_space<vmem>>, vector<16xi32>,
      tpu.vector_store %arg10[%swap3A_92], %add3A_91 {strides = array<i32>} : memref<32xi32, #tpu.memory_space<vmem>>, vector<16xi32>,
      %add3A_94 = vector.broadcast %mul3A_0 : i32 to vector<16xi32>
      %add3A_95 = arith.addi %get3A_89, %add3A_94 : vector<16xi32>
      %swap3A_96 = arith.constant 16 : index
      %swap3A_97 = tpu.vector_load %arg11[%swap3A_96] {strides = array<i32>} : memref<32xi32, #tpu.memory_space<vmem>>, vector<16xi32>,
      tpu.vector_store %arg11[%swap3A_96], %add3A_95 {strides = array<i32>} : memref<32xi32, #tpu.memory_space<vmem>>, vector<16xi32>,
      %swap3A_98 = arith.constant 16 : index
      %swap3A_99 = tpu.vector_load %arg12[%swap3A_98] {strides = array<i32>} : memref<32xi32, #tpu.memory_space<vmem>>, vector<16xi32>,
      tpu.vector_store %arg12[%swap3A_98], %get3A_89 {strides = array<i32>} : memref<32xi32, #tpu.memory_space<vmem>>, vector<16xi32>,
      %dma_start3A_100 = arith.constant 0 : i32
      %dma_start3A_101 = arith.constant 0 : i32
      %dma_start3A_102 = tpu.memref_slice %arg2[%dma_start3A_100, %dma_start3A_101] : memref<20000x128xf32, #tpu.memory_space<hbm>> -> memref<20000x128xf32, #tpu.memory_space<hbm>>
      tpu.enqueue_indirect_dma source(%dma_start3A_102 : memref<20000x128xf32, #tpu.memory_space<hbm>>) target(%arg13 : memref<32x128xf32, #tpu.memory_space<vmem>>) offsets(%arg11 : memref<32xi32, #tpu.memory_space<vmem>>) semaphore(%arg28 : memref<!tpu.dma_semaphore, #tpu.memory_space<semaphore_mem>>)
      %dma_start3A_103 = arith.constant 0 : i32
      %dma_start3A_104 = arith.constant 0 : i32
      %dma_start3A_105 = tpu.memref_slice %arg3[%dma_start3A_103, %dma_start3A_104] : memref<20000x128xf32, #tpu.memory_space<hbm>> -> memref<20000x128xf32, #tpu.memory_space<hbm>>
      tpu.enqueue_indirect_dma source(%dma_start3A_105 : memref<20000x128xf32, #tpu.memory_space<hbm>>) target(%arg14 : memref<32x128xf32, #tpu.memory_space<vmem>>) offsets(%arg10 : memref<32xi32, #tpu.memory_space<vmem>>) semaphore(%arg28 : memref<!tpu.dma_semaphore, #tpu.memory_space<semaphore_mem>>)
      %dma_start3A_106 = arith.constant 0 : i32
      %dma_start3A_107 = arith.constant 0 : i32
      %dma_start3A_108 = tpu.memref_slice %arg4[%dma_start3A_106, %dma_start3A_107] : memref<20000x128xf32, #tpu.memory_space<hbm>> -> memref<20000x128xf32, #tpu.memory_space<hbm>>
      tpu.enqueue_indirect_dma source(%dma_start3A_108 : memref<20000x128xf32, #tpu.memory_space<hbm>>) target(%arg15 : memref<32x128xf32, #tpu.memory_space<vmem>>) offsets(%arg10 : memref<32xi32, #tpu.memory_space<vmem>>) semaphore(%arg28 : memref<!tpu.dma_semaphore, #tpu.memory_space<semaphore_mem>>)
      %dma_wait3A_109 = arith.constant 0 : i32
      %dma_wait3A_110 = tpu.memref_slice %arg5[%dma_wait3A_109] : memref<160000xi32, #tpu.memory_space<hbm>> -> memref<32xi32, #tpu.memory_space<hbm>>
      %dma_wait3A_111 = arith.constant 0 : i32
      %dma_wait3A_112 = tpu.memref_slice %arg5[%dma_wait3A_111] : memref<160000xi32, #tpu.memory_space<hbm>> -> memref<32xi32, #tpu.memory_space<hbm>>
      tpu.wait_dma2 semaphore(%arg32 : memref<!tpu.dma_semaphore, #tpu.memory_space<semaphore_mem>>) src(%dma_wait3A_112 : memref<32xi32, #tpu.memory_space<hbm>>) dst(%arg17 : memref<32xi32, #tpu.memory_space<vmem>>)
      %dma_wait3A_113 = arith.constant 0 : i32
      %dma_wait3A_114 = tpu.memref_slice %arg6[%dma_wait3A_113] : memref<160000xi32, #tpu.memory_space<hbm>> -> memref<32xi32, #tpu.memory_space<hbm>>
      %dma_wait3A_115 = arith.constant 0 : i32
      %dma_wait3A_116 = tpu.memref_slice %arg6[%dma_wait3A_115] : memref<160000xi32, #tpu.memory_space<hbm>> -> memref<32xi32, #tpu.memory_space<hbm>>
      tpu.wait_dma2 semaphore(%arg32 : memref<!tpu.dma_semaphore, #tpu.memory_space<semaphore_mem>>) src(%dma_wait3A_116 : memref<32xi32, #tpu.memory_space<hbm>>) dst(%arg18 : memref<32xi32, #tpu.memory_space<vmem>>)
      %get3A_117 = arith.constant 0 : index
      %get3A_118 = tpu.vector_load %arg17[%get3A_117] {strides = array<i32>} : memref<32xi32, #tpu.memory_space<vmem>>, vector<16xi32>,
      %get3A_119 = arith.constant 0 : index
      %get3A_120 = tpu.vector_load %arg18[%get3A_119] {strides = array<i32>} : memref<32xi32, #tpu.memory_space<vmem>>, vector<16xi32>,
      %add3A_121 = vector.broadcast %mul3A_0 : i32 to vector<16xi32>
      %add3A_122 = arith.addi %get3A_118, %add3A_121 : vector<16xi32>
      %swap3A_123 = arith.constant 0 : index
      %swap3A_124 = tpu.vector_load %arg19[%swap3A_123] {strides = array<i32>} : memref<32xi32, #tpu.memory_space<vmem>>, vector<16xi32>,
      tpu.vector_store %arg19[%swap3A_123], %add3A_122 {strides = array<i32>} : memref<32xi32, #tpu.memory_space<vmem>>, vector<16xi32>,
      %add3A_125 = vector.broadcast %mul3A_0 : i32 to vector<16xi32>
      %add3A_126 = arith.addi %get3A_120, %add3A_125 : vector<16xi32>
      %swap3A_127 = arith.constant 0 : index
      %swap3A_128 = tpu.vector_load %arg20[%swap3A_127] {strides = array<i32>} : memref<32xi32, #tpu.memory_space<vmem>>, vector<16xi32>,
      tpu.vector_store %arg20[%swap3A_127], %add3A_126 {strides = array<i32>} : memref<32xi32, #tpu.memory_space<vmem>>, vector<16xi32>,
      %swap3A_129 = arith.constant 0 : index
      %swap3A_130 = tpu.vector_load %arg21[%swap3A_129] {strides = array<i32>} : memref<32xi32, #tpu.memory_space<vmem>>, vector<16xi32>,
      tpu.vector_store %arg21[%swap3A_129], %get3A_120 {strides = array<i32>} : memref<32xi32, #tpu.memory_space<vmem>>, vector<16xi32>,
      %get3A_131 = arith.constant 16 : index
      %get3A_132 = tpu.vector_load %arg17[%get3A_131] {strides = array<i32>} : memref<32xi32, #tpu.memory_space<vmem>>, vector<16xi32>,
      %get3A_133 = arith.constant 16 : index
      %get3A_134 = tpu.vector_load %arg18[%get3A_133] {strides = array<i32>} : memref<32xi32, #tpu.memory_space<vmem>>, vector<16xi32>,
      %add3A_135 = vector.broadcast %mul3A_0 : i32 to vector<16xi32>
      %add3A_136 = arith.addi %get3A_132, %add3A_135 : vector<16xi32>
      %swap3A_137 = arith.constant 16 : index
      %swap3A_138 = tpu.vector_load %arg19[%swap3A_137] {strides = array<i32>} : memref<32xi32, #tpu.memory_space<vmem>>, vector<16xi32>,
      tpu.vector_store %arg19[%swap3A_137], %add3A_136 {strides = array<i32>} : memref<32xi32, #tpu.memory_space<vmem>>, vector<16xi32>,
      %add3A_139 = vector.broadcast %mul3A_0 : i32 to vector<16xi32>
      %add3A_140 = arith.addi %get3A_134, %add3A_139 : vector<16xi32>
      %swap3A_141 = arith.constant 16 : index
      %swap3A_142 = tpu.vector_load %arg20[%swap3A_141] {strides = array<i32>} : memref<32xi32, #tpu.memory_space<vmem>>, vector<16xi32>,
      tpu.vector_store %arg20[%swap3A_141], %add3A_140 {strides = array<i32>} : memref<32xi32, #tpu.memory_space<vmem>>, vector<16xi32>,
      %swap3A_143 = arith.constant 16 : index
      %swap3A_144 = tpu.vector_load %arg21[%swap3A_143] {strides = array<i32>} : memref<32xi32, #tpu.memory_space<vmem>>, vector<16xi32>,
      tpu.vector_store %arg21[%swap3A_143], %get3A_134 {strides = array<i32>} : memref<32xi32, #tpu.memory_space<vmem>>, vector<16xi32>,
      %dma_start3A_145 = arith.constant 0 : i32
      %dma_start3A_146 = arith.constant 0 : i32
      %dma_start3A_147 = tpu.memref_slice %arg2[%dma_start3A_145, %dma_start3A_146] : memref<20000x128xf32, #tpu.memory_space<hbm>> -> memref<20000x128xf32, #tpu.memory_space<hbm>>
      tpu.enqueue_indirect_dma source(%dma_start3A_147 : memref<20000x128xf32, #tpu.memory_space<hbm>>) target(%arg22 : memref<32x128xf32, #tpu.memory_space<vmem>>) offsets(%arg20 : memref<32xi32, #tpu.memory_space<vmem>>) semaphore(%arg31 : memref<!tpu.dma_semaphore, #tpu.memory_space<semaphore_mem>>)
      %dma_start3A_148 = arith.constant 0 : i32
      %dma_start3A_149 = arith.constant 0 : i32
      %dma_start3A_150 = tpu.memref_slice %arg3[%dma_start3A_148, %dma_start3A_149] : memref<20000x128xf32, #tpu.memory_space<hbm>> -> memref<20000x128xf32, #tpu.memory_space<hbm>>
      tpu.enqueue_indirect_dma source(%dma_start3A_150 : memref<20000x128xf32, #tpu.memory_space<hbm>>) target(%arg23 : memref<32x128xf32, #tpu.memory_space<vmem>>) offsets(%arg19 : memref<32xi32, #tpu.memory_space<vmem>>) semaphore(%arg31 : memref<!tpu.dma_semaphore, #tpu.memory_space<semaphore_mem>>)
      %dma_start3A_151 = arith.constant 0 : i32
      %dma_start3A_152 = arith.constant 0 : i32
      %dma_start3A_153 = tpu.memref_slice %arg4[%dma_start3A_151, %dma_start3A_152] : memref<20000x128xf32, #tpu.memory_space<hbm>> -> memref<20000x128xf32, #tpu.memory_space<hbm>>
      tpu.enqueue_indirect_dma source(%dma_start3A_153 : memref<20000x128xf32, #tpu.memory_space<hbm>>) target(%arg24 : memref<32x128xf32, #tpu.memory_space<vmem>>) offsets(%arg19 : memref<32xi32, #tpu.memory_space<vmem>>) semaphore(%arg31 : memref<!tpu.dma_semaphore, #tpu.memory_space<semaphore_mem>>)
      %add3A_154 = arith.constant 2 : i32
      %add3A_155 = arith.addi %mul3A_65, %add3A_154 : i32
      %mul3A_156 = arith.constant 16 : i32
      %mul3A_157 = arith.muli %mul3A_156, %add3A_155 : i32
      %add3A_158 = arith.addi %arg1, %mul3A_157 : i32
      %min3A_159 = arith.constant 4999 : i32
      %min3A_160 = arith.minsi %add3A_158, %min3A_159 : i32
      %mul3A_161 = arith.constant 32 : i32
      %mul3A_162 = arith.muli %min3A_160, %mul3A_161 : i32
      %dma_start3A_163 = tpu.memref_slice %arg5[%mul3A_162] : memref<160000xi32, #tpu.memory_space<hbm>> -> memref<32xi32, #tpu.memory_space<hbm>>
      %dma_start3A_164 = tpu.memref_slice %arg5[%mul3A_162] : memref<160000xi32, #tpu.memory_space<hbm>> -> memref<32xi32, #tpu.memory_space<hbm>>
      tpu.enqueue_dma source(%dma_start3A_164 : memref<32xi32, #tpu.memory_space<hbm>>) target(%arg8 : memref<32xi32, #tpu.memory_space<vmem>>) target_semaphore(%arg29 : memref<!tpu.dma_semaphore, #tpu.memory_space<semaphore_mem>>)
      %dma_start3A_165 = tpu.memref_slice %arg6[%mul3A_162] : memref<160000xi32, #tpu.memory_space<hbm>> -> memref<32xi32, #tpu.memory_space<hbm>>
      %dma_start3A_166 = tpu.memref_slice %arg6[%mul3A_162] : memref<160000xi32, #tpu.memory_space<hbm>> -> memref<32xi32, #tpu.memory_space<hbm>>
      tpu.enqueue_dma source(%dma_start3A_166 : memref<32xi32, #tpu.memory_space<hbm>>) target(%arg9 : memref<32xi32, #tpu.memory_space<vmem>>) target_semaphore(%arg29 : memref<!tpu.dma_semaphore, #tpu.memory_space<semaphore_mem>>)
      %add3A_167 = arith.constant 3 : i32
      %add3A_168 = arith.addi %mul3A_65, %add3A_167 : i32
      %mul3A_169 = arith.constant 16 : i32
      %mul3A_170 = arith.muli %mul3A_169, %add3A_168 : i32
      %add3A_171 = arith.addi %arg1, %mul3A_170 : i32
      %min3A_172 = arith.constant 4999 : i32
      %min3A_173 = arith.minsi %add3A_171, %min3A_172 : i32
      %mul3A_174 = arith.constant 32 : i32
      %mul3A_175 = arith.muli %min3A_173, %mul3A_174 : i32
      %dma_start3A_176 = tpu.memref_slice %arg5[%mul3A_175] : memref<160000xi32, #tpu.memory_space<hbm>> -> memref<32xi32, #tpu.memory_space<hbm>>
      %dma_start3A_177 = tpu.memref_slice %arg5[%mul3A_175] : memref<160000xi32, #tpu.memory_space<hbm>> -> memref<32xi32, #tpu.memory_space<hbm>>
      tpu.enqueue_dma source(%dma_start3A_177 : memref<32xi32, #tpu.memory_space<hbm>>) target(%arg17 : memref<32xi32, #tpu.memory_space<vmem>>) target_semaphore(%arg32 : memref<!tpu.dma_semaphore, #tpu.memory_space<semaphore_mem>>)
      %dma_start3A_178 = tpu.memref_slice %arg6[%mul3A_175] : memref<160000xi32, #tpu.memory_space<hbm>> -> memref<32xi32, #tpu.memory_space<hbm>>
      %dma_start3A_179 = tpu.memref_slice %arg6[%mul3A_175] : memref<160000xi32, #tpu.memory_space<hbm>> -> memref<32xi32, #tpu.memory_space<hbm>>
      tpu.enqueue_dma source(%dma_start3A_179 : memref<32xi32, #tpu.memory_space<hbm>>) target(%arg18 : memref<32xi32, #tpu.memory_space<vmem>>) target_semaphore(%arg32 : memref<!tpu.dma_semaphore, #tpu.memory_space<semaphore_mem>>)
      %dma_wait3A_180 = arith.constant 0 : i32
      %dma_wait3A_181 = arith.constant 0 : i32
      %dma_wait3A_182 = tpu.memref_slice %arg2[%dma_wait3A_180, %dma_wait3A_181] : memref<20000x128xf32, #tpu.memory_space<hbm>> -> memref<20000x128xf32, #tpu.memory_space<hbm>>
      tpu.wait_indirect_dma semaphore(%arg28 : memref<!tpu.dma_semaphore, #tpu.memory_space<semaphore_mem>>) src(%dma_wait3A_182 : memref<20000x128xf32, #tpu.memory_space<hbm>>) dst(%arg13 : memref<32x128xf32, #tpu.memory_space<vmem>>)
      %dma_wait3A_183 = arith.constant 0 : i32
      %dma_wait3A_184 = arith.constant 0 : i32
      %dma_wait3A_185 = tpu.memref_slice %arg3[%dma_wait3A_183, %dma_wait3A_184] : memref<20000x128xf32, #tpu.memory_space<hbm>> -> memref<20000x128xf32, #tpu.memory_space<hbm>>
      tpu.wait_indirect_dma semaphore(%arg28 : memref<!tpu.dma_semaphore, #tpu.memory_space<semaphore_mem>>) src(%dma_wait3A_185 : memref<20000x128xf32, #tpu.memory_space<hbm>>) dst(%arg14 : memref<32x128xf32, #tpu.memory_space<vmem>>)
      %dma_wait3A_186 = arith.constant 0 : i32
      %dma_wait3A_187 = arith.constant 0 : i32
      %dma_wait3A_188 = tpu.memref_slice %arg4[%dma_wait3A_186, %dma_wait3A_187] : memref<20000x128xf32, #tpu.memory_space<hbm>> -> memref<20000x128xf32, #tpu.memory_space<hbm>>
      tpu.wait_indirect_dma semaphore(%arg28 : memref<!tpu.dma_semaphore, #tpu.memory_space<semaphore_mem>>) src(%dma_wait3A_188 : memref<20000x128xf32, #tpu.memory_space<hbm>>) dst(%arg15 : memref<32x128xf32, #tpu.memory_space<vmem>>)
      %mul3A_189 = arith.constant 16 : i32
      %mul3A_190 = arith.muli %mul3A_189, %mul3A_65 : i32
      %add3A_191 = arith.addi %arg1, %mul3A_190 : i32
      %lt3A = arith.constant 5000 : i32
      %lt3A_192 = arith.cmpi slt, %add3A_191, %lt3A : i32
      %jit3A = arith.constant 1.000000e+00 : f32
      %jit3A_193 = arith.constant 0.000000e+00 : f32
      %select_n3A = arith.select %lt3A_192, %jit3A, %jit3A_193 : f32
      %broadcast_in_dim3A_194 = vector.broadcast %select_n3A : f32 to vector<16xf32>
      %parallel_loop3A = arith.constant 0 : i32
      %parallel_loop3A_195 = arith.constant 32 : i32
      %parallel_loop3A_196 = arith.constant 1 : i32
      scf.for %parallel_loop3A_233 = %parallel_loop3A to %parallel_loop3A_195 step %parallel_loop3A_196  : i32 {
        %parallel_loop3A_234 = arith.index_cast %parallel_loop3A_233 : i32 to index
        %parallel_loop3A_235 = arith.constant 0 : index
        %parallel_loop3A_236 = tpu.vector_load %arg13[%parallel_loop3A_234, %parallel_loop3A_235] {strides = array<i32>} : memref<32x128xf32, #tpu.memory_space<vmem>>, vector<16xf32>,
        %parallel_loop3A_237 = arith.index_cast %parallel_loop3A_233 : i32 to index
        %parallel_loop3A_238 = arith.constant 0 : index
        %parallel_loop3A_239 = tpu.vector_load %arg14[%parallel_loop3A_237, %parallel_loop3A_238] {strides = array<i32>} : memref<32x128xf32, #tpu.memory_space<vmem>>, vector<16xf32>,
        %parallel_loop3A_240 = arith.mulf %parallel_loop3A_236, %parallel_loop3A_239 : vector<16xf32>
        %parallel_loop3A_241 = arith.index_cast %parallel_loop3A_233 : i32 to index
        %parallel_loop3A_242 = arith.constant 16 : index
        %parallel_loop3A_243 = tpu.vector_load %arg13[%parallel_loop3A_241, %parallel_loop3A_242] {strides = array<i32>} : memref<32x128xf32, #tpu.memory_space<vmem>>, vector<16xf32>,
        %parallel_loop3A_244 = arith.index_cast %parallel_loop3A_233 : i32 to index
        %parallel_loop3A_245 = arith.constant 16 : index
        %parallel_loop3A_246 = tpu.vector_load %arg14[%parallel_loop3A_244, %parallel_loop3A_245] {strides = array<i32>} : memref<32x128xf32, #tpu.memory_space<vmem>>, vector<16xf32>,
        %parallel_loop3A_247 = arith.mulf %parallel_loop3A_243, %parallel_loop3A_246 : vector<16xf32>
        %parallel_loop3A_248 = arith.index_cast %parallel_loop3A_233 : i32 to index
        %parallel_loop3A_249 = arith.constant 32 : index
        %parallel_loop3A_250 = tpu.vector_load %arg13[%parallel_loop3A_248, %parallel_loop3A_249] {strides = array<i32>} : memref<32x128xf32, #tpu.memory_space<vmem>>, vector<16xf32>,
        %parallel_loop3A_251 = arith.index_cast %parallel_loop3A_233 : i32 to index
        %parallel_loop3A_252 = arith.constant 32 : index
        %parallel_loop3A_253 = tpu.vector_load %arg14[%parallel_loop3A_251, %parallel_loop3A_252] {strides = array<i32>} : memref<32x128xf32, #tpu.memory_space<vmem>>, vector<16xf32>,
        %parallel_loop3A_254 = arith.mulf %parallel_loop3A_250, %parallel_loop3A_253 : vector<16xf32>
        %parallel_loop3A_255 = arith.index_cast %parallel_loop3A_233 : i32 to index
        %parallel_loop3A_256 = arith.constant 48 : index
        %parallel_loop3A_257 = tpu.vector_load %arg13[%parallel_loop3A_255, %parallel_loop3A_256] {strides = array<i32>} : memref<32x128xf32, #tpu.memory_space<vmem>>, vector<16xf32>,
        %parallel_loop3A_258 = arith.index_cast %parallel_loop3A_233 : i32 to index
        %parallel_loop3A_259 = arith.constant 48 : index
        %parallel_loop3A_260 = tpu.vector_load %arg14[%parallel_loop3A_258, %parallel_loop3A_259] {strides = array<i32>} : memref<32x128xf32, #tpu.memory_space<vmem>>, vector<16xf32>,
        %parallel_loop3A_261 = arith.mulf %parallel_loop3A_257, %parallel_loop3A_260 : vector<16xf32>
        %parallel_loop3A_262 = arith.index_cast %parallel_loop3A_233 : i32 to index
        %parallel_loop3A_263 = arith.constant 64 : index
        %parallel_loop3A_264 = tpu.vector_load %arg13[%parallel_loop3A_262, %parallel_loop3A_263] {strides = array<i32>} : memref<32x128xf32, #tpu.memory_space<vmem>>, vector<16xf32>,
        %parallel_loop3A_265 = arith.index_cast %parallel_loop3A_233 : i32 to index
        %parallel_loop3A_266 = arith.constant 64 : index
        %parallel_loop3A_267 = tpu.vector_load %arg14[%parallel_loop3A_265, %parallel_loop3A_266] {strides = array<i32>} : memref<32x128xf32, #tpu.memory_space<vmem>>, vector<16xf32>,
        %parallel_loop3A_268 = arith.mulf %parallel_loop3A_264, %parallel_loop3A_267 : vector<16xf32>
        %parallel_loop3A_269 = arith.index_cast %parallel_loop3A_233 : i32 to index
        %parallel_loop3A_270 = arith.constant 80 : index
        %parallel_loop3A_271 = tpu.vector_load %arg13[%parallel_loop3A_269, %parallel_loop3A_270] {strides = array<i32>} : memref<32x128xf32, #tpu.memory_space<vmem>>, vector<16xf32>,
        %parallel_loop3A_272 = arith.index_cast %parallel_loop3A_233 : i32 to index
        %parallel_loop3A_273 = arith.constant 80 : index
        %parallel_loop3A_274 = tpu.vector_load %arg14[%parallel_loop3A_272, %parallel_loop3A_273] {strides = array<i32>} : memref<32x128xf32, #tpu.memory_space<vmem>>, vector<16xf32>,
        %parallel_loop3A_275 = arith.mulf %parallel_loop3A_271, %parallel_loop3A_274 : vector<16xf32>
        %parallel_loop3A_276 = arith.index_cast %parallel_loop3A_233 : i32 to index
        %parallel_loop3A_277 = arith.constant 96 : index
        %parallel_loop3A_278 = tpu.vector_load %arg13[%parallel_loop3A_276, %parallel_loop3A_277] {strides = array<i32>} : memref<32x128xf32, #tpu.memory_space<vmem>>, vector<16xf32>,
        %parallel_loop3A_279 = arith.index_cast %parallel_loop3A_233 : i32 to index
        %parallel_loop3A_280 = arith.constant 96 : index
        %parallel_loop3A_281 = tpu.vector_load %arg14[%parallel_loop3A_279, %parallel_loop3A_280] {strides = array<i32>} : memref<32x128xf32, #tpu.memory_space<vmem>>, vector<16xf32>,
        %parallel_loop3A_282 = arith.mulf %parallel_loop3A_278, %parallel_loop3A_281 : vector<16xf32>
        %parallel_loop3A_283 = arith.index_cast %parallel_loop3A_233 : i32 to index
        %parallel_loop3A_284 = arith.constant 112 : index
        %parallel_loop3A_285 = tpu.vector_load %arg13[%parallel_loop3A_283, %parallel_loop3A_284] {strides = array<i32>} : memref<32x128xf32, #tpu.memory_space<vmem>>, vector<16xf32>,
        %parallel_loop3A_286 = arith.index_cast %parallel_loop3A_233 : i32 to index
        %parallel_loop3A_287 = arith.constant 112 : index
        %parallel_loop3A_288 = tpu.vector_load %arg14[%parallel_loop3A_286, %parallel_loop3A_287] {strides = array<i32>} : memref<32x128xf32, #tpu.memory_space<vmem>>, vector<16xf32>,
        %parallel_loop3A_289 = arith.mulf %parallel_loop3A_285, %parallel_loop3A_288 : vector<16xf32>
        %parallel_loop3A_290 = arith.addf %parallel_loop3A_240, %parallel_loop3A_247 : vector<16xf32>
        %parallel_loop3A_291 = arith.constant true
        %parallel_loop3A_292 = vector.broadcast %parallel_loop3A_291 : i1 to vector<16xi1>
        %parallel_loop3A_293 = tpu.scan <sum>, %parallel_loop3A_290 masked %parallel_loop3A_292 : vector<16xf32>, vector<16xi1> -> vector<16xf32>
        %parallel_loop3A_294 = vector.extract %parallel_loop3A_293[15] : f32 from vector<16xf32>
        %parallel_loop3A_295 = arith.constant 0.176776692 : f32
        %parallel_loop3A_296 = arith.mulf %parallel_loop3A_294, %parallel_loop3A_295 : f32
        %parallel_loop3A_297 = vector.broadcast %parallel_loop3A_296 : f32 to vector<16xf32>
        %parallel_loop3A_298 = math.exp %parallel_loop3A_297 : vector<16xf32>
        %parallel_loop3A_299 = arith.mulf %parallel_loop3A_298, %broadcast_in_dim3A_194 : vector<16xf32>
        %parallel_loop3A_300 = arith.index_cast %parallel_loop3A_233 : i32 to index
        %parallel_loop3A_301 = arith.constant 0 : index
        %parallel_loop3A_302 = tpu.vector_load %arg15[%parallel_loop3A_300, %parallel_loop3A_301] {strides = array<i32>} : memref<32x128xf32, #tpu.memory_space<vmem>>, vector<16xf32>,
        %parallel_loop3A_303 = arith.mulf %parallel_loop3A_299, %parallel_loop3A_302 : vector<16xf32>
        %parallel_loop3A_304 = arith.index_cast %parallel_loop3A_233 : i32 to index
        %parallel_loop3A_305 = arith.constant 0 : index
        %parallel_loop3A_306 = tpu.vector_load %arg16[%parallel_loop3A_304, %parallel_loop3A_305] {strides = array<i32>} : memref<32x144xf32, #tpu.memory_space<vmem>>, vector<16xf32>,
        tpu.vector_store %arg16[%parallel_loop3A_304, %parallel_loop3A_305], %parallel_loop3A_303 {strides = array<i32>} : memref<32x144xf32, #tpu.memory_space<vmem>>, vector<16xf32>,
        %parallel_loop3A_307 = arith.index_cast %parallel_loop3A_233 : i32 to index
        %parallel_loop3A_308 = arith.constant 16 : index
        %parallel_loop3A_309 = tpu.vector_load %arg15[%parallel_loop3A_307, %parallel_loop3A_308] {strides = array<i32>} : memref<32x128xf32, #tpu.memory_space<vmem>>, vector<16xf32>,
        %parallel_loop3A_310 = arith.mulf %parallel_loop3A_299, %parallel_loop3A_309 : vector<16xf32>
        %parallel_loop3A_311 = arith.index_cast %parallel_loop3A_233 : i32 to index
        %parallel_loop3A_312 = arith.constant 16 : index
        %parallel_loop3A_313 = tpu.vector_load %arg16[%parallel_loop3A_311, %parallel_loop3A_312] {strides = array<i32>} : memref<32x144xf32, #tpu.memory_space<vmem>>, vector<16xf32>,
        tpu.vector_store %arg16[%parallel_loop3A_311, %parallel_loop3A_312], %parallel_loop3A_310 {strides = array<i32>} : memref<32x144xf32, #tpu.memory_space<vmem>>, vector<16xf32>,
        %parallel_loop3A_314 = arith.addf %parallel_loop3A_254, %parallel_loop3A_261 : vector<16xf32>
        %parallel_loop3A_315 = arith.constant true
        %parallel_loop3A_316 = vector.broadcast %parallel_loop3A_315 : i1 to vector<16xi1>
        %parallel_loop3A_317 = tpu.scan <sum>, %parallel_loop3A_314 masked %parallel_loop3A_316 : vector<16xf32>, vector<16xi1> -> vector<16xf32>
        %parallel_loop3A_318 = vector.extract %parallel_loop3A_317[15] : f32 from vector<16xf32>
        %parallel_loop3A_319 = arith.constant 0.176776692 : f32
        %parallel_loop3A_320 = arith.mulf %parallel_loop3A_318, %parallel_loop3A_319 : f32
        %parallel_loop3A_321 = vector.broadcast %parallel_loop3A_320 : f32 to vector<16xf32>
        %parallel_loop3A_322 = math.exp %parallel_loop3A_321 : vector<16xf32>
        %parallel_loop3A_323 = arith.mulf %parallel_loop3A_322, %broadcast_in_dim3A_194 : vector<16xf32>
        %parallel_loop3A_324 = arith.index_cast %parallel_loop3A_233 : i32 to index
        %parallel_loop3A_325 = arith.constant 32 : index
        %parallel_loop3A_326 = tpu.vector_load %arg15[%parallel_loop3A_324, %parallel_loop3A_325] {strides = array<i32>} : memref<32x128xf32, #tpu.memory_space<vmem>>, vector<16xf32>,
        %parallel_loop3A_327 = arith.mulf %parallel_loop3A_323, %parallel_loop3A_326 : vector<16xf32>
        %parallel_loop3A_328 = arith.index_cast %parallel_loop3A_233 : i32 to index
        %parallel_loop3A_329 = arith.constant 32 : index
        %parallel_loop3A_330 = tpu.vector_load %arg16[%parallel_loop3A_328, %parallel_loop3A_329] {strides = array<i32>} : memref<32x144xf32, #tpu.memory_space<vmem>>, vector<16xf32>,
        tpu.vector_store %arg16[%parallel_loop3A_328, %parallel_loop3A_329], %parallel_loop3A_327 {strides = array<i32>} : memref<32x144xf32, #tpu.memory_space<vmem>>, vector<16xf32>,
        %parallel_loop3A_331 = arith.index_cast %parallel_loop3A_233 : i32 to index
        %parallel_loop3A_332 = arith.constant 48 : index
        %parallel_loop3A_333 = tpu.vector_load %arg15[%parallel_loop3A_331, %parallel_loop3A_332] {strides = array<i32>} : memref<32x128xf32, #tpu.memory_space<vmem>>, vector<16xf32>,
        %parallel_loop3A_334 = arith.mulf %parallel_loop3A_323, %parallel_loop3A_333 : vector<16xf32>
        %parallel_loop3A_335 = arith.index_cast %parallel_loop3A_233 : i32 to index
        %parallel_loop3A_336 = arith.constant 48 : index
        %parallel_loop3A_337 = tpu.vector_load %arg16[%parallel_loop3A_335, %parallel_loop3A_336] {strides = array<i32>} : memref<32x144xf32, #tpu.memory_space<vmem>>, vector<16xf32>,
        tpu.vector_store %arg16[%parallel_loop3A_335, %parallel_loop3A_336], %parallel_loop3A_334 {strides = array<i32>} : memref<32x144xf32, #tpu.memory_space<vmem>>, vector<16xf32>,
        %parallel_loop3A_338 = arith.addf %parallel_loop3A_268, %parallel_loop3A_275 : vector<16xf32>
        %parallel_loop3A_339 = arith.constant true
        %parallel_loop3A_340 = vector.broadcast %parallel_loop3A_339 : i1 to vector<16xi1>
        %parallel_loop3A_341 = tpu.scan <sum>, %parallel_loop3A_338 masked %parallel_loop3A_340 : vector<16xf32>, vector<16xi1> -> vector<16xf32>
        %parallel_loop3A_342 = vector.extract %parallel_loop3A_341[15] : f32 from vector<16xf32>
        %parallel_loop3A_343 = arith.constant 0.176776692 : f32
        %parallel_loop3A_344 = arith.mulf %parallel_loop3A_342, %parallel_loop3A_343 : f32
        %parallel_loop3A_345 = vector.broadcast %parallel_loop3A_344 : f32 to vector<16xf32>
        %parallel_loop3A_346 = math.exp %parallel_loop3A_345 : vector<16xf32>
        %parallel_loop3A_347 = arith.mulf %parallel_loop3A_346, %broadcast_in_dim3A_194 : vector<16xf32>
        %parallel_loop3A_348 = arith.index_cast %parallel_loop3A_233 : i32 to index
        %parallel_loop3A_349 = arith.constant 64 : index
        %parallel_loop3A_350 = tpu.vector_load %arg15[%parallel_loop3A_348, %parallel_loop3A_349] {strides = array<i32>} : memref<32x128xf32, #tpu.memory_space<vmem>>, vector<16xf32>,
        %parallel_loop3A_351 = arith.mulf %parallel_loop3A_347, %parallel_loop3A_350 : vector<16xf32>
        %parallel_loop3A_352 = arith.index_cast %parallel_loop3A_233 : i32 to index
        %parallel_loop3A_353 = arith.constant 64 : index
        %parallel_loop3A_354 = tpu.vector_load %arg16[%parallel_loop3A_352, %parallel_loop3A_353] {strides = array<i32>} : memref<32x144xf32, #tpu.memory_space<vmem>>, vector<16xf32>,
        tpu.vector_store %arg16[%parallel_loop3A_352, %parallel_loop3A_353], %parallel_loop3A_351 {strides = array<i32>} : memref<32x144xf32, #tpu.memory_space<vmem>>, vector<16xf32>,
        %parallel_loop3A_355 = arith.index_cast %parallel_loop3A_233 : i32 to index
        %parallel_loop3A_356 = arith.constant 80 : index
        %parallel_loop3A_357 = tpu.vector_load %arg15[%parallel_loop3A_355, %parallel_loop3A_356] {strides = array<i32>} : memref<32x128xf32, #tpu.memory_space<vmem>>, vector<16xf32>,
        %parallel_loop3A_358 = arith.mulf %parallel_loop3A_347, %parallel_loop3A_357 : vector<16xf32>
        %parallel_loop3A_359 = arith.index_cast %parallel_loop3A_233 : i32 to index
        %parallel_loop3A_360 = arith.constant 80 : index
        %parallel_loop3A_361 = tpu.vector_load %arg16[%parallel_loop3A_359, %parallel_loop3A_360] {strides = array<i32>} : memref<32x144xf32, #tpu.memory_space<vmem>>, vector<16xf32>,
        tpu.vector_store %arg16[%parallel_loop3A_359, %parallel_loop3A_360], %parallel_loop3A_358 {strides = array<i32>} : memref<32x144xf32, #tpu.memory_space<vmem>>, vector<16xf32>,
        %parallel_loop3A_362 = arith.addf %parallel_loop3A_282, %parallel_loop3A_289 : vector<16xf32>
        %parallel_loop3A_363 = arith.constant true
        %parallel_loop3A_364 = vector.broadcast %parallel_loop3A_363 : i1 to vector<16xi1>
        %parallel_loop3A_365 = tpu.scan <sum>, %parallel_loop3A_362 masked %parallel_loop3A_364 : vector<16xf32>, vector<16xi1> -> vector<16xf32>
        %parallel_loop3A_366 = vector.extract %parallel_loop3A_365[15] : f32 from vector<16xf32>
        %parallel_loop3A_367 = arith.constant 0.176776692 : f32
        %parallel_loop3A_368 = arith.mulf %parallel_loop3A_366, %parallel_loop3A_367 : f32
        %parallel_loop3A_369 = vector.broadcast %parallel_loop3A_368 : f32 to vector<16xf32>
        %parallel_loop3A_370 = math.exp %parallel_loop3A_369 : vector<16xf32>
        %parallel_loop3A_371 = arith.mulf %parallel_loop3A_370, %broadcast_in_dim3A_194 : vector<16xf32>
        %parallel_loop3A_372 = arith.index_cast %parallel_loop3A_233 : i32 to index
        %parallel_loop3A_373 = arith.constant 96 : index
        %parallel_loop3A_374 = tpu.vector_load %arg15[%parallel_loop3A_372, %parallel_loop3A_373] {strides = array<i32>} : memref<32x128xf32, #tpu.memory_space<vmem>>, vector<16xf32>,
        %parallel_loop3A_375 = arith.mulf %parallel_loop3A_371, %parallel_loop3A_374 : vector<16xf32>
        %parallel_loop3A_376 = arith.index_cast %parallel_loop3A_233 : i32 to index
        %parallel_loop3A_377 = arith.constant 96 : index
        %parallel_loop3A_378 = tpu.vector_load %arg16[%parallel_loop3A_376, %parallel_loop3A_377] {strides = array<i32>} : memref<32x144xf32, #tpu.memory_space<vmem>>, vector<16xf32>,
        tpu.vector_store %arg16[%parallel_loop3A_376, %parallel_loop3A_377], %parallel_loop3A_375 {strides = array<i32>} : memref<32x144xf32, #tpu.memory_space<vmem>>, vector<16xf32>,
        %parallel_loop3A_379 = arith.index_cast %parallel_loop3A_233 : i32 to index
        %parallel_loop3A_380 = arith.constant 112 : index
        %parallel_loop3A_381 = tpu.vector_load %arg15[%parallel_loop3A_379, %parallel_loop3A_380] {strides = array<i32>} : memref<32x128xf32, #tpu.memory_space<vmem>>, vector<16xf32>,
        %parallel_loop3A_382 = arith.mulf %parallel_loop3A_371, %parallel_loop3A_381 : vector<16xf32>
        %parallel_loop3A_383 = arith.index_cast %parallel_loop3A_233 : i32 to index
        %parallel_loop3A_384 = arith.constant 112 : index
        %parallel_loop3A_385 = tpu.vector_load %arg16[%parallel_loop3A_383, %parallel_loop3A_384] {strides = array<i32>} : memref<32x144xf32, #tpu.memory_space<vmem>>, vector<16xf32>,
        tpu.vector_store %arg16[%parallel_loop3A_383, %parallel_loop3A_384], %parallel_loop3A_382 {strides = array<i32>} : memref<32x144xf32, #tpu.memory_space<vmem>>, vector<16xf32>,
        %parallel_loop3A_386 = arith.constant 0 : i32
        %parallel_loop3A_387 = vector.broadcast %parallel_loop3A_386 : i32 to vector<16xi32>
        %parallel_loop3A_388 = arith.cmpi eq, %iota3A, %parallel_loop3A_387 : vector<16xi32>
        %parallel_loop3A_389 = arith.constant 1 : i32
        %parallel_loop3A_390 = vector.broadcast %parallel_loop3A_389 : i32 to vector<16xi32>
        %parallel_loop3A_391 = arith.cmpi eq, %iota3A, %parallel_loop3A_390 : vector<16xi32>
        %parallel_loop3A_392 = arith.constant 2 : i32
        %parallel_loop3A_393 = vector.broadcast %parallel_loop3A_392 : i32 to vector<16xi32>
        %parallel_loop3A_394 = arith.cmpi eq, %iota3A, %parallel_loop3A_393 : vector<16xi32>
        %parallel_loop3A_395 = arith.constant 3 : i32
        %parallel_loop3A_396 = vector.broadcast %parallel_loop3A_395 : i32 to vector<16xi32>
        %parallel_loop3A_397 = arith.cmpi eq, %iota3A, %parallel_loop3A_396 : vector<16xi32>
        %parallel_loop3A_398 = arith.select %parallel_loop3A_397, %parallel_loop3A_371, %broadcast_in_dim3A_1 : vector<16xi1>, vector<16xf32>
        %parallel_loop3A_399 = arith.select %parallel_loop3A_394, %parallel_loop3A_347, %parallel_loop3A_398 : vector<16xi1>, vector<16xf32>
        %parallel_loop3A_400 = arith.select %parallel_loop3A_391, %parallel_loop3A_323, %parallel_loop3A_399 : vector<16xi1>, vector<16xf32>
        %parallel_loop3A_401 = arith.select %parallel_loop3A_388, %parallel_loop3A_299, %parallel_loop3A_400 : vector<16xi1>, vector<16xf32>
        %parallel_loop3A_402 = arith.index_cast %parallel_loop3A_233 : i32 to index
        %parallel_loop3A_403 = arith.constant 128 : index
        %parallel_loop3A_404 = tpu.vector_load %arg16[%parallel_loop3A_402, %parallel_loop3A_403] {strides = array<i32>} : memref<32x144xf32, #tpu.memory_space<vmem>>, vector<16xf32>,
        tpu.vector_store %arg16[%parallel_loop3A_402, %parallel_loop3A_403], %parallel_loop3A_401 {strides = array<i32>} : memref<32x144xf32, #tpu.memory_space<vmem>>, vector<16xf32>,
      } {sc.loop_unroll_factor = 4 : i64, sc.parallel_access}
      %dma_start3A_197 = arith.constant 0 : i32
      %dma_start3A_198 = arith.constant 0 : i32
      %dma_start3A_199 = tpu.memref_slice %arg27[%dma_start3A_197, %dma_start3A_198] : memref<10000x144xf32, #tpu.memory_space<vmem_shared>> -> memref<10000x144xf32, #tpu.memory_space<vmem_shared>>
      tpu.enqueue_indirect_dma source(%arg16 : memref<32x144xf32, #tpu.memory_space<vmem>>) target(%dma_start3A_199 : memref<10000x144xf32, #tpu.memory_space<vmem_shared>>) offsets(%arg12 : memref<32xi32, #tpu.memory_space<vmem>>) semaphore(%arg30 : memref<!tpu.dma_semaphore, #tpu.memory_space<semaphore_mem>>) {add = true}
      %dma_wait3A_200 = arith.constant 0 : i32
      %dma_wait3A_201 = arith.constant 0 : i32
      %dma_wait3A_202 = tpu.memref_slice %arg2[%dma_wait3A_200, %dma_wait3A_201] : memref<20000x128xf32, #tpu.memory_space<hbm>> -> memref<20000x128xf32, #tpu.memory_space<hbm>>
      tpu.wait_indirect_dma semaphore(%arg31 : memref<!tpu.dma_semaphore, #tpu.memory_space<semaphore_mem>>) src(%dma_wait3A_202 : memref<20000x128xf32, #tpu.memory_space<hbm>>) dst(%arg22 : memref<32x128xf32, #tpu.memory_space<vmem>>)
      %dma_wait3A_203 = arith.constant 0 : i32
      %dma_wait3A_204 = arith.constant 0 : i32
      %dma_wait3A_205 = tpu.memref_slice %arg3[%dma_wait3A_203, %dma_wait3A_204] : memref<20000x128xf32, #tpu.memory_space<hbm>> -> memref<20000x128xf32, #tpu.memory_space<hbm>>
      tpu.wait_indirect_dma semaphore(%arg31 : memref<!tpu.dma_semaphore, #tpu.memory_space<semaphore_mem>>) src(%dma_wait3A_205 : memref<20000x128xf32, #tpu.memory_space<hbm>>) dst(%arg23 : memref<32x128xf32, #tpu.memory_space<vmem>>)
      %dma_wait3A_206 = arith.constant 0 : i32
      %dma_wait3A_207 = arith.constant 0 : i32
      %dma_wait3A_208 = tpu.memref_slice %arg4[%dma_wait3A_206, %dma_wait3A_207] : memref<20000x128xf32, #tpu.memory_space<hbm>> -> memref<20000x128xf32, #tpu.memory_space<hbm>>
      tpu.wait_indirect_dma semaphore(%arg31 : memref<!tpu.dma_semaphore, #tpu.memory_space<semaphore_mem>>) src(%dma_wait3A_208 : memref<20000x128xf32, #tpu.memory_space<hbm>>) dst(%arg24 : memref<32x128xf32, #tpu.memory_space<vmem>>)
      %add3A_209 = arith.constant 1 : i32
      %add3A_210 = arith.addi %mul3A_65, %add3A_209 : i32
      %mul3A_211 = arith.constant 16 : i32
      %mul3A_212 = arith.muli %mul3A_211, %add3A_210 : i32
      %add3A_213 = arith.addi %arg1, %mul3A_212 : i32
      %lt3A_214 = arith.constant 5000 : i32
      %lt3A_215 = arith.cmpi slt, %add3A_213, %lt3A_214 : i32
      %jit3A_216 = arith.constant 1.000000e+00 : f32
      %jit3A_217 = arith.constant 0.000000e+00 : f32
      %select_n3A_218 = arith.select %lt3A_215, %jit3A_216, %jit3A_217 : f32
      %broadcast_in_dim3A_219 = vector.broadcast %select_n3A_218 : f32 to vector<16xf32>
      %parallel_loop3A_220 = arith.constant 0 : i32
      %parallel_loop3A_221 = arith.constant 32 : i32
      %parallel_loop3A_222 = arith.constant 1 : i32
      scf.for %parallel_loop3A_233 = %parallel_loop3A_220 to %parallel_loop3A_221 step %parallel_loop3A_222  : i32 {
        %parallel_loop3A_234 = arith.index_cast %parallel_loop3A_233 : i32 to index
        %parallel_loop3A_235 = arith.constant 0 : index
        %parallel_loop3A_236 = tpu.vector_load %arg22[%parallel_loop3A_234, %parallel_loop3A_235] {strides = array<i32>} : memref<32x128xf32, #tpu.memory_space<vmem>>, vector<16xf32>,
        %parallel_loop3A_237 = arith.index_cast %parallel_loop3A_233 : i32 to index
        %parallel_loop3A_238 = arith.constant 0 : index
        %parallel_loop3A_239 = tpu.vector_load %arg23[%parallel_loop3A_237, %parallel_loop3A_238] {strides = array<i32>} : memref<32x128xf32, #tpu.memory_space<vmem>>, vector<16xf32>,
        %parallel_loop3A_240 = arith.mulf %parallel_loop3A_236, %parallel_loop3A_239 : vector<16xf32>
        %parallel_loop3A_241 = arith.index_cast %parallel_loop3A_233 : i32 to index
        %parallel_loop3A_242 = arith.constant 16 : index
        %parallel_loop3A_243 = tpu.vector_load %arg22[%parallel_loop3A_241, %parallel_loop3A_242] {strides = array<i32>} : memref<32x128xf32, #tpu.memory_space<vmem>>, vector<16xf32>,
        %parallel_loop3A_244 = arith.index_cast %parallel_loop3A_233 : i32 to index
        %parallel_loop3A_245 = arith.constant 16 : index
        %parallel_loop3A_246 = tpu.vector_load %arg23[%parallel_loop3A_244, %parallel_loop3A_245] {strides = array<i32>} : memref<32x128xf32, #tpu.memory_space<vmem>>, vector<16xf32>,
        %parallel_loop3A_247 = arith.mulf %parallel_loop3A_243, %parallel_loop3A_246 : vector<16xf32>
        %parallel_loop3A_248 = arith.index_cast %parallel_loop3A_233 : i32 to index
        %parallel_loop3A_249 = arith.constant 32 : index
        %parallel_loop3A_250 = tpu.vector_load %arg22[%parallel_loop3A_248, %parallel_loop3A_249] {strides = array<i32>} : memref<32x128xf32, #tpu.memory_space<vmem>>, vector<16xf32>,
        %parallel_loop3A_251 = arith.index_cast %parallel_loop3A_233 : i32 to index
        %parallel_loop3A_252 = arith.constant 32 : index
        %parallel_loop3A_253 = tpu.vector_load %arg23[%parallel_loop3A_251, %parallel_loop3A_252] {strides = array<i32>} : memref<32x128xf32, #tpu.memory_space<vmem>>, vector<16xf32>,
        %parallel_loop3A_254 = arith.mulf %parallel_loop3A_250, %parallel_loop3A_253 : vector<16xf32>
        %parallel_loop3A_255 = arith.index_cast %parallel_loop3A_233 : i32 to index
        %parallel_loop3A_256 = arith.constant 48 : index
        %parallel_loop3A_257 = tpu.vector_load %arg22[%parallel_loop3A_255, %parallel_loop3A_256] {strides = array<i32>} : memref<32x128xf32, #tpu.memory_space<vmem>>, vector<16xf32>,
        %parallel_loop3A_258 = arith.index_cast %parallel_loop3A_233 : i32 to index
        %parallel_loop3A_259 = arith.constant 48 : index
        %parallel_loop3A_260 = tpu.vector_load %arg23[%parallel_loop3A_258, %parallel_loop3A_259] {strides = array<i32>} : memref<32x128xf32, #tpu.memory_space<vmem>>, vector<16xf32>,
        %parallel_loop3A_261 = arith.mulf %parallel_loop3A_257, %parallel_loop3A_260 : vector<16xf32>
        %parallel_loop3A_262 = arith.index_cast %parallel_loop3A_233 : i32 to index
        %parallel_loop3A_263 = arith.constant 64 : index
        %parallel_loop3A_264 = tpu.vector_load %arg22[%parallel_loop3A_262, %parallel_loop3A_263] {strides = array<i32>} : memref<32x128xf32, #tpu.memory_space<vmem>>, vector<16xf32>,
        %parallel_loop3A_265 = arith.index_cast %parallel_loop3A_233 : i32 to index
        %parallel_loop3A_266 = arith.constant 64 : index
        %parallel_loop3A_267 = tpu.vector_load %arg23[%parallel_loop3A_265, %parallel_loop3A_266] {strides = array<i32>} : memref<32x128xf32, #tpu.memory_space<vmem>>, vector<16xf32>,
        %parallel_loop3A_268 = arith.mulf %parallel_loop3A_264, %parallel_loop3A_267 : vector<16xf32>
        %parallel_loop3A_269 = arith.index_cast %parallel_loop3A_233 : i32 to index
        %parallel_loop3A_270 = arith.constant 80 : index
        %parallel_loop3A_271 = tpu.vector_load %arg22[%parallel_loop3A_269, %parallel_loop3A_270] {strides = array<i32>} : memref<32x128xf32, #tpu.memory_space<vmem>>, vector<16xf32>,
        %parallel_loop3A_272 = arith.index_cast %parallel_loop3A_233 : i32 to index
        %parallel_loop3A_273 = arith.constant 80 : index
        %parallel_loop3A_274 = tpu.vector_load %arg23[%parallel_loop3A_272, %parallel_loop3A_273] {strides = array<i32>} : memref<32x128xf32, #tpu.memory_space<vmem>>, vector<16xf32>,
        %parallel_loop3A_275 = arith.mulf %parallel_loop3A_271, %parallel_loop3A_274 : vector<16xf32>
        %parallel_loop3A_276 = arith.index_cast %parallel_loop3A_233 : i32 to index
        %parallel_loop3A_277 = arith.constant 96 : index
        %parallel_loop3A_278 = tpu.vector_load %arg22[%parallel_loop3A_276, %parallel_loop3A_277] {strides = array<i32>} : memref<32x128xf32, #tpu.memory_space<vmem>>, vector<16xf32>,
        %parallel_loop3A_279 = arith.index_cast %parallel_loop3A_233 : i32 to index
        %parallel_loop3A_280 = arith.constant 96 : index
        %parallel_loop3A_281 = tpu.vector_load %arg23[%parallel_loop3A_279, %parallel_loop3A_280] {strides = array<i32>} : memref<32x128xf32, #tpu.memory_space<vmem>>, vector<16xf32>,
        %parallel_loop3A_282 = arith.mulf %parallel_loop3A_278, %parallel_loop3A_281 : vector<16xf32>
        %parallel_loop3A_283 = arith.index_cast %parallel_loop3A_233 : i32 to index
        %parallel_loop3A_284 = arith.constant 112 : index
        %parallel_loop3A_285 = tpu.vector_load %arg22[%parallel_loop3A_283, %parallel_loop3A_284] {strides = array<i32>} : memref<32x128xf32, #tpu.memory_space<vmem>>, vector<16xf32>,
        %parallel_loop3A_286 = arith.index_cast %parallel_loop3A_233 : i32 to index
        %parallel_loop3A_287 = arith.constant 112 : index
        %parallel_loop3A_288 = tpu.vector_load %arg23[%parallel_loop3A_286, %parallel_loop3A_287] {strides = array<i32>} : memref<32x128xf32, #tpu.memory_space<vmem>>, vector<16xf32>,
        %parallel_loop3A_289 = arith.mulf %parallel_loop3A_285, %parallel_loop3A_288 : vector<16xf32>
        %parallel_loop3A_290 = arith.addf %parallel_loop3A_240, %parallel_loop3A_247 : vector<16xf32>
        %parallel_loop3A_291 = arith.constant true
        %parallel_loop3A_292 = vector.broadcast %parallel_loop3A_291 : i1 to vector<16xi1>
        %parallel_loop3A_293 = tpu.scan <sum>, %parallel_loop3A_290 masked %parallel_loop3A_292 : vector<16xf32>, vector<16xi1> -> vector<16xf32>
        %parallel_loop3A_294 = vector.extract %parallel_loop3A_293[15] : f32 from vector<16xf32>
        %parallel_loop3A_295 = arith.constant 0.176776692 : f32
        %parallel_loop3A_296 = arith.mulf %parallel_loop3A_294, %parallel_loop3A_295 : f32
        %parallel_loop3A_297 = vector.broadcast %parallel_loop3A_296 : f32 to vector<16xf32>
        %parallel_loop3A_298 = math.exp %parallel_loop3A_297 : vector<16xf32>
        %parallel_loop3A_299 = arith.mulf %parallel_loop3A_298, %broadcast_in_dim3A_219 : vector<16xf32>
        %parallel_loop3A_300 = arith.index_cast %parallel_loop3A_233 : i32 to index
        %parallel_loop3A_301 = arith.constant 0 : index
        %parallel_loop3A_302 = tpu.vector_load %arg24[%parallel_loop3A_300, %parallel_loop3A_301] {strides = array<i32>} : memref<32x128xf32, #tpu.memory_space<vmem>>, vector<16xf32>,
        %parallel_loop3A_303 = arith.mulf %parallel_loop3A_299, %parallel_loop3A_302 : vector<16xf32>
        %parallel_loop3A_304 = arith.index_cast %parallel_loop3A_233 : i32 to index
        %parallel_loop3A_305 = arith.constant 0 : index
        %parallel_loop3A_306 = tpu.vector_load %arg25[%parallel_loop3A_304, %parallel_loop3A_305] {strides = array<i32>} : memref<32x144xf32, #tpu.memory_space<vmem>>, vector<16xf32>,
        tpu.vector_store %arg25[%parallel_loop3A_304, %parallel_loop3A_305], %parallel_loop3A_303 {strides = array<i32>} : memref<32x144xf32, #tpu.memory_space<vmem>>, vector<16xf32>,
        %parallel_loop3A_307 = arith.index_cast %parallel_loop3A_233 : i32 to index
        %parallel_loop3A_308 = arith.constant 16 : index
        %parallel_loop3A_309 = tpu.vector_load %arg24[%parallel_loop3A_307, %parallel_loop3A_308] {strides = array<i32>} : memref<32x128xf32, #tpu.memory_space<vmem>>, vector<16xf32>,
        %parallel_loop3A_310 = arith.mulf %parallel_loop3A_299, %parallel_loop3A_309 : vector<16xf32>
        %parallel_loop3A_311 = arith.index_cast %parallel_loop3A_233 : i32 to index
        %parallel_loop3A_312 = arith.constant 16 : index
        %parallel_loop3A_313 = tpu.vector_load %arg25[%parallel_loop3A_311, %parallel_loop3A_312] {strides = array<i32>} : memref<32x144xf32, #tpu.memory_space<vmem>>, vector<16xf32>,
        tpu.vector_store %arg25[%parallel_loop3A_311, %parallel_loop3A_312], %parallel_loop3A_310 {strides = array<i32>} : memref<32x144xf32, #tpu.memory_space<vmem>>, vector<16xf32>,
        %parallel_loop3A_314 = arith.addf %parallel_loop3A_254, %parallel_loop3A_261 : vector<16xf32>
        %parallel_loop3A_315 = arith.constant true
        %parallel_loop3A_316 = vector.broadcast %parallel_loop3A_315 : i1 to vector<16xi1>
        %parallel_loop3A_317 = tpu.scan <sum>, %parallel_loop3A_314 masked %parallel_loop3A_316 : vector<16xf32>, vector<16xi1> -> vector<16xf32>
        %parallel_loop3A_318 = vector.extract %parallel_loop3A_317[15] : f32 from vector<16xf32>
        %parallel_loop3A_319 = arith.constant 0.176776692 : f32
        %parallel_loop3A_320 = arith.mulf %parallel_loop3A_318, %parallel_loop3A_319 : f32
        %parallel_loop3A_321 = vector.broadcast %parallel_loop3A_320 : f32 to vector<16xf32>
        %parallel_loop3A_322 = math.exp %parallel_loop3A_321 : vector<16xf32>
        %parallel_loop3A_323 = arith.mulf %parallel_loop3A_322, %broadcast_in_dim3A_219 : vector<16xf32>
        %parallel_loop3A_324 = arith.index_cast %parallel_loop3A_233 : i32 to index
        %parallel_loop3A_325 = arith.constant 32 : index
        %parallel_loop3A_326 = tpu.vector_load %arg24[%parallel_loop3A_324, %parallel_loop3A_325] {strides = array<i32>} : memref<32x128xf32, #tpu.memory_space<vmem>>, vector<16xf32>,
        %parallel_loop3A_327 = arith.mulf %parallel_loop3A_323, %parallel_loop3A_326 : vector<16xf32>
        %parallel_loop3A_328 = arith.index_cast %parallel_loop3A_233 : i32 to index
        %parallel_loop3A_329 = arith.constant 32 : index
        %parallel_loop3A_330 = tpu.vector_load %arg25[%parallel_loop3A_328, %parallel_loop3A_329] {strides = array<i32>} : memref<32x144xf32, #tpu.memory_space<vmem>>, vector<16xf32>,
        tpu.vector_store %arg25[%parallel_loop3A_328, %parallel_loop3A_329], %parallel_loop3A_327 {strides = array<i32>} : memref<32x144xf32, #tpu.memory_space<vmem>>, vector<16xf32>,
        %parallel_loop3A_331 = arith.index_cast %parallel_loop3A_233 : i32 to index
        %parallel_loop3A_332 = arith.constant 48 : index
        %parallel_loop3A_333 = tpu.vector_load %arg24[%parallel_loop3A_331, %parallel_loop3A_332] {strides = array<i32>} : memref<32x128xf32, #tpu.memory_space<vmem>>, vector<16xf32>,
        %parallel_loop3A_334 = arith.mulf %parallel_loop3A_323, %parallel_loop3A_333 : vector<16xf32>
        %parallel_loop3A_335 = arith.index_cast %parallel_loop3A_233 : i32 to index
        %parallel_loop3A_336 = arith.constant 48 : index
        %parallel_loop3A_337 = tpu.vector_load %arg25[%parallel_loop3A_335, %parallel_loop3A_336] {strides = array<i32>} : memref<32x144xf32, #tpu.memory_space<vmem>>, vector<16xf32>,
        tpu.vector_store %arg25[%parallel_loop3A_335, %parallel_loop3A_336], %parallel_loop3A_334 {strides = array<i32>} : memref<32x144xf32, #tpu.memory_space<vmem>>, vector<16xf32>,
        %parallel_loop3A_338 = arith.addf %parallel_loop3A_268, %parallel_loop3A_275 : vector<16xf32>
        %parallel_loop3A_339 = arith.constant true
        %parallel_loop3A_340 = vector.broadcast %parallel_loop3A_339 : i1 to vector<16xi1>
        %parallel_loop3A_341 = tpu.scan <sum>, %parallel_loop3A_338 masked %parallel_loop3A_340 : vector<16xf32>, vector<16xi1> -> vector<16xf32>
        %parallel_loop3A_342 = vector.extract %parallel_loop3A_341[15] : f32 from vector<16xf32>
        %parallel_loop3A_343 = arith.constant 0.176776692 : f32
        %parallel_loop3A_344 = arith.mulf %parallel_loop3A_342, %parallel_loop3A_343 : f32
        %parallel_loop3A_345 = vector.broadcast %parallel_loop3A_344 : f32 to vector<16xf32>
        %parallel_loop3A_346 = math.exp %parallel_loop3A_345 : vector<16xf32>
        %parallel_loop3A_347 = arith.mulf %parallel_loop3A_346, %broadcast_in_dim3A_219 : vector<16xf32>
        %parallel_loop3A_348 = arith.index_cast %parallel_loop3A_233 : i32 to index
        %parallel_loop3A_349 = arith.constant 64 : index
        %parallel_loop3A_350 = tpu.vector_load %arg24[%parallel_loop3A_348, %parallel_loop3A_349] {strides = array<i32>} : memref<32x128xf32, #tpu.memory_space<vmem>>, vector<16xf32>,
        %parallel_loop3A_351 = arith.mulf %parallel_loop3A_347, %parallel_loop3A_350 : vector<16xf32>
        %parallel_loop3A_352 = arith.index_cast %parallel_loop3A_233 : i32 to index
        %parallel_loop3A_353 = arith.constant 64 : index
        %parallel_loop3A_354 = tpu.vector_load %arg25[%parallel_loop3A_352, %parallel_loop3A_353] {strides = array<i32>} : memref<32x144xf32, #tpu.memory_space<vmem>>, vector<16xf32>,
        tpu.vector_store %arg25[%parallel_loop3A_352, %parallel_loop3A_353], %parallel_loop3A_351 {strides = array<i32>} : memref<32x144xf32, #tpu.memory_space<vmem>>, vector<16xf32>,
        %parallel_loop3A_355 = arith.index_cast %parallel_loop3A_233 : i32 to index
        %parallel_loop3A_356 = arith.constant 80 : index
        %parallel_loop3A_357 = tpu.vector_load %arg24[%parallel_loop3A_355, %parallel_loop3A_356] {strides = array<i32>} : memref<32x128xf32, #tpu.memory_space<vmem>>, vector<16xf32>,
        %parallel_loop3A_358 = arith.mulf %parallel_loop3A_347, %parallel_loop3A_357 : vector<16xf32>
        %parallel_loop3A_359 = arith.index_cast %parallel_loop3A_233 : i32 to index
        %parallel_loop3A_360 = arith.constant 80 : index
        %parallel_loop3A_361 = tpu.vector_load %arg25[%parallel_loop3A_359, %parallel_loop3A_360] {strides = array<i32>} : memref<32x144xf32, #tpu.memory_space<vmem>>, vector<16xf32>,
        tpu.vector_store %arg25[%parallel_loop3A_359, %parallel_loop3A_360], %parallel_loop3A_358 {strides = array<i32>} : memref<32x144xf32, #tpu.memory_space<vmem>>, vector<16xf32>,
        %parallel_loop3A_362 = arith.addf %parallel_loop3A_282, %parallel_loop3A_289 : vector<16xf32>
        %parallel_loop3A_363 = arith.constant true
        %parallel_loop3A_364 = vector.broadcast %parallel_loop3A_363 : i1 to vector<16xi1>
        %parallel_loop3A_365 = tpu.scan <sum>, %parallel_loop3A_362 masked %parallel_loop3A_364 : vector<16xf32>, vector<16xi1> -> vector<16xf32>
        %parallel_loop3A_366 = vector.extract %parallel_loop3A_365[15] : f32 from vector<16xf32>
        %parallel_loop3A_367 = arith.constant 0.176776692 : f32
        %parallel_loop3A_368 = arith.mulf %parallel_loop3A_366, %parallel_loop3A_367 : f32
        %parallel_loop3A_369 = vector.broadcast %parallel_loop3A_368 : f32 to vector<16xf32>
        %parallel_loop3A_370 = math.exp %parallel_loop3A_369 : vector<16xf32>
        %parallel_loop3A_371 = arith.mulf %parallel_loop3A_370, %broadcast_in_dim3A_219 : vector<16xf32>
        %parallel_loop3A_372 = arith.index_cast %parallel_loop3A_233 : i32 to index
        %parallel_loop3A_373 = arith.constant 96 : index
        %parallel_loop3A_374 = tpu.vector_load %arg24[%parallel_loop3A_372, %parallel_loop3A_373] {strides = array<i32>} : memref<32x128xf32, #tpu.memory_space<vmem>>, vector<16xf32>,
        %parallel_loop3A_375 = arith.mulf %parallel_loop3A_371, %parallel_loop3A_374 : vector<16xf32>
        %parallel_loop3A_376 = arith.index_cast %parallel_loop3A_233 : i32 to index
        %parallel_loop3A_377 = arith.constant 96 : index
        %parallel_loop3A_378 = tpu.vector_load %arg25[%parallel_loop3A_376, %parallel_loop3A_377] {strides = array<i32>} : memref<32x144xf32, #tpu.memory_space<vmem>>, vector<16xf32>,
        tpu.vector_store %arg25[%parallel_loop3A_376, %parallel_loop3A_377], %parallel_loop3A_375 {strides = array<i32>} : memref<32x144xf32, #tpu.memory_space<vmem>>, vector<16xf32>,
        %parallel_loop3A_379 = arith.index_cast %parallel_loop3A_233 : i32 to index
        %parallel_loop3A_380 = arith.constant 112 : index
        %parallel_loop3A_381 = tpu.vector_load %arg24[%parallel_loop3A_379, %parallel_loop3A_380] {strides = array<i32>} : memref<32x128xf32, #tpu.memory_space<vmem>>, vector<16xf32>,
        %parallel_loop3A_382 = arith.mulf %parallel_loop3A_371, %parallel_loop3A_381 : vector<16xf32>
        %parallel_loop3A_383 = arith.index_cast %parallel_loop3A_233 : i32 to index
        %parallel_loop3A_384 = arith.constant 112 : index
        %parallel_loop3A_385 = tpu.vector_load %arg25[%parallel_loop3A_383, %parallel_loop3A_384] {strides = array<i32>} : memref<32x144xf32, #tpu.memory_space<vmem>>, vector<16xf32>,
        tpu.vector_store %arg25[%parallel_loop3A_383, %parallel_loop3A_384], %parallel_loop3A_382 {strides = array<i32>} : memref<32x144xf32, #tpu.memory_space<vmem>>, vector<16xf32>,
        %parallel_loop3A_386 = arith.constant 0 : i32
        %parallel_loop3A_387 = vector.broadcast %parallel_loop3A_386 : i32 to vector<16xi32>
        %parallel_loop3A_388 = arith.cmpi eq, %iota3A, %parallel_loop3A_387 : vector<16xi32>
        %parallel_loop3A_389 = arith.constant 1 : i32
        %parallel_loop3A_390 = vector.broadcast %parallel_loop3A_389 : i32 to vector<16xi32>
        %parallel_loop3A_391 = arith.cmpi eq, %iota3A, %parallel_loop3A_390 : vector<16xi32>
        %parallel_loop3A_392 = arith.constant 2 : i32
        %parallel_loop3A_393 = vector.broadcast %parallel_loop3A_392 : i32 to vector<16xi32>
        %parallel_loop3A_394 = arith.cmpi eq, %iota3A, %parallel_loop3A_393 : vector<16xi32>
        %parallel_loop3A_395 = arith.constant 3 : i32
        %parallel_loop3A_396 = vector.broadcast %parallel_loop3A_395 : i32 to vector<16xi32>
        %parallel_loop3A_397 = arith.cmpi eq, %iota3A, %parallel_loop3A_396 : vector<16xi32>
        %parallel_loop3A_398 = arith.select %parallel_loop3A_397, %parallel_loop3A_371, %broadcast_in_dim3A_1 : vector<16xi1>, vector<16xf32>
        %parallel_loop3A_399 = arith.select %parallel_loop3A_394, %parallel_loop3A_347, %parallel_loop3A_398 : vector<16xi1>, vector<16xf32>
        %parallel_loop3A_400 = arith.select %parallel_loop3A_391, %parallel_loop3A_323, %parallel_loop3A_399 : vector<16xi1>, vector<16xf32>
        %parallel_loop3A_401 = arith.select %parallel_loop3A_388, %parallel_loop3A_299, %parallel_loop3A_400 : vector<16xi1>, vector<16xf32>
        %parallel_loop3A_402 = arith.index_cast %parallel_loop3A_233 : i32 to index
        %parallel_loop3A_403 = arith.constant 128 : index
        %parallel_loop3A_404 = tpu.vector_load %arg25[%parallel_loop3A_402, %parallel_loop3A_403] {strides = array<i32>} : memref<32x144xf32, #tpu.memory_space<vmem>>, vector<16xf32>,
        tpu.vector_store %arg25[%parallel_loop3A_402, %parallel_loop3A_403], %parallel_loop3A_401 {strides = array<i32>} : memref<32x144xf32, #tpu.memory_space<vmem>>, vector<16xf32>,
      } {sc.loop_unroll_factor = 4 : i64, sc.parallel_access}
      %dma_start3A_223 = arith.constant 0 : i32
      %dma_start3A_224 = arith.constant 0 : i32
      %dma_start3A_225 = tpu.memref_slice %arg27[%dma_start3A_223, %dma_start3A_224] : memref<10000x144xf32, #tpu.memory_space<vmem_shared>> -> memref<10000x144xf32, #tpu.memory_space<vmem_shared>>
      tpu.enqueue_indirect_dma source(%arg25 : memref<32x144xf32, #tpu.memory_space<vmem>>) target(%dma_start3A_225 : memref<10000x144xf32, #tpu.memory_space<vmem_shared>>) offsets(%arg21 : memref<32xi32, #tpu.memory_space<vmem>>) semaphore(%arg33 : memref<!tpu.dma_semaphore, #tpu.memory_space<semaphore_mem>>) {add = true}
      %dma_wait3A_226 = arith.constant 0 : i32
      %dma_wait3A_227 = arith.constant 0 : i32
      %dma_wait3A_228 = tpu.memref_slice %arg27[%dma_wait3A_226, %dma_wait3A_227] : memref<10000x144xf32, #tpu.memory_space<vmem_shared>> -> memref<10000x144xf32, #tpu.memory_space<vmem_shared>>
      tpu.wait_indirect_dma semaphore(%arg30 : memref<!tpu.dma_semaphore, #tpu.memory_space<semaphore_mem>>) src(%arg16 : memref<32x144xf32, #tpu.memory_space<vmem>>) dst(%dma_wait3A_228 : memref<10000x144xf32, #tpu.memory_space<vmem_shared>>)
      %dma_wait3A_229 = arith.constant 0 : i32
      %dma_wait3A_230 = arith.constant 0 : i32
      %dma_wait3A_231 = tpu.memref_slice %arg27[%dma_wait3A_229, %dma_wait3A_230] : memref<10000x144xf32, #tpu.memory_space<vmem_shared>> -> memref<10000x144xf32, #tpu.memory_space<vmem_shared>>
      tpu.wait_indirect_dma semaphore(%arg33 : memref<!tpu.dma_semaphore, #tpu.memory_space<semaphore_mem>>) src(%arg25 : memref<32x144xf32, #tpu.memory_space<vmem>>) dst(%dma_wait3A_231 : memref<10000x144xf32, #tpu.memory_space<vmem_shared>>)
      %scan3A_232 = arith.constant 0 : i32
      scf.yield %scan3A_232 : i32
    }
    %scan3A_38 = arith.constant 157 : i32
    %dma_wait3A = arith.constant 0 : i32
    %dma_wait3A_39 = tpu.memref_slice %arg5[%dma_wait3A] : memref<160000xi32, #tpu.memory_space<hbm>> -> memref<32xi32, #tpu.memory_space<hbm>>
    %dma_wait3A_40 = arith.constant 0 : i32
    %dma_wait3A_41 = tpu.memref_slice %arg5[%dma_wait3A_40] : memref<160000xi32, #tpu.memory_space<hbm>> -> memref<32xi32, #tpu.memory_space<hbm>>
    tpu.wait_dma2 semaphore(%arg29 : memref<!tpu.dma_semaphore, #tpu.memory_space<semaphore_mem>>) src(%dma_wait3A_41 : memref<32xi32, #tpu.memory_space<hbm>>) dst(%arg8 : memref<32xi32, #tpu.memory_space<vmem>>)
    %dma_wait3A_42 = arith.constant 0 : i32
    %dma_wait3A_43 = tpu.memref_slice %arg6[%dma_wait3A_42] : memref<160000xi32, #tpu.memory_space<hbm>> -> memref<32xi32, #tpu.memory_space<hbm>>
    %dma_wait3A_44 = arith.constant 0 : i32
    %dma_wait3A_45 = tpu.memref_slice %arg6[%dma_wait3A_44] : memref<160000xi32, #tpu.memory_space<hbm>> -> memref<32xi32, #tpu.memory_space<hbm>>
    tpu.wait_dma2 semaphore(%arg29 : memref<!tpu.dma_semaphore, #tpu.memory_space<semaphore_mem>>) src(%dma_wait3A_45 : memref<32xi32, #tpu.memory_space<hbm>>) dst(%arg9 : memref<32xi32, #tpu.memory_space<vmem>>)
    %dma_wait3A_46 = arith.constant 0 : i32
    %dma_wait3A_47 = tpu.memref_slice %arg5[%dma_wait3A_46] : memref<160000xi32, #tpu.memory_space<hbm>> -> memref<32xi32, #tpu.memory_space<hbm>>
    %dma_wait3A_48 = arith.constant 0 : i32
    %dma_wait3A_49 = tpu.memref_slice %arg5[%dma_wait3A_48] : memref<160000xi32, #tpu.memory_space<hbm>> -> memref<32xi32, #tpu.memory_space<hbm>>
    tpu.wait_dma2 semaphore(%arg32 : memref<!tpu.dma_semaphore, #tpu.memory_space<semaphore_mem>>) src(%dma_wait3A_49 : memref<32xi32, #tpu.memory_space<hbm>>) dst(%arg17 : memref<32xi32, #tpu.memory_space<vmem>>)
    %dma_wait3A_50 = arith.constant 0 : i32
    %dma_wait3A_51 = tpu.memref_slice %arg6[%dma_wait3A_50] : memref<160000xi32, #tpu.memory_space<hbm>> -> memref<32xi32, #tpu.memory_space<hbm>>
    %dma_wait3A_52 = arith.constant 0 : i32
    %dma_wait3A_53 = tpu.memref_slice %arg6[%dma_wait3A_52] : memref<160000xi32, #tpu.memory_space<hbm>> -> memref<32xi32, #tpu.memory_space<hbm>>
    tpu.wait_dma2 semaphore(%arg32 : memref<!tpu.dma_semaphore, #tpu.memory_space<semaphore_mem>>) src(%dma_wait3A_53 : memref<32xi32, #tpu.memory_space<hbm>>) dst(%arg18 : memref<32xi32, #tpu.memory_space<vmem>>)
    %barrier3A_54 = arith.constant 0 : index
    tpu.barrier barrier_id(%barrier3A_54)
    %scan3A_55 = arith.constant 0 : i32
    %scan3A_56 = arith.constant 0 : i32
    %scan3A_57 = arith.constant 16 : i32
    %scan3A_58 = arith.addi %scan3A_56, %scan3A_57 : i32
    %scan3A_59 = arith.constant 1 : i32
    %scan3A_60 = scf.for %scan3A_62 = %scan3A_56 to %scan3A_58 step %scan3A_59 iter_args(%scan3A_63 = %scan3A_55) -> (i32)  : i32 {
      %mul3A_64 = arith.constant 16 : i32
      %mul3A_65 = arith.muli %mul3A_64, %scan3A_62 : i32
      %add3A_66 = arith.addi %arg1, %mul3A_65 : i32
      %lt3A = arith.constant 250 : i32
      %lt3A_67 = arith.cmpi slt, %add3A_66, %lt3A : i32
      %convert_element_type3A = arith.extui %lt3A_67 : i1 to i32
      %cond3A = arith.constant 0 : i32
      %cond3A_68 = arith.cmpi ne, %convert_element_type3A, %cond3A : i32
      scf.if %cond3A_68 {
        %mul3A_70 = arith.constant 40 : i32
        %mul3A_71 = arith.muli %add3A_66, %mul3A_70 : i32
        "tpu.region"() ({
          %run_scoped3A = tpu.sem_alloc : memref<!tpu.dma_semaphore, #tpu.memory_space<semaphore_mem>>
          %dma_start3A_73 = arith.constant 0 : i32
          %dma_start3A_74 = tpu.memref_slice %arg27[%mul3A_71, %dma_start3A_73] : memref<10000x144xf32, #tpu.memory_space<vmem_shared>> -> memref<40x144xf32, #tpu.memory_space<vmem_shared>>
          %dma_start3A_75 = arith.constant 0 : i32
          %dma_start3A_76 = tpu.memref_slice %arg27[%mul3A_71, %dma_start3A_75] : memref<10000x144xf32, #tpu.memory_space<vmem_shared>> -> memref<40x144xf32, #tpu.memory_space<vmem_shared>>
          tpu.enqueue_dma source(%dma_start3A_76 : memref<40x144xf32, #tpu.memory_space<vmem_shared>>) target(%arg26 : memref<40x144xf32, #tpu.memory_space<vmem>>) target_semaphore(%run_scoped3A : memref<!tpu.dma_semaphore, #tpu.memory_space<semaphore_mem>>)
          %dma_wait3A_77 = arith.constant 0 : i32
          %dma_wait3A_78 = tpu.memref_slice %arg27[%mul3A_71, %dma_wait3A_77] : memref<10000x144xf32, #tpu.memory_space<vmem_shared>> -> memref<40x144xf32, #tpu.memory_space<vmem_shared>>
          %dma_wait3A_79 = arith.constant 0 : i32
          %dma_wait3A_80 = tpu.memref_slice %arg27[%mul3A_71, %dma_wait3A_79] : memref<10000x144xf32, #tpu.memory_space<vmem_shared>> -> memref<40x144xf32, #tpu.memory_space<vmem_shared>>
          tpu.wait_dma2 semaphore(%run_scoped3A : memref<!tpu.dma_semaphore, #tpu.memory_space<semaphore_mem>>) src(%dma_wait3A_80 : memref<40x144xf32, #tpu.memory_space<vmem_shared>>) dst(%arg26 : memref<40x144xf32, #tpu.memory_space<vmem>>)
          tpu.yield
        }) : () -> ()
        %add3A_72 = arith.addi %mul3A_0, %mul3A_71 : i32
        "tpu.region"() ({
          %run_scoped3A = tpu.sem_alloc : memref<!tpu.dma_semaphore, #tpu.memory_space<semaphore_mem>>
          %dma_start3A_73 = arith.constant 0 : i32
          %dma_start3A_74 = tpu.memref_slice %arg7[%add3A_72, %dma_start3A_73] : memref<20000x144xf32, #tpu.memory_space<hbm>> -> memref<40x144xf32, #tpu.memory_space<hbm>>
          %dma_start3A_75 = arith.constant 0 : i32
          %dma_start3A_76 = tpu.memref_slice %arg7[%add3A_72, %dma_start3A_75] : memref<20000x144xf32, #tpu.memory_space<hbm>> -> memref<40x144xf32, #tpu.memory_space<hbm>>
          tpu.enqueue_dma source(%arg26 : memref<40x144xf32, #tpu.memory_space<vmem>>) target(%dma_start3A_76 : memref<40x144xf32, #tpu.memory_space<hbm>>) target_semaphore(%run_scoped3A : memref<!tpu.dma_semaphore, #tpu.memory_space<semaphore_mem>>)
          %dma_wait3A_77 = arith.constant 0 : i32
          %dma_wait3A_78 = tpu.memref_slice %arg7[%add3A_72, %dma_wait3A_77] : memref<20000x144xf32, #tpu.memory_space<hbm>> -> memref<40x144xf32, #tpu.memory_space<hbm>>
          %dma_wait3A_79 = arith.constant 0 : i32
          %dma_wait3A_80 = tpu.memref_slice %arg7[%add3A_72, %dma_wait3A_79] : memref<20000x144xf32, #tpu.memory_space<hbm>> -> memref<40x144xf32, #tpu.memory_space<hbm>>
          tpu.wait_dma2 semaphore(%run_scoped3A : memref<!tpu.dma_semaphore, #tpu.memory_space<semaphore_mem>>) src(%arg26 : memref<40x144xf32, #tpu.memory_space<vmem>>) dst(%dma_wait3A_80 : memref<40x144xf32, #tpu.memory_space<hbm>>)
          tpu.yield
        }) : () -> ()
      } else {
      }
      %scan3A_69 = arith.constant 0 : i32
      scf.yield %scan3A_69 : i32
    }
    %scan3A_61 = arith.constant 16 : i32
    return
  }
}

module attributes {stable_mosaic.version = 14 : i64} {
  func.func @_qkv_body(%arg0: i32, %arg1: i32, %arg2: memref<400x256xf32, #tpu.memory_space<vmem>>, %arg3: memref<256x128xf32, #tpu.memory_space<vmem>>, %arg4: memref<256x128xf32, #tpu.memory_space<vmem>>, %arg5: memref<256x128xf32, #tpu.memory_space<vmem>>, %arg6: memref<1x128xf32, #tpu.memory_space<vmem>>, %arg7: memref<1x128xf32, #tpu.memory_space<vmem>>, %arg8: memref<1x128xf32, #tpu.memory_space<vmem>>, %arg9: memref<400x128xf32, #tpu.memory_space<vmem>>, %arg10: memref<400x128xf32, #tpu.memory_space<vmem>>, %arg11: memref<400x128xf32, #tpu.memory_space<vmem>>) attributes {dimension_semantics = [#tpu.dimension_semantics<arbitrary>, #tpu.dimension_semantics<arbitrary>], iteration_bounds = array<i64: 2, 25>, scalar_prefetch = 0 : i64, scratch_operands = 0 : i64, tpu.core_type = #tpu.core_type<tc>, window_params = [{transform_indices = @transform_0, window_bounds = array<i64: 400, 256>}, {transform_indices = @transform_1, window_bounds = array<i64: 256, 128>}, {transform_indices = @transform_2, window_bounds = array<i64: 256, 128>}, {transform_indices = @transform_3, window_bounds = array<i64: 256, 128>}, {transform_indices = @transform_4, window_bounds = array<i64: 1, 128>}, {transform_indices = @transform_5, window_bounds = array<i64: 1, 128>}, {transform_indices = @transform_6, window_bounds = array<i64: 1, 128>}, {transform_indices = @transform_7, window_bounds = array<i64: 400, 128>}, {transform_indices = @transform_8, window_bounds = array<i64: 400, 128>}, {transform_indices = @transform_9, window_bounds = array<i64: 400, 128>}]} {
    %get3A = arith.constant 0 : index
    %get3A_0 = arith.constant 0 : index
    %get3A_1 = vector.load %arg2[%get3A, %get3A_0] : memref<400x256xf32, #tpu.memory_space<vmem>>, vector<400x256xf32>
    %get3A_2 = arith.constant 0 : index
    %get3A_3 = arith.constant 0 : index
    %get3A_4 = vector.load %arg3[%get3A_2, %get3A_3] : memref<256x128xf32, #tpu.memory_space<vmem>>, vector<256x128xf32>
    %dot_general3A = arith.constant dense<0.000000e+00> : vector<400x128xf32>
    %dot_general3A_5 = tpu.matmul %get3A_1, %get3A_4, %dot_general3A {dimension_numbers = #tpu.dot_dimension_numbers<[1], [0], [0], [1], [0, 0, 1, 1], [], []>, transpose_lhs_hint = false} : vector<400x256xf32>, vector<256x128xf32>, vector<400x128xf32> -> vector<400x128xf32>
    %get3A_6 = arith.constant 0 : index
    %get3A_7 = arith.constant 0 : index
    %get3A_8 = vector.load %arg6[%get3A_6, %get3A_7] : memref<1x128xf32, #tpu.memory_space<vmem>>, vector<1x128xf32>
    %add3A = vector.broadcast %get3A_8 : vector<1x128xf32> to vector<400x128xf32>
    %add3A_9 = arith.addf %dot_general3A_5, %add3A : vector<400x128xf32>
    %swap3A = arith.constant 0 : index
    %swap3A_10 = arith.constant 0 : index
    %swap3A_11 = vector.load %arg9[%swap3A, %swap3A_10] : memref<400x128xf32, #tpu.memory_space<vmem>>, vector<400x128xf32>
    tpu.vector_store %arg9[%swap3A, %swap3A_10], %add3A_9 {strides = array<i32>} : memref<400x128xf32, #tpu.memory_space<vmem>>, vector<400x128xf32>,
    %get3A_12 = arith.constant 0 : index
    %get3A_13 = arith.constant 0 : index
    %get3A_14 = vector.load %arg4[%get3A_12, %get3A_13] : memref<256x128xf32, #tpu.memory_space<vmem>>, vector<256x128xf32>
    %dot_general3A_15 = arith.constant dense<0.000000e+00> : vector<400x128xf32>
    %dot_general3A_16 = tpu.matmul %get3A_1, %get3A_14, %dot_general3A_15 {dimension_numbers = #tpu.dot_dimension_numbers<[1], [0], [0], [1], [0, 0, 1, 1], [], []>, transpose_lhs_hint = false} : vector<400x256xf32>, vector<256x128xf32>, vector<400x128xf32> -> vector<400x128xf32>
    %get3A_17 = arith.constant 0 : index
    %get3A_18 = arith.constant 0 : index
    %get3A_19 = vector.load %arg7[%get3A_17, %get3A_18] : memref<1x128xf32, #tpu.memory_space<vmem>>, vector<1x128xf32>
    %add3A_20 = vector.broadcast %get3A_19 : vector<1x128xf32> to vector<400x128xf32>
    %add3A_21 = arith.addf %dot_general3A_16, %add3A_20 : vector<400x128xf32>
    %swap3A_22 = arith.constant 0 : index
    %swap3A_23 = arith.constant 0 : index
    %swap3A_24 = vector.load %arg10[%swap3A_22, %swap3A_23] : memref<400x128xf32, #tpu.memory_space<vmem>>, vector<400x128xf32>
    tpu.vector_store %arg10[%swap3A_22, %swap3A_23], %add3A_21 {strides = array<i32>} : memref<400x128xf32, #tpu.memory_space<vmem>>, vector<400x128xf32>,
    %get3A_25 = arith.constant 0 : index
    %get3A_26 = arith.constant 0 : index
    %get3A_27 = vector.load %arg5[%get3A_25, %get3A_26] : memref<256x128xf32, #tpu.memory_space<vmem>>, vector<256x128xf32>
    %dot_general3A_28 = arith.constant dense<0.000000e+00> : vector<400x128xf32>
    %dot_general3A_29 = tpu.matmul %get3A_1, %get3A_27, %dot_general3A_28 {dimension_numbers = #tpu.dot_dimension_numbers<[1], [0], [0], [1], [0, 0, 1, 1], [], []>, transpose_lhs_hint = false} : vector<400x256xf32>, vector<256x128xf32>, vector<400x128xf32> -> vector<400x128xf32>
    %get3A_30 = arith.constant 0 : index
    %get3A_31 = arith.constant 0 : index
    %get3A_32 = vector.load %arg8[%get3A_30, %get3A_31] : memref<1x128xf32, #tpu.memory_space<vmem>>, vector<1x128xf32>
    %add3A_33 = vector.broadcast %get3A_32 : vector<1x128xf32> to vector<400x128xf32>
    %add3A_34 = arith.addf %dot_general3A_29, %add3A_33 : vector<400x128xf32>
    %swap3A_35 = arith.constant 0 : index
    %swap3A_36 = arith.constant 0 : index
    %swap3A_37 = vector.load %arg11[%swap3A_35, %swap3A_36] : memref<400x128xf32, #tpu.memory_space<vmem>>, vector<400x128xf32>
    tpu.vector_store %arg11[%swap3A_35, %swap3A_36], %add3A_34 {strides = array<i32>} : memref<400x128xf32, #tpu.memory_space<vmem>>, vector<400x128xf32>,
    return
  }
  func.func @transform_0(%arg0: i32, %arg1: i32) -> (i32, i32) {
    %c0_i32 = arith.constant 0 : i32
    %c0_i32_0 = arith.constant 0 : i32
    return %arg1, %c0_i32 : i32, i32
  }
  func.func @transform_1(%arg0: i32, %arg1: i32) -> (i32, i32) {
    %c0_i32 = arith.constant 0 : i32
    %c0_i32_0 = arith.constant 0 : i32
    return %c0_i32, %arg0 : i32, i32
  }
  func.func @transform_2(%arg0: i32, %arg1: i32) -> (i32, i32) {
    %c0_i32 = arith.constant 0 : i32
    %c0_i32_0 = arith.constant 0 : i32
    return %c0_i32, %arg0 : i32, i32
  }
  func.func @transform_3(%arg0: i32, %arg1: i32) -> (i32, i32) {
    %c0_i32 = arith.constant 0 : i32
    %c0_i32_0 = arith.constant 0 : i32
    return %c0_i32, %arg0 : i32, i32
  }
  func.func @transform_4(%arg0: i32, %arg1: i32) -> (i32, i32) {
    %c0_i32 = arith.constant 0 : i32
    %c0_i32_0 = arith.constant 0 : i32
    return %c0_i32, %arg0 : i32, i32
  }
  func.func @transform_5(%arg0: i32, %arg1: i32) -> (i32, i32) {
    %c0_i32 = arith.constant 0 : i32
    %c0_i32_0 = arith.constant 0 : i32
    return %c0_i32, %arg0 : i32, i32
  }
  func.func @transform_6(%arg0: i32, %arg1: i32) -> (i32, i32) {
    %c0_i32 = arith.constant 0 : i32
    %c0_i32_0 = arith.constant 0 : i32
    return %c0_i32, %arg0 : i32, i32
  }
  func.func @transform_7(%arg0: i32, %arg1: i32) -> (i32, i32) {
    %mul3A = arith.constant 25 : i32
    %mul3A_0 = arith.muli %arg0, %mul3A : i32
    %add3A = arith.addi %mul3A_0, %arg1 : i32
    %c0_i32 = arith.constant 0 : i32
    %c0_i32_1 = arith.constant 0 : i32
    return %add3A, %c0_i32 : i32, i32
  }
  func.func @transform_8(%arg0: i32, %arg1: i32) -> (i32, i32) {
    %mul3A = arith.constant 25 : i32
    %mul3A_0 = arith.muli %arg0, %mul3A : i32
    %add3A = arith.addi %mul3A_0, %arg1 : i32
    %c0_i32 = arith.constant 0 : i32
    %c0_i32_1 = arith.constant 0 : i32
    return %add3A, %c0_i32 : i32, i32
  }
  func.func @transform_9(%arg0: i32, %arg1: i32) -> (i32, i32) {
    %mul3A = arith.constant 25 : i32
    %mul3A_0 = arith.muli %arg0, %mul3A : i32
    %add3A = arith.addi %mul3A_0, %arg1 : i32
    %c0_i32 = arith.constant 0 : i32
    %c0_i32_1 = arith.constant 0 : i32
    return %add3A, %c0_i32 : i32, i32
  }
}

module attributes {stable_mosaic.version = 14 : i64} {
  func.func @_fin_body(%arg0: i32, %arg1: memref<400x144xf32, #tpu.memory_space<vmem>>, %arg2: memref<400x144xf32, #tpu.memory_space<vmem>>, %arg3: memref<400x256xf32, #tpu.memory_space<vmem>>, %arg4: memref<256x256xf32, #tpu.memory_space<vmem>>, %arg5: memref<1x256xf32, #tpu.memory_space<vmem>>, %arg6: memref<1x1xf32, #tpu.memory_space<vmem>>, %arg7: memref<1x256xf32, #tpu.memory_space<vmem>>, %arg8: memref<1x256xf32, #tpu.memory_space<vmem>>, %arg9: memref<400x256xf32, #tpu.memory_space<vmem>>) attributes {dimension_semantics = [#tpu.dimension_semantics<arbitrary>], iteration_bounds = array<i64: 25>, scalar_prefetch = 0 : i64, scratch_operands = 0 : i64, tpu.core_type = #tpu.core_type<tc>, window_params = [{transform_indices = @transform_0, window_bounds = array<i64: 400, 144>}, {transform_indices = @transform_1, window_bounds = array<i64: 400, 144>}, {transform_indices = @transform_2, window_bounds = array<i64: 400, 256>}, {pipeline_mode = #tpu.pipeline_mode<synchronous>, transform_indices = @transform_3, window_bounds = array<i64: 256, 256>}, {pipeline_mode = #tpu.pipeline_mode<synchronous>, transform_indices = @transform_4, window_bounds = array<i64: 1, 256>}, {pipeline_mode = #tpu.pipeline_mode<synchronous>, transform_indices = @transform_5, window_bounds = array<i64: 1, 1>}, {pipeline_mode = #tpu.pipeline_mode<synchronous>, transform_indices = @transform_6, window_bounds = array<i64: 1, 256>}, {pipeline_mode = #tpu.pipeline_mode<synchronous>, transform_indices = @transform_7, window_bounds = array<i64: 1, 256>}, {transform_indices = @transform_8, window_bounds = array<i64: 400, 256>}]} {
    %get3A = arith.constant 0 : index
    %get3A_0 = arith.constant 0 : index
    %get3A_1 = vector.load %arg1[%get3A, %get3A_0] : memref<400x144xf32, #tpu.memory_space<vmem>>, vector<400x144xf32>
    %get3A_2 = arith.constant 0 : index
    %get3A_3 = arith.constant 0 : index
    %get3A_4 = vector.load %arg2[%get3A_2, %get3A_3] : memref<400x144xf32, #tpu.memory_space<vmem>>, vector<400x144xf32>
    %slice3A = vector.extract_strided_slice %get3A_1 {offsets = [0, 0], sizes = [400, 32], strides = [1, 1]} : vector<400x144xf32> to vector<400x32xf32>
    %slice3A_5 = vector.extract_strided_slice %get3A_1 {offsets = [0, 128], sizes = [400, 1], strides = [1, 1]} : vector<400x144xf32> to vector<400x1xf32>
    %add3A = arith.constant 1.000000e-16 : f32
    %add3A_6 = vector.broadcast %add3A : f32 to vector<400x1xf32>
    %add3A_7 = arith.addf %slice3A_5, %add3A_6 : vector<400x1xf32>
    %div3A = vector.broadcast %add3A_7 : vector<400x1xf32> to vector<400x32xf32>
    %div3A_8 = arith.divf %slice3A, %div3A : vector<400x32xf32>
    %slice3A_9 = vector.extract_strided_slice %get3A_1 {offsets = [0, 32], sizes = [400, 32], strides = [1, 1]} : vector<400x144xf32> to vector<400x32xf32>
    %slice3A_10 = vector.extract_strided_slice %get3A_1 {offsets = [0, 129], sizes = [400, 1], strides = [1, 1]} : vector<400x144xf32> to vector<400x1xf32>
    %add3A_11 = arith.constant 1.000000e-16 : f32
    %add3A_12 = vector.broadcast %add3A_11 : f32 to vector<400x1xf32>
    %add3A_13 = arith.addf %slice3A_10, %add3A_12 : vector<400x1xf32>
    %div3A_14 = vector.broadcast %add3A_13 : vector<400x1xf32> to vector<400x32xf32>
    %div3A_15 = arith.divf %slice3A_9, %div3A_14 : vector<400x32xf32>
    %slice3A_16 = vector.extract_strided_slice %get3A_1 {offsets = [0, 64], sizes = [400, 32], strides = [1, 1]} : vector<400x144xf32> to vector<400x32xf32>
    %slice3A_17 = vector.extract_strided_slice %get3A_1 {offsets = [0, 130], sizes = [400, 1], strides = [1, 1]} : vector<400x144xf32> to vector<400x1xf32>
    %add3A_18 = arith.constant 1.000000e-16 : f32
    %add3A_19 = vector.broadcast %add3A_18 : f32 to vector<400x1xf32>
    %add3A_20 = arith.addf %slice3A_17, %add3A_19 : vector<400x1xf32>
    %div3A_21 = vector.broadcast %add3A_20 : vector<400x1xf32> to vector<400x32xf32>
    %div3A_22 = arith.divf %slice3A_16, %div3A_21 : vector<400x32xf32>
    %slice3A_23 = vector.extract_strided_slice %get3A_1 {offsets = [0, 96], sizes = [400, 32], strides = [1, 1]} : vector<400x144xf32> to vector<400x32xf32>
    %slice3A_24 = vector.extract_strided_slice %get3A_1 {offsets = [0, 131], sizes = [400, 1], strides = [1, 1]} : vector<400x144xf32> to vector<400x1xf32>
    %add3A_25 = arith.constant 1.000000e-16 : f32
    %add3A_26 = vector.broadcast %add3A_25 : f32 to vector<400x1xf32>
    %add3A_27 = arith.addf %slice3A_24, %add3A_26 : vector<400x1xf32>
    %div3A_28 = vector.broadcast %add3A_27 : vector<400x1xf32> to vector<400x32xf32>
    %div3A_29 = arith.divf %slice3A_23, %div3A_28 : vector<400x32xf32>
    %slice3A_30 = vector.extract_strided_slice %get3A_4 {offsets = [0, 0], sizes = [400, 32], strides = [1, 1]} : vector<400x144xf32> to vector<400x32xf32>
    %slice3A_31 = vector.extract_strided_slice %get3A_4 {offsets = [0, 128], sizes = [400, 1], strides = [1, 1]} : vector<400x144xf32> to vector<400x1xf32>
    %add3A_32 = arith.constant 1.000000e-16 : f32
    %add3A_33 = vector.broadcast %add3A_32 : f32 to vector<400x1xf32>
    %add3A_34 = arith.addf %slice3A_31, %add3A_33 : vector<400x1xf32>
    %div3A_35 = vector.broadcast %add3A_34 : vector<400x1xf32> to vector<400x32xf32>
    %div3A_36 = arith.divf %slice3A_30, %div3A_35 : vector<400x32xf32>
    %slice3A_37 = vector.extract_strided_slice %get3A_4 {offsets = [0, 32], sizes = [400, 32], strides = [1, 1]} : vector<400x144xf32> to vector<400x32xf32>
    %slice3A_38 = vector.extract_strided_slice %get3A_4 {offsets = [0, 129], sizes = [400, 1], strides = [1, 1]} : vector<400x144xf32> to vector<400x1xf32>
    %add3A_39 = arith.constant 1.000000e-16 : f32
    %add3A_40 = vector.broadcast %add3A_39 : f32 to vector<400x1xf32>
    %add3A_41 = arith.addf %slice3A_38, %add3A_40 : vector<400x1xf32>
    %div3A_42 = vector.broadcast %add3A_41 : vector<400x1xf32> to vector<400x32xf32>
    %div3A_43 = arith.divf %slice3A_37, %div3A_42 : vector<400x32xf32>
    %slice3A_44 = vector.extract_strided_slice %get3A_4 {offsets = [0, 64], sizes = [400, 32], strides = [1, 1]} : vector<400x144xf32> to vector<400x32xf32>
    %slice3A_45 = vector.extract_strided_slice %get3A_4 {offsets = [0, 130], sizes = [400, 1], strides = [1, 1]} : vector<400x144xf32> to vector<400x1xf32>
    %add3A_46 = arith.constant 1.000000e-16 : f32
    %add3A_47 = vector.broadcast %add3A_46 : f32 to vector<400x1xf32>
    %add3A_48 = arith.addf %slice3A_45, %add3A_47 : vector<400x1xf32>
    %div3A_49 = vector.broadcast %add3A_48 : vector<400x1xf32> to vector<400x32xf32>
    %div3A_50 = arith.divf %slice3A_44, %div3A_49 : vector<400x32xf32>
    %slice3A_51 = vector.extract_strided_slice %get3A_4 {offsets = [0, 96], sizes = [400, 32], strides = [1, 1]} : vector<400x144xf32> to vector<400x32xf32>
    %slice3A_52 = vector.extract_strided_slice %get3A_4 {offsets = [0, 131], sizes = [400, 1], strides = [1, 1]} : vector<400x144xf32> to vector<400x1xf32>
    %add3A_53 = arith.constant 1.000000e-16 : f32
    %add3A_54 = vector.broadcast %add3A_53 : f32 to vector<400x1xf32>
    %add3A_55 = arith.addf %slice3A_52, %add3A_54 : vector<400x1xf32>
    %div3A_56 = vector.broadcast %add3A_55 : vector<400x1xf32> to vector<400x32xf32>
    %div3A_57 = arith.divf %slice3A_51, %div3A_56 : vector<400x32xf32>
    %concatenate3A = tpu.concatenate %div3A_8, %div3A_15, %div3A_22, %div3A_29, %div3A_36, %div3A_43, %div3A_50, %div3A_57 in 1 : vector<400x32xf32>, vector<400x32xf32>, vector<400x32xf32>, vector<400x32xf32>, vector<400x32xf32>, vector<400x32xf32>, vector<400x32xf32>, vector<400x32xf32> -> vector<400x256xf32>
    %get3A_58 = arith.constant 0 : index
    %get3A_59 = arith.constant 0 : index
    %get3A_60 = vector.load %arg4[%get3A_58, %get3A_59] : memref<256x256xf32, #tpu.memory_space<vmem>>, vector<256x256xf32>
    %dot_general3A = arith.constant dense<0.000000e+00> : vector<400x256xf32>
    %dot_general3A_61 = tpu.matmul %concatenate3A, %get3A_60, %dot_general3A {dimension_numbers = #tpu.dot_dimension_numbers<[1], [0], [0], [1], [0, 0, 1, 1], [], []>, transpose_lhs_hint = false} : vector<400x256xf32>, vector<256x256xf32>, vector<400x256xf32> -> vector<400x256xf32>
    %get3A_62 = arith.constant 0 : index
    %get3A_63 = arith.constant 0 : index
    %get3A_64 = vector.load %arg5[%get3A_62, %get3A_63] : memref<1x256xf32, #tpu.memory_space<vmem>>, vector<1x256xf32>
    %add3A_65 = vector.broadcast %get3A_64 : vector<1x256xf32> to vector<400x256xf32>
    %add3A_66 = arith.addf %dot_general3A_61, %add3A_65 : vector<400x256xf32>
    %get3A_67 = arith.constant 0 : index
    %get3A_68 = arith.constant 0 : index
    %get3A_69 = vector.load %arg6[%get3A_67, %get3A_68] : memref<1x1xf32, #tpu.memory_space<vmem>>, vector<1x1xf32>
    %get3A_70 = vector.extract %get3A_69[0, 0] : f32 from vector<1x1xf32>
    %logistic3A = arith.negf %get3A_70 : f32
    %logistic3A_71 = math.exp %logistic3A : f32
    %logistic3A_72 = arith.constant 1.000000e+00 : f32
    %logistic3A_73 = arith.addf %logistic3A_72, %logistic3A_71 : f32
    %logistic3A_74 = arith.divf %logistic3A_72, %logistic3A_73 : f32
    %mul3A = vector.broadcast %logistic3A_74 : f32 to vector<400x256xf32>
    %mul3A_75 = arith.mulf %mul3A, %add3A_66 : vector<400x256xf32>
    %sub3A = arith.constant 1.000000e+00 : f32
    %sub3A_76 = arith.subf %sub3A, %logistic3A_74 : f32
    %get3A_77 = arith.constant 0 : index
    %get3A_78 = arith.constant 0 : index
    %get3A_79 = vector.load %arg3[%get3A_77, %get3A_78] : memref<400x256xf32, #tpu.memory_space<vmem>>, vector<400x256xf32>
    %mul3A_80 = vector.broadcast %sub3A_76 : f32 to vector<400x256xf32>
    %mul3A_81 = arith.mulf %mul3A_80, %get3A_79 : vector<400x256xf32>
    %add3A_82 = arith.addf %mul3A_75, %mul3A_81 : vector<400x256xf32>
    %reduce_sum3A = arith.constant dense<0.000000e+00> : vector<400xf32>
    %reduce_sum3A_83 = vector.multi_reduction <add>, %add3A_82, %reduce_sum3A [1] : vector<400x256xf32> to vector<400xf32>
    %broadcast_in_dim3A = vector.shape_cast %reduce_sum3A_83 : vector<400xf32> to vector<400x1xf32>
    %div3A_84 = arith.constant 2.560000e+02 : f32
    %div3A_85 = vector.broadcast %div3A_84 : f32 to vector<400x1xf32>
    %div3A_86 = arith.divf %broadcast_in_dim3A, %div3A_85 : vector<400x1xf32>
    %sub3A_87 = vector.broadcast %div3A_86 : vector<400x1xf32> to vector<400x256xf32>
    %sub3A_88 = arith.subf %add3A_82, %sub3A_87 : vector<400x256xf32>
    %mul3A_89 = arith.mulf %sub3A_88, %sub3A_88 : vector<400x256xf32>
    %reduce_sum3A_90 = arith.constant dense<0.000000e+00> : vector<400xf32>
    %reduce_sum3A_91 = vector.multi_reduction <add>, %mul3A_89, %reduce_sum3A_90 [1] : vector<400x256xf32> to vector<400xf32>
    %broadcast_in_dim3A_92 = vector.shape_cast %reduce_sum3A_91 : vector<400xf32> to vector<400x1xf32>
    %div3A_93 = arith.constant 2.560000e+02 : f32
    %div3A_94 = vector.broadcast %div3A_93 : f32 to vector<400x1xf32>
    %div3A_95 = arith.divf %broadcast_in_dim3A_92, %div3A_94 : vector<400x1xf32>
    %add3A_96 = arith.constant 9.99999974E-6 : f32
    %add3A_97 = vector.broadcast %add3A_96 : f32 to vector<400x1xf32>
    %add3A_98 = arith.addf %div3A_95, %add3A_97 : vector<400x1xf32>
    %rsqrt3A = math.rsqrt %add3A_98 : vector<400x1xf32>
    %mul3A_99 = vector.broadcast %rsqrt3A : vector<400x1xf32> to vector<400x256xf32>
    %mul3A_100 = arith.mulf %sub3A_88, %mul3A_99 : vector<400x256xf32>
    %get3A_101 = arith.constant 0 : index
    %get3A_102 = arith.constant 0 : index
    %get3A_103 = vector.load %arg7[%get3A_101, %get3A_102] : memref<1x256xf32, #tpu.memory_space<vmem>>, vector<1x256xf32>
    %mul3A_104 = vector.broadcast %get3A_103 : vector<1x256xf32> to vector<400x256xf32>
    %mul3A_105 = arith.mulf %mul3A_100, %mul3A_104 : vector<400x256xf32>
    %get3A_106 = arith.constant 0 : index
    %get3A_107 = arith.constant 0 : index
    %get3A_108 = vector.load %arg8[%get3A_106, %get3A_107] : memref<1x256xf32, #tpu.memory_space<vmem>>, vector<1x256xf32>
    %add3A_109 = vector.broadcast %get3A_108 : vector<1x256xf32> to vector<400x256xf32>
    %add3A_110 = arith.addf %mul3A_105, %add3A_109 : vector<400x256xf32>
    %swap3A = arith.constant 0 : index
    %swap3A_111 = arith.constant 0 : index
    %swap3A_112 = vector.load %arg9[%swap3A, %swap3A_111] : memref<400x256xf32, #tpu.memory_space<vmem>>, vector<400x256xf32>
    tpu.vector_store %arg9[%swap3A, %swap3A_111], %add3A_110 {strides = array<i32>} : memref<400x256xf32, #tpu.memory_space<vmem>>, vector<400x256xf32>,
    return
  }
  func.func @transform_0(%arg0: i32) -> (i32, i32) {
    %c0_i32 = arith.constant 0 : i32
    %c0_i32_0 = arith.constant 0 : i32
    return %arg0, %c0_i32 : i32, i32
  }
  func.func @transform_1(%arg0: i32) -> (i32, i32) {
    %add3A = arith.constant 25 : i32
    %add3A_0 = arith.addi %add3A, %arg0 : i32
    %c0_i32 = arith.constant 0 : i32
    %c0_i32_1 = arith.constant 0 : i32
    return %add3A_0, %c0_i32 : i32, i32
  }
  func.func @transform_2(%arg0: i32) -> (i32, i32) {
    %c0_i32 = arith.constant 0 : i32
    %c0_i32_0 = arith.constant 0 : i32
    return %arg0, %c0_i32 : i32, i32
  }
  func.func @transform_3(%arg0: i32) -> (i32, i32) {
    %c0_i32 = arith.constant 0 : i32
    %c0_i32_0 = arith.constant 0 : i32
    %c0_i32_1 = arith.constant 0 : i32
    return %c0_i32, %c0_i32_0 : i32, i32
  }
  func.func @transform_4(%arg0: i32) -> (i32, i32) {
    %c0_i32 = arith.constant 0 : i32
    %c0_i32_0 = arith.constant 0 : i32
    %c0_i32_1 = arith.constant 0 : i32
    return %c0_i32, %c0_i32_0 : i32, i32
  }
  func.func @transform_5(%arg0: i32) -> (i32, i32) {
    %c0_i32 = arith.constant 0 : i32
    %c0_i32_0 = arith.constant 0 : i32
    %c0_i32_1 = arith.constant 0 : i32
    return %c0_i32, %c0_i32_0 : i32, i32
  }
  func.func @transform_6(%arg0: i32) -> (i32, i32) {
    %c0_i32 = arith.constant 0 : i32
    %c0_i32_0 = arith.constant 0 : i32
    %c0_i32_1 = arith.constant 0 : i32
    return %c0_i32, %c0_i32_0 : i32, i32
  }
  func.func @transform_7(%arg0: i32) -> (i32, i32) {
    %c0_i32 = arith.constant 0 : i32
    %c0_i32_0 = arith.constant 0 : i32
    %c0_i32_1 = arith.constant 0 : i32
    return %c0_i32, %c0_i32_0 : i32, i32
  }
  func.func @transform_8(%arg0: i32) -> (i32, i32) {
    %c0_i32 = arith.constant 0 : i32
    %c0_i32_0 = arith.constant 0 : i32
    return %arg0, %c0_i32 : i32, i32
  }
}

</mosaic_0001>

<sc_bundles>
// kernel: kernel.5.cloned.1.call-start
scs
__scs_entry_jumppad:
0x0: {  	(pc) =	sbr.rel $0x88, $3  }
0x1: {  	(tag) =	ssettag $0x0;
	lr =	simm.s32 $0x1  }
0x2: {  	[smem:$0x3F94] =	sst lr;
	_ =	strace $0xD0000000  }
0x3: {  	_ = 	snop  }
0x4: {  	_ = 	snop  }
0x5: {  	_ = 	snop  }
0x6: {  	_ = 	snop  }
0x7: {  	_ = 	snop  }
__scs_overlays_trampoline_lowered:
0x8: {  	[smem:$0x3FA3] =	sst s0  }
0x9: {  	[smem:$0x3FA4] =	sst s1  }
0xa: {  	[smem:$0x3FA5] =	sst s2  }
0xb: {  	[smem:$0x3FA6] =	sst s3  }
0xc: {  	[smem:$0x3FA7] =	sst s4  }
0xd: {  	[smem:$0x3FA8] =	sst s5  }
0xe: {  	[smem:$0x3FA9] =	sst s6  }
0xf: {  	[smem:$0x3FAA] =	sst s7  }
0x10: {  	[smem:$0x3FAB] =	sst s8  }
0x11: {  	[smem:$0x3FAC] =	sst s9;
	s0 =	simm.s32 @!p0 $0x0  }
0x12: {  	s1 =	sld [smem:$0x3F92];
	s0 =	simm.s32 @p0 $0x1  }
0x13: {  	[smem:$0x3FAD] =	sst s0;
	s0 =	simm.s32 @!p1 $0x0  }
0x14: {  	s2 =	sld [smem:$0x3F91];
	s0 =	simm.s32 @p1 $0x1  }
0x15: {  	[smem:$0x3FAE] =	sst s0;
	s0 =	simm.s32 @!p2 $0x0  }
0x16: {  	s3 =	sld [smem:$0x3FDB];
	s0 =	simm.s32 @p2 $0x1  }
0x17: {  	s4 =	simm.s32 $0x1BF5;
	[smem:$0x3FB0] =	sst s0  }
0x18: {  	s0 =	sld [smem:$0x3F93];
	_ =	swait.ge [sflag:s4], $0x0  }
0x19: {  	s7 =	sld [smem:$0x3F94]  }
0x1a: {  	s8 =	sadd.s32 $0xFFFFE003, lr  }
0x1b: {  	s9 =	sadd.s32 $0xFFFFFEF7, lr;
	s5 =	simm.s32 $0xFFFFFFFF;
	p2 =	slt.u32 s8, $0xFFFFF086  }
0x1c: {  	p1 =	slt.u32 s9, $0xF7A;
	s5 =	simm.s32 @!p2 $0x0  }
0x1d: {  	s5 =	simm.s32 @p1 $0x1;
	p0 =	seq.s32 s7, s2  }
0x1e: {  	s7 =	smul.u32 @!p0 $0xF7A, s2;
	p2 =	seq.s32 @!p0 s5, $0x0  }
0x1f: {  	s9 =	smul.u32 $0xF7A, s1;
	s8 =	simm.s32 @!p0 $0x1BF5;
	p2 =	por !p2, p0  }
0x20: {  	[sflag:s8] =	ssyncset.s32 @!p0 $0xFFFFF086;
	s6 =	sadd.s32 @!p0 s3, s7;
	s7 =	simm.s32 @!p0 $0x108  }
0x21: {  	s3 =	sadd.s32 s3, s9;
	s6 =	sadd.s32 @!p0 $0x88, s6;
	s7 =	simm.s32 @p2 $0x1082  }
0x22: {  	[simem:s7], [sflag:s8] =	dma.local @!p0 [hbm:s6], $0xF7A  }
0x23: {  	s9 =	sor.u32 $0xD0000000, s2;
	s6 =	simm.s32 $0x108;
	_ =	swait.ge @!p0 [sflag:s8], $0x0  }
0x24: {  	s3 =	sadd.s32 $0x88, s3;
	s6 =	simm.s32 @!p1 $0x1082;
	[sflag:s4] =	ssyncset.s32 $0xFFFFF086  }
0x25: {  	[simem:s6], [sflag:s4] =	dma.local [hbm:s3], $0xF7A  }
0x26: {  	[smem:$0x3F94] =	sst s1;
	(tag) =	ssettag s2;
	_ =	strace s9  }
0x27: {  	s1 =	sld [smem:$0x3FA4]  }
0x28: {  	s2 =	sld [smem:$0x3FA5]  }
0x29: {  	s4 =	sld [smem:$0x3FA7]  }
0x2a: {  	p0 =	seq.s32 s5, $0x0;
	s5 =	sld [smem:$0x3FA8]  }
0x2b: {  	s6 =	sld [smem:$0x3FA9]  }
0x2c: {  	s7 =	sld [smem:$0x3FAA]  }
0x2d: {  	s3 =	simm.s32 $0x108;
	s8 =	sld [smem:$0x3FAB]  }
0x2e: {  	s3 =	simm.s32 @!p0 $0x1082;
	s9 =	sld [smem:$0x3FAC]  }
0x2f: {  	lr =	sadd.s32 s0, s3;
	s0 =	sld [smem:$0x3FA3]  }
0x30: {  	s3 =	sld [smem:$0x3FA6]  }
0x31: {  	[smem:$0x3FAF] =	sst s10  }
0x32: {  	s10 =	sld [smem:$0x3FAD];
	_ =	sdelay $0x3  }
0x33: {  	p0 =	seq.s32 s10, $0x1;
	s10 =	sld [smem:$0x3FAF];
	_ =	sdelay $0x3  }
0x34: {  	[smem:$0x3FAF] =	sst s10  }
0x35: {  	s10 =	sld [smem:$0x3FAE];
	_ =	sdelay $0x3  }
0x36: {  	p1 =	seq.s32 s10, $0x1;
	s10 =	sld [smem:$0x3FAF];
	_ =	sdelay $0x3  }
0x37: {  	[smem:$0x3FAF] =	sst s10  }
0x38: {  	s10 =	sld [smem:$0x3FB0]  }
0x39: {  	_ = 	snop;
	(pc) =	sbr.ind lr, $3  }
0x3a: {  	_ = 	snop  }
0x3b: {  	_ = 	snop  }
0x3c: {  	p2 =	seq.s32 s10, $0x1;
	s10 =	sld [smem:$0x3FAF]  }
0x3d: {  	_ =	shalt  }
0x3e: {  	_ =	shalt  }
0x3f: {  	_ =	shalt  }
0x40: {  	_ =	shalt  }
0x41: {  	_ =	shalt  }
0x42: {  	_ =	shalt  }
0x43: {  	_ =	shalt  }
0x44: {  	_ =	shalt  }
0x45: {  	_ =	shalt  }
0x46: {  	_ =	shalt  }
0x47: {  	_ =	shalt  }
0x48: {  	_ =	shalt  }
0x49: {  	_ =	shalt  }
0x4a: {  	_ =	shalt  }
0x4b: {  	_ =	shalt  }
0x4c: {  	_ =	shalt  }
0x4d: {  	_ =	shalt  }
0x4e: {  	_ =	shalt  }
0x4f: {  	_ =	shalt  }
0x50: {  	_ =	shalt  }
0x51: {  	_ =	shalt  }
0x52: {  	_ =	shalt  }
0x53: {  	_ =	shalt  }
0x54: {  	_ =	shalt  }
0x55: {  	_ =	shalt  }
0x56: {  	_ =	shalt  }
0x57: {  	_ =	shalt  }
0x58: {  	_ =	shalt  }
0x59: {  	_ =	shalt  }
0x5a: {  	_ =	shalt  }
0x5b: {  	_ =	shalt  }
0x5c: {  	_ =	shalt  }
0x5d: {  	_ =	shalt  }
0x5e: {  	_ =	shalt  }
0x5f: {  	_ =	shalt  }
0x60: {  	_ =	shalt  }
0x61: {  	_ =	shalt  }
0x62: {  	_ =	shalt  }
0x63: {  	_ =	shalt  }
0x64: {  	_ =	shalt  }
0x65: {  	_ =	shalt  }
0x66: {  	_ =	shalt  }
0x67: {  	_ =	shalt  }
0x68: {  	_ =	shalt  }
0x69: {  	_ =	shalt  }
0x6a: {  	_ =	shalt  }
0x6b: {  	_ =	shalt  }
0x6c: {  	_ =	shalt  }
0x6d: {  	_ =	shalt  }
0x6e: {  	_ =	shalt  }
0x6f: {  	_ =	shalt  }
0x70: {  	_ =	shalt  }
0x71: {  	_ =	shalt  }
0x72: {  	_ =	shalt  }
0x73: {  	_ =	shalt  }
0x74: {  	_ =	shalt  }
0x75: {  	_ =	shalt  }
0x76: {  	_ =	shalt  }
0x77: {  	_ =	shalt  }
0x78: {  	_ =	shalt  }
0x79: {  	_ =	shalt  }
0x7a: {  	_ =	shalt  }
0x7b: {  	_ =	shalt  }
0x7c: {  	_ =	shalt  }
0x7d: {  	_ =	shalt  }
0x7e: {  	_ =	shalt  }
0x7f: {  	_ =	shalt  }
0x80: {  	_ =	shalt  }
0x81: {  	_ =	shalt  }
0x82: {  	_ =	shalt  }
0x83: {  	_ =	shalt  }
0x84: {  	_ =	shalt  }
0x85: {  	_ =	shalt  }
0x86: {  	_ =	shalt  }
0x87: {  	_ =	shalt  }
.Lfunc_end0:
.L_simem_size_0:
called_computation_lowered:
.L_overlay_start_0:
0x88: {  	s2 =	sld [smem:$0x3FD9]  }
0x89: {  	s3 =	sld [smem:$0x3FFE];
	_ =	sdelay $0x1  }
0x8a: {  	s1 =	srdreg.scid  }
0x8b: {  	s0 =	sand.u32 $0x1, s1  }
0x8c: {  	s17 =	sshll.u32 s0, $0xA;
	s2 =	sadd.s32 s3, s2  }
0x8d: {  	s2 =	sadd.s32 s2, s17  }
0x8e: {  	[smem:$0x3FBB] =	sst s2  }
0x8f: {  	_ = 	snop  }
0x90: {  	s2 =	sld [smem:$0x3FD0];
	(tm) =	ssettm $0x1  }
0x91: {  	s18 =	sld [smem:$0x3FFB];
	_ =	sdelay $0x3  }
0x92: {  	_ =	strace s18  }
0x93: {  	s3 =	sld [smem:$0x3FFC];
	_ =	sdelay $0x3  }
0x94: {  	_ =	strace s3  }
0x95: {  	s3 =	sld [smem:$0x3FFD];
	_ =	sdelay $0x3  }
0x96: {  	_ =	strace s3  }
0x97: {  	_ =	strace $0x8FFFFFFF  }
0x98: {  	s19 =	sld [smem:$0x3FDB];
	_ =	sdelay $0x1  }
0x99: {  	s4 =	simm.s32 $_scs_section_size  }
0x9a: {  	s5 =	simm.s32 $_size__tile_overlayer_lowered;
	s6 =	simm.s32 $_tile_overlayer_lowered  }
0x9b: {  	s22 =	simm.s32 $0x1BFF;
	s21 =	sshll.u32 s6, $0x1;
	s3 =	sadd.s32 s4, s19  }
0x9c: {  	s7 =	simm.s32 $0x0;
	s20 =	sshll.u32 s5, $0x1;
	s5 =	sadd.s32 s21, s3  }
0x9d: {  	[timem:s7], [sflag:s22] =	dma.local [hbm:s5], s20  }
0x9e: {  	_ =	swait.ge [sflag:s22], s20  }
0x9f: {  	s4 =	ssub.s32 $0x0, s20;
	[sflag:s22] =	ssyncset.done $0x0  }
0xa0: {  	[sflag:s22] =	ssyncadd.s32 s4;
	_ =	sdelay $0x1  }
0xa1: {  	s23 =	simm.s32 $0x1B8B  }
0xa2: {  	_ =	swait.ge [sflag:s23], $0x1  }
0xa3: {  	[sflag:s23] =	ssyncset.done $0x0  }
0xa4: {  	s25 =	simm.s32 $0x1B8E;
	s24 =	sld [smem:$0x3FFE];
	[sflag:s23] =	ssyncadd.s32 $0xFFFFFFFF  }
0xa5: {  	s26 =	simm.s32 $execute0_lowered;
	[smem:$0x3FD2] =	sst s25  }
0xa6: {  	s5 =	sshll.u32 s26, $0x1;
	_ =	strace $0x80000046;
	[dreg:$0x1] =	wrdreg $0xFFFFFFFF  }
0xa7: {  	s28 =	simm.s32 $_size_execute0_lowered;
	s3 =	sadd.s32 s3, s5;
	[dreg:$0x0] =	wrdreg $0x0  }
0xa8: {  	s5 =	sshll.u32 s28, $0x1;
	[dreg:$0x2] =	wrdreg s3  }
0xa9: {  	[dreg:$0x3] =	wrdreg s5  }
0xaa: {  	[dreg:$0x4] =	wrdreg $0xC0  }
0xab: {  	_ =	task [dreg:s7], $0x5FFFF  }
0xac: {  	[dreg:$0x1] =	wrdreg $0xFFFFFFFF  }
0xad: {  	[dreg:$0x0] =	wrdreg $0x60  }
0xae: {  	[dreg:$0x2] =	wrdreg s24  }
0xaf: {  	[dreg:$0x3] =	wrdreg s2  }
0xb0: {  	[dreg:$0x4] =	wrdreg $0x9BC00  }
0xb1: {  	[dreg:$0x5] =	wrdreg $0x9  }
0xb2: {  	_ =	task.clear_ibuf [dreg:s7], $0x6FFFF;
	_ =	strace $0x90000046  }
0xb3: {  	s29 =	simm.s32 $0x9;
	_ =	strace $0x80000048  }
0xb4: {  	_ =	swait.ge [sflag:s29], $0x1  }
0xb5: {  	[sflag:s29] =	ssyncadd.s32 $0xFFFFFFFF  }
0xb6: {  	_ =	strace $0x90000048  }
0xb7: {  	_ =	sfence  }
0xb8: {  	s30 =	sld [smem:$0x0];
	_ =	sdelay $0x2  }
0xb9: {  	s31 =	sshll.u32 s1, $0xD;
	s1 =	sshrl.u32 s1, $0x2  }
0xba: {  	s3 =	sand.u32 $0x4000, s31;
	s1 =	sadd.s32 s1, s30  }
0xbb: {  	s0 =	sor.u32 s3, s0;
	s1 =	sshll.u32 s1, $0x11  }
0xbc: {  	s0 =	sor.u32 s1, s0  }
0xbd: {  	s0 =	sadd.s32 $0x8F2B, s0  }
0xbe: {  	[sflag:s0] =	ssyncadd.remote.s32 $0x1  }
0xbf: {  	_ =	sfence.sel $0xFFFF  }
0xc0: {  	[dreg:$0x0] =	wrdreg $0xFFFFFFFF;
	(pc) =	sbr.abs _section_cstart, $3  }
0xc1: {  	[dreg:$0x1] =	wrdreg $0xFFFFFFFF  }
0xc2: {  	_ =	task.clear_ibuf [dreg:s7], $0x2FFFF;
	_ =	strace $0x9FFFFFFF  }
0xc3: {  	(tm) =	ssettm $0x7FFFFFFF  }
tec
execute0_lowered:
.L_overlay_start_1:
0x0: {  	(tag) =	ssettag $0x1  }
0x1: {  	s0 =	rddreg [dreg:$0x0]  }
0x2: {  	s16 =	rddreg [dreg:$0x2]  }
0x3: {  	s3 =	simm.s32 $0x0;
	s1 =	srdreg.scid;
	s5 =	stileid.u32  }
0x4: {  	s30 =	simm.s32 $0x5;
	s12 =	simm.s32 $0x1;
	s28 =	simm.s32 $0x3  }
0x5: {  	s29 =	simm.s32 $0x6;
	[smem:$0x7FF] =	sst s3;
	s4 =	sadd.s32 $0xC200, s0  }
0x6: {  	s1 =	sand.u32 $0x1, s1;
	s6 =	sadd.s32 $0x5A400, s0;
	s7 =	sadd.s32 $0x7200, s0  }
0x7: {  	s8 =	sadd.s32 $0x2200, s0;
	s10 =	sshll.u32 s5, $0x2;
	s22 =	smul.u32 $0x5A00, s5  }
0x8: {  	s23 =	smul.u32 $0x2D0, s5;
	s24 =	sor.u32 $0x20, s5;
	s25 =	sor.u32 $0x30, s5  }
0x9: {  	s26 =	ssub.s32 $0x1388, s5;
	_ =	strace $0x80000047;
	[dreg:$0x8] =	wrdreg s24  }
0xa: {  	s31 =	ssub.s32 $0x1378, s5;
	s2 =	smul.u32 $0x2BF20, s1;
	[dreg:$0x9] =	wrdreg s25  }
0xb: {  	s9 =	ssub.s32 $0x2, s1;
	s1 =	smul.u32 $0x2710, s1;
	[dreg:$0xa] =	wrdreg s26  }
0xc: {  	s19 =	sadd.s32 s7, s10;
	s20 =	sadd.s32 s8, s10;
	[dreg:$0xb] =	wrdreg s31  }
0xd: {  	s21 =	sor.u32 $0x40, s10;
	s26 =	simm.s32 $0x40;
	[dreg:$0x4] =	wrdreg s19  }
0xe: {  	s18 =	sshrl.u32 s9, $0x1;
	[dreg:$0x5] =	wrdreg s20;
	s11 =	sadd.s32 s7, s21  }
0xf: {  	s10 =	sshrl.u32 s22, $0x2;
	s20 =	simm.s32 $0x20;
	s0 =	sadd.s32 s2, s0  }
0x10: {  	s2 =	ssub.s32 s9, s18;
	[dreg:$0x6] =	wrdreg s11;
	s9 =	sadd.s32 s8, s21  }
0x11: {  	s15 =	sadd.s32 s10, s16;
	s18 =	simm.s32 $0x4;
	[dreg:$0x7] =	wrdreg s9  }
0x12: {  	s0 =	sadd.s32 s23, s0;
	s2 =	smax.u32 s2, $0x1;
	[dreg:$0xd] =	wrdreg s15  }
0x13: {  	vm0 =	vcmask $0x3F10;
	vm1 =	vcmask $0x3F0C;
	v0 =	vmov s1;
	s1 =	simm.s32 $0x0;
	[dreg:$0xc] =	wrdreg s2;
	s0 =	sadd.s32 $0xA8600, s0  }
0x14: {  	vm2 =	vcmask $0x3F08;
	vm3 =	vmmov $0x1;
	s23 =	simm.s32 $0x2;
	s9 =	simm.s32 $0x42E0;
	[tilespmem:$0x1FFF0] =	vst v0;
	v0 =	vimm.f32 $0.0e+00;
	[dreg:$0xe] =	wrdreg s0  }
.LBB2_1:
0x15: {  	[dreg:$0xf] =	wrdreg s1;
	s0 =	simm.s32 $0x0;
	s1 =	simm.s32 $0x240  }
.LBB2_2:
0x16: {  	p0 =	sne.s32 s1, $0x57C0;
	[tilespmem:s0+$0x85C0] =	vst v0  }
0x17: {  	[tilespmem:s0+$0x8540] =	vst v0  }
0x18: {  	[tilespmem:s0+$0x8550] =	vst v0  }
0x19: {  	[tilespmem:s0+$0x8560] =	vst v0  }
.Ltmp0:
0x1a: {  	[tilespmem:s0+$0x8570] =	vst v0;
	(pc) =	sbr.rel @p0 .LBB2_2-.Ltmp0, $4  }
0x1b: {  	[tilespmem:s0+$0x8580] =	vst v0  }
0x1c: {  	[tilespmem:s0+$0x8590] =	vst v0  }
0x1d: {  	[tilespmem:s0+$0x85A0] =	vst v0  }
0x1e: {  	[tilespmem:s0+$0x85B0] =	vst v0;
	s0 =	sshra.s32 s1, $0x2;
	s1 =	sadd.s32 $0x240, s1  }
0x1f: {  	[tilespmem:s0+$0x85C0] =	vst v0  }
0x20: {  	[tilespmem:s0+$0x8540] =	vst v0  }
0x21: {  	[tilespmem:s0+$0x8550] =	vst v0  }
0x22: {  	[tilespmem:s0+$0x8560] =	vst v0  }
0x23: {  	[tilespmem:s0+$0x8570] =	vst v0  }
0x24: {  	[tilespmem:s0+$0x8580] =	vst v0  }
0x25: {  	[tilespmem:s0+$0x8590] =	vst v0;
	s1 =	sadd.s32 $0x0, s5  }
0x26: {  	[tilespmem:s0+$0x85A0] =	vst v0;
	p0 =	sgt.u32 s1, $0xF9  }
0x27: {  	[tilespmem:s0+$0x85B0] =	vst v0;
	s0 =	simm.s32 @!p0 $0x8540;
	s10 =	simm.s32 @!p0 $0x7  }
0x28: {  	[spmem:s15] =	stream.linear.scatter @!p0 [tilespmem:s0], [sflag:$0x7], $0x1680, $0x38;
	[tilespmem:$0x1FB50] =	vst v63  }
0x29: {  	s2 =	simm.s32 $0x20;
	_ =	swait.ge @!p0 [sflag:s10], $0x1680  }
0x2a: {  	s1 =	simm.s32 $0x10;
	s0 =	sadd.s32 $0x16800, s15;
	[sflag:s10] =	ssyncset.done @!p0 $0x0  }
.LBB2_4:
0x2b: {  	s11 =	sadd.s32 s1, s5;
	s1 =	smov.u32 s2;
	s2 =	sadd.s32 $0x10, s2  }
0x2c: {  	[sflag:s10] =	ssyncadd.s32 @!p0 $0xFFFFE980;
	p1 =	sne.s32 s2, $0x100  }
.Ltmp1:
0x2d: {  	p0 =	sgt.u32 s11, $0xF9;
	(pc) =	sbr.rel @p1 .LBB2_4-.Ltmp1, $4  }
0x2e: {  	s11 =	simm.s32 @!p0 $0x8540;
	s10 =	simm.s32 @!p0 $0x7  }
0x2f: {  	[spmem:s0] =	stream.linear.scatter @!p0 [tilespmem:s11], [sflag:$0x7], $0x1680, $0x38;
	[tilespmem:$0x1FB50] =	vst v63  }
0x30: {  	_ =	swait.ge @!p0 [sflag:s10], $0x1680  }
0x31: {  	s0 =	sadd.s32 $0x16800, s0;
	[sflag:s10] =	ssyncset.done @!p0 $0x0  }
0x32: {  	s1 =	sadd.s32 s1, s5  }
0x33: {  	p1 =	sgt.u32 s1, $0xF9  }
0x34: {  	[sflag:s10] =	ssyncadd.s32 @!p0 $0xFFFFE980;
	s1 =	simm.s32 @!p1 $0x8540;
	s2 =	simm.s32 @!p1 $0x7  }
0x35: {  	[spmem:s0] =	stream.linear.scatter @!p1 [tilespmem:s1], [sflag:$0x7], $0x1680, $0x38;
	[tilespmem:$0x1FB50] =	vst v63  }
0x36: {  	_ =	swait.ge @!p1 [sflag:s2], $0x1680  }
0x37: {  	[sflag:s2] =	ssyncset.done @!p1 $0x0  }
0x38: {  	[sflag:s2] =	ssyncadd.s32 @!p1 $0xFFFFE980  }
0x39: {  	[bflag:$0x0] =	sbarrier.arrive $0xFFFF  }
0x3a: {  	s31 =	simm.s32 $0x0;
	s17 =	rddreg [dreg:$0x4]  }
0x3b: {  	[tilespmem:s31], [sflag:$0x2] =	stream.linear.gather [hbm4b:s17+s31], $0x20, $0x38;
	[tilespmem:$0x1FB50] =	vst v63  }
0x3c: {  	s19 =	rddreg [dreg:$0x5]  }
0x3d: {  	[tilespmem:s20], [sflag:$0x2] =	stream.linear.gather [hbm4b:s19+s31], $0x20, $0x38;
	[tilespmem:$0x1FB50] =	vst v63  }
0x3e: {  	s22 =	simm.s32 $0x42A0;
	s21 =	rddreg [dreg:$0x6]  }
0x3f: {  	[tilespmem:s22], [sflag:$0x5] =	stream.linear.gather [hbm4b:s21+s31], $0x20, $0x38;
	[tilespmem:$0x1FB50] =	vst v63  }
0x40: {  	s25 =	simm.s32 $0x42C0;
	s24 =	rddreg [dreg:$0x7]  }
0x41: {  	[tilespmem:s25], [sflag:$0x5] =	stream.linear.gather [hbm4b:s24+s31], $0x20, $0x38;
	[tilespmem:$0x1FB50] =	vst v63  }
.LBB2_6:
0x42: {  	_ =	swait.ge [sflag:s23], $0x20  }
0x43: {  	[sflag:s23] =	ssyncset.done $0x0  }
0x44: {  	[sflag:s23] =	ssyncadd.s32 $0xFFFFFFE0  }
0x45: {  	_ =	swait.ge [sflag:s23], $0x20  }
0x46: {  	[sflag:s23] =	ssyncset.done $0x0  }
0x47: {  	v0 =	vld [tilespmem:$0x1FFF0];
	[sflag:s23] =	ssyncadd.s32 $0xFFFFFFE0  }
0x48: {  	v2 =	vld [tilespmem:$0x0]  }
0x49: {  	v3 =	vld [tilespmem:$0x20]  }
0x4a: {  	v5 =	vld [tilespmem:$0x30];
	_ =	sdelay $0x1  }
0x4b: {  	v4 =	vld [tilespmem:$0x10];
	_ =	sdelay $0x1  }
0x4c: {  	[tilespmem:$0x80] =	vst v3  }
0x4d: {  	v2 =	vadd.s32 v0, v2;
	[tilespmem:$0x90] =	vst v5  }
0x4e: {  	[tilespmem:$0x40] =	vst v2;
	v2 =	vadd.s32 v0, v3  }
0x4f: {  	[tilespmem:$0x60] =	vst v2;
	v2 =	vadd.s32 v0, v4  }
0x50: {  	[tilespmem:$0x50] =	vst v2;
	v2 =	vadd.s32 v0, v5  }
0x51: {  	s0 =	simm.s32 $0x60;
	s1 =	simm.s32 $0xA0;
	[tilespmem:$0x70] =	vst v2  }
0x52: {  	[tilespmem:s1], [sflag:$0x1] =	stream.indirect.gather [hbm4b:s4+s20], $0x80, s0, s20, $0xb8;
	[tilespmem:$0x1FB50] =	vst v63  }
0x53: {  	s21 =	simm.s32 $0x10A0  }
0x54: {  	[tilespmem:s21], [sflag:$0x1] =	stream.indirect.gather [hbm4b:s6+s20], $0x80, s26, s20, $0xb8;
	[tilespmem:$0x1FB50] =	vst v63  }
0x55: {  	s24 =	simm.s32 $0x20A0;
	s22 =	rddreg [dreg:$0x1]  }
0x56: {  	[tilespmem:s24], [sflag:$0x1] =	stream.indirect.gather [hbm4b:s22+s20], $0x80, s26, s20, $0xb8;
	[tilespmem:$0x1FB50] =	vst v63  }
0x57: {  	_ =	swait.ge [sflag:s30], $0x20  }
0x58: {  	[sflag:s30] =	ssyncset.done $0x0  }
0x59: {  	[sflag:s30] =	ssyncadd.s32 $0xFFFFFFE0  }
0x5a: {  	_ =	swait.ge [sflag:s30], $0x20  }
0x5b: {  	[sflag:s30] =	ssyncset.done $0x0  }
0x5c: {  	[sflag:s30] =	ssyncadd.s32 $0xFFFFFFE0  }
0x5d: {  	v2 =	vld [tilespmem:$0x42A0]  }
0x5e: {  	v3 =	vld [tilespmem:$0x42C0]  }
0x5f: {  	v5 =	vld [tilespmem:$0x42D0];
	_ =	sdelay $0x1  }
0x60: {  	v4 =	vld [tilespmem:$0x42B0];
	_ =	sdelay $0x1  }
0x61: {  	[tilespmem:$0x4320] =	vst v3  }
0x62: {  	v2 =	vadd.s32 v0, v2;
	[tilespmem:$0x4330] =	vst v5  }
0x63: {  	[tilespmem:$0x42E0] =	vst v2;
	v2 =	vadd.s32 v0, v3  }
0x64: {  	[tilespmem:$0x4300] =	vst v2;
	v2 =	vadd.s32 v0, v4  }
0x65: {  	s0 =	sshll.u32 s31, $0x5;
	s13 =	rddreg [dreg:$0x8];
	[tilespmem:$0x42F0] =	vst v2;
	v2 =	vadd.s32 v0, v5  }
0x66: {  	s25 =	simm.s32 $0x4300;
	s2 =	simm.s32 $0x4340;
	s1 =	sadd.s32 s13, s0;
	[tilespmem:$0x4310] =	vst v2  }
0x67: {  	[tilespmem:s2], [sflag:$0x4] =	stream.indirect.gather [hbm4b:s4+s20], $0x80, s25, s20, $0xb8;
	[tilespmem:$0x1FB50] =	vst v63  }
0x68: {  	s10 =	simm.s32 $0x5340;
	s1 =	smin.u32 s1, $0x1387  }
0x69: {  	[tilespmem:s10], [sflag:$0x4] =	stream.indirect.gather [hbm4b:s6+s20], $0x80, s9, s20, $0xb8;
	[tilespmem:$0x1FB50] =	vst v63  }
0x6a: {  	s11 =	simm.s32 $0x6340;
	s1 =	sshll.u32 s1, $0x2  }
0x6b: {  	[tilespmem:s11], [sflag:$0x4] =	stream.indirect.gather [hbm4b:s22+s20], $0x80, s9, s20, $0xb8;
	[tilespmem:$0x1FB50] =	vst v63  }
0x6c: {  	s14 =	sadd.s32 s7, s1  }
0x6d: {  	[tilespmem:s3], [sflag:$0x2] =	stream.linear.gather [hbm4b:s14+s3], $0x20, $0x38;
	[tilespmem:$0x1FB50] =	vst v63  }
0x6e: {  	s15 =	rddreg [dreg:$0x9];
	s1 =	sadd.s32 s8, s1  }
0x6f: {  	[tilespmem:s20], [sflag:$0x2] =	stream.linear.gather [hbm4b:s1+s3], $0x20, $0x38;
	[tilespmem:$0x1FB50] =	vst v63  }
0x70: {  	s1 =	sadd.s32 s15, s0  }
0x71: {  	s1 =	smin.u32 s1, $0x1387  }
0x72: {  	s1 =	sshll.u32 s1, $0x2  }
0x73: {  	s10 =	simm.s32 $0x42A0;
	s17 =	sadd.s32 s7, s1  }
0x74: {  	[tilespmem:s10], [sflag:$0x5] =	stream.linear.gather [hbm4b:s17+s3], $0x20, $0x38;
	[tilespmem:$0x1FB50] =	vst v63  }
0x75: {  	s19 =	simm.s32 $0x42C0;
	s1 =	sadd.s32 s8, s1  }
0x76: {  	[tilespmem:s19], [sflag:$0x5] =	stream.linear.gather [hbm4b:s1+s3], $0x20, $0x38;
	[tilespmem:$0x1FB50] =	vst v63  }
0x77: {  	_ =	swait.ge [sflag:s12], $0x1000  }
0x78: {  	[sflag:s12] =	ssyncset.done $0x0  }
0x79: {  	[sflag:s12] =	ssyncadd.s32 $0xFFFFF000  }
0x7a: {  	_ =	swait.ge [sflag:s12], $0x1000  }
0x7b: {  	[sflag:s12] =	ssyncset.done $0x0  }
0x7c: {  	[sflag:s12] =	ssyncadd.s32 $0xFFFFF000  }
0x7d: {  	_ =	swait.ge [sflag:s12], $0x1000  }
0x7e: {  	[sflag:s12] =	ssyncset.done $0x0  }
0x7f: {  	s2 =	simm.s32 $0x1A0;
	[sflag:s12] =	ssyncadd.s32 $0xFFFFF000  }
0x80: {  	s1 =	simm.s32 $0x11A0;
	v2 =	vld [tilespmem:s2+$0x80]  }
0x81: {  	v3 =	vld [tilespmem:s1+$0x80]  }
0x82: {  	v4 =	vld [tilespmem:s2+$0x90]  }
0x83: {  	v5 =	vld [tilespmem:s1+$0x90];
	_ =	sdelay $0x4  }
0x84: {  	v2 =	vmul.f32 v3, v2;
	v3 =	vmul.f32 v5, v4  }
0x85: {  	v6 =	vld [tilespmem:s1+$0xFFFFFF00]  }
0x86: {  	v7 =	vld [tilespmem:s1+$0xFFFFFF80];
	v2 =	vadd.f32 v3, v2  }
0x87: {  	v8 =	vld [tilespmem:s1+$0xFFFFFF90]  }
0x88: {  	v9 =	vld [tilespmem:s2+$0x0];
	(xrf2) =	vadd.scan.msk.f32 $0xffff, v2  }
0x89: {  	v10 =	vld [tilespmem:s2+$0xA0]  }
0x8a: {  	v11 =	vld [tilespmem:s1+$0xA0]  }
0x8b: {  	v12 =	vld [tilespmem:s2+$0xB0]  }
0x8c: {  	v13 =	vld [tilespmem:s1+$0xB0]  }
0x8d: {  	v14 =	vld [tilespmem:s1+$0x0]  }
0x8e: {  	v15 =	vld [tilespmem:s2+$0x10]  }
0x8f: {  	v3 =	vld [tilespmem:s2+$0xFFFFFF80]  }
0x90: {  	v2 =	vld [tilespmem:s2+$0xFFFFFF90]  }
0x91: {  	v16 =	vld [tilespmem:s1+$0x10]  }
0x92: {  	v18 =	vld [tilespmem:s2+$0xC0];
	v17, _, _ =	vpop (xrf2)  }
0x93: {  	v4 =	vld [tilespmem:s2+$0xFFFFFF10];
	(v2sf) =	vpush v17, $0xF  }
0x94: {  	v5 =	vld [tilespmem:s1+$0xFFFFFF10];
	v10 =	vmul.f32 v11, v10;
	v11 =	vmul.f32 v13, v12  }
0x95: {  	v12 =	vld [tilespmem:s2+$0xFFFFFF30];
	v3 =	vmul.f32 v7, v3;
	v2 =	vmul.f32 v8, v2  }
0x96: {  	v7 =	vld [tilespmem:s2+$0xFFFFFF00]  }
0x97: {  	v13 =	vld [tilespmem:s2+$0xFFFFFFB0];
	v2 =	vadd.f32 v2, v3  }
0x98: {  	v10 =	vadd.f32 v11, v10;
	v11 =	vld [tilespmem:s2+$0xFFFFFFA0]  }
0x99: {  	v8 =	vld [tilespmem:s2+$0xFFFFFF20];
	(xrf2) =	vadd.scan.msk.f32 $0xffff, v2  }
0x9a: {  	v3 =	vld [tilespmem:s1+$0xFFFFFF20];
	(xrf2) =	vadd.scan.msk.f32 $0xffff, v10  }
0x9b: {  	v4 =	vmul.f32 v5, v4;
	v5 =	vmul.f32 v6, v7;
	v7 =	vld [tilespmem:s2+$0xD0]  }
0x9c: {  	v2 =	vld [tilespmem:s1+$0xFFFFFF30]  }
0x9d: {  	v10 =	vld [tilespmem:s1+$0xFFFFFFA0]  }
0x9e: {  	v4 =	vadd.f32 v4, v5;
	v5 =	vld [tilespmem:s1+$0xD0]  }
0x9f: {  	v9 =	vmul.f32 v14, v9;
	v17 =	vld [tilespmem:s1+$0xFFFFFFB0]  }
0xa0: {  	v14 =	vmul.f32 v16, v15;
	v6 =	vld [tilespmem:s1+$0xC0];
	v3 =	vmul.f32 v3, v8  }
0xa1: {  	v2 =	vmul.f32 v2, v12  }
0xa2: {  	v8 =	vadd.f32 v14, v9;
	(xrf2) =	vadd.scan.msk.f32 $0xffff, v4;
	s21 =	spop (v2sf)  }
0xa3: {  	v4 =	vmul.f32 v10, v11;
	v2 =	vadd.f32 v2, v3;
	v9, _, _ =	vpop (xrf2);
	s10 =	smul.f32 $1.767766920e-01, s21  }
0xa4: {  	v5 =	vmul.f32 v5, v7;
	(v2sf) =	vpush v9, $0xF;
	v3, _, _ =	vpop (xrf2);
	v9 =	vmul.f32 v17, v13;
	(xrf2) =	vadd.scan.msk.f32 $0xffff, v8  }
0xa5: {  	(v2sf) =	vpush v3, $0xF;
	v3 =	vmul.f32 v6, v18;
	(xrf2) =	vadd.scan.msk.f32 $0xffff, v2;
	v2 =	vmov s10  }
0xa6: {  	v4 =	vadd.f32 v9, v4;
	v2 =	vmul.f32 $1.442695020e+00, v2  }
0xa7: {  	v3 =	vadd.f32 v5, v3  }
0xa8: {  	(xrf2) =	vadd.scan.msk.f32 $0xffff, v4;
	v2 =	vbroadcast v2, $0x0  }
0xa9: {  	(xrf2) =	vadd.scan.msk.f32 $0xffff, v3;
	_ =	sdelay $0x2  }
0xaa: {  	(erf) = vpow2.f32 v2;
	v2, _, _ =	vpop (xrf2)  }
0xab: {  	v19 =	vld [tilespmem:s1+$0xFFFFFFC0];
	(v2sf) =	vpush v2, $0xF  }
0xac: {  	v20 =	vld [tilespmem:s2+$0xFFFFFFD0];
	v2, _, _ =	vpop (xrf2)  }
0xad: {  	v21 =	vld [tilespmem:s1+$0xFFFFFFD0];
	(v2sf) =	vpush v2, $0xF;
	v2, _, _ =	vpop (xrf2)  }
0xae: {  	v22 =	vld [tilespmem:s2+$0x40];
	(v2sf) =	vpush v2, $0xF  }
0xaf: {  	v23 =	vld [tilespmem:s1+$0x40]  }
0xb0: {  	s19 =	simm.s32 $0x21A0;
	s22 =	rddreg [dreg:$0xa];
	v24 =	vld [tilespmem:s2+$0x50];
	v2, _, _ =	vpop (xrf2)  }
0xb1: {  	p0 =	slt.u32 s0, s22;
	v5 =	vld [tilespmem:s19+$0x80];
	s10 =	simm.f32 $1.000000000e+00;
	s11 =	spop (v2sf);
	(v2sf) =	vpush v2, $0xF;
	v10, _, _ =	vpop (xrf2)  }
0xb2: {  	v26 =	vld [tilespmem:s1+$0x50];
	s10 =	simm.s32 @!p0 $0x0;
	s11 =	smul.f32 $1.767766920e-01, s11;
	s13 =	spop (v2sf);
	(v2sf) =	vpush v10, $0xF  }
0xb3: {  	v29 =	vld [tilespmem:s2+$0xFFFFFF60];
	s24 =	smul.f32 $1.767766920e-01, s13;
	v2 =	vmov s10;
	v11 =	vpop (erf)  }
0xb4: {  	v30 =	vld [tilespmem:s1+$0xFFFFFF60];
	v13 =	vmov s11;
	v10 =	vmul.f32 v11, v2  }
0xb5: {  	v15 =	vld [tilespmem:s1+$0xE0];
	v11 =	vmul.f32 $1.442695020e+00, v13;
	v13 =	vmov s24  }
0xb6: {  	v16 =	vld [tilespmem:s2+$0xF0];
	v13 =	vmul.f32 $1.442695020e+00, v13;
	v5 =	vmul.f32 v5, v10  }
0xb7: {  	v14 =	vld [tilespmem:s2+$0xE0];
	s10 =	simm.s32 $0x31C0;
	v11 =	vbroadcast v11, $0x0  }
0xb8: {  	v17 =	vld [tilespmem:s1+$0xF0];
	[tilespmem:s10+$0x90] =	vst v5;
	v5 =	vbroadcast v13, $0x0  }
0xb9: {  	(erf) = vpow2.f32 v11;
	v11 =	vld [tilespmem:s19+$0x90]  }
0xba: {  	v34 =	vld [tilespmem:s1+$0xFFFFFF70];
	(erf) = vpow2.f32 v5;
	s25 =	spop (v2sf)  }
0xbb: {  	v35 =	vld [tilespmem:s2+$0xFFFFFFE0];
	s11 =	smul.f32 $1.767766920e-01, s25  }
0xbc: {  	v53 =	vld [tilespmem:s19+$0xFFFFFF80];
	s13 =	spop (v2sf)  }
0xbd: {  	v54 =	vld [tilespmem:s1+$0xFFFFFFE0];
	s14 =	spop (v2sf);
	v5 =	vmov s11;
	s11 =	smul.f32 $1.767766920e-01, s13  }
0xbe: {  	v36 =	vld [tilespmem:s1+$0xFFFFFFF0];
	v11 =	vmul.f32 v11, v10;
	s13 =	smul.f32 $1.767766920e-01, s14;
	v5 =	vmul.f32 $1.442695020e+00, v5  }
0xbf: {  	v12 =	vld [tilespmem:s2+$0xFFFFFF50]  }
0xc0: {  	v7 =	vld [tilespmem:s1+$0x30];
	s15 =	spop (v2sf);
	[tilespmem:s10+$0xA0] =	vst v11;
	v28 =	vmov s13;
	v5 =	vbroadcast v5, $0x0  }
0xc1: {  	s17 =	spop (v2sf);
	v11 =	vmov s11;
	v25 =	vld [tilespmem:s19+$0xA0];
	s11 =	smul.f32 $1.767766920e-01, s15  }
0xc2: {  	v8 =	vld [tilespmem:s2+$0xFFFFFF40];
	v27 =	vpop (erf);
	s13 =	smul.f32 $1.767766920e-01, s17;
	v11 =	vmul.f32 $1.442695020e+00, v11;
	(erf) = vpow2.f32 v5  }
0xc3: {  	v6 =	vld [tilespmem:s2+$0x30];
	v32 =	vmov s11;
	v5 =	vmul.f32 $1.442695020e+00, v28;
	v28 =	vpop (erf)  }
0xc4: {  	v18 =	vld [tilespmem:s1+$0xFFFFFF50];
	v33 =	vmov s13;
	v31 =	vbroadcast v11, $0x0;
	v11 =	vmul.f32 v28, v2  }
0xc5: {  	v4 =	vld [tilespmem:s1+$0x20];
	v32 =	vmul.f32 $1.442695020e+00, v32;
	v33 =	vmul.f32 $1.442695020e+00, v33  }
0xc6: {  	v3 =	vld [tilespmem:s2+$0x20];
	v5 =	vbroadcast v5, $0x0;
	v25 =	vmul.f32 v25, v11  }
0xc7: {  	v9 =	vld [tilespmem:s1+$0xFFFFFF40];
	(erf) = vpow2.f32 v31;
	v31 =	vbroadcast v32, $0x0  }
0xc8: {  	v13 =	vld [tilespmem:s2+$0xFFFFFFC0];
	(erf) = vpow2.f32 v5;
	v5 =	vbroadcast v33, $0x0;
	[tilespmem:s10+$0xB0] =	vst v25  }
0xc9: {  	(erf) = vpow2.f32 v31;
	v25 =	vld [tilespmem:s19+$0xB0]  }
0xca: {  	v31 =	vld [tilespmem:s19+$0xFFFFFF00];
	(erf) = vpow2.f32 v5;
	v5 =	vmul.f32 v27, v2  }
0xcb: {  	v3 =	vmul.f32 v4, v3;
	v4 =	vmul.f32 v7, v6;
	v28 =	vld [tilespmem:s2+$0xFFFFFF70];
	v6 =	vpop (erf)  }
0xcc: {  	v12 =	vmul.f32 v18, v12;
	v27 =	vld [tilespmem:s2+$0xFFFFFFF0];
	[tilespmem:$0x1FFA0] =	vst v5;
	v0 =	vmul.f32 v6, v2  }
0xcd: {  	v8 =	vmul.f32 v9, v8;
	v9 =	vld [tilespmem:s2+$0x60];
	v6 =	vmul.f32 v53, v5  }
0xce: {  	v3 =	vadd.f32 v4, v3;
	v4 =	vmul.f32 v19, v13;
	v18 =	vld [tilespmem:s19+$0x0];
	v25 =	vmul.f32 v25, v11;
	[tilespmem:$0x1FF80] =	vst v0  }
0xcf: {  	v31 =	vmul.f32 v31, v0;
	[tilespmem:s10+$0xFFFFFF70] =	vst v6  }
0xd0: {  	v19 =	vpop (erf);
	v6 =	vmul.f32 v21, v20;
	[tilespmem:s10+$0xC0] =	vst v25;
	v20 =	vld [tilespmem:s19+$0xFFFFFF90]  }
0xd1: {  	v8 =	vadd.f32 v12, v8;
	v13 =	vpop (erf);
	[tilespmem:s10+$0xFFFFFEE0] =	vst v31;
	v21 =	vld [tilespmem:s19+$0xC0]  }
0xd2: {  	(xrf2) =	vadd.scan.msk.f32 $0xffff, v3;
	v1 =	vmov v0;
	v0 =	vmul.f32 v19, v2;
	v3 =	vadd.f32 v6, v4;
	v19 =	vld [tilespmem:s19+$0xFFFFFF10];
	v4 =	vpop (erf)  }
0xd3: {  	(xrf2) =	vadd.scan.msk.f32 $0xffff, v8;
	v8 =	vmul.f32 v15, v14;
	v14 =	vmul.f32 v17, v16;
	v12 =	vpop (erf)  }
0xd4: {  	v16 =	vld [tilespmem:s1+$0x60];
	v15 =	vmul.f32 v18, v0;
	v12 =	vmul.f32 v12, v2  }
0xd5: {  	v18 =	vmul.f32 v23, v22;
	(xrf2) =	vadd.scan.msk.f32 $0xffff, v3;
	v3 =	vld [tilespmem:s2+$0x70];
	[tilespmem:$0x1FFB0] =	vst v0;
	v17 =	vmul.f32 v20, v5  }
0xd6: {  	v8 =	vadd.f32 v14, v8;
	v14 =	vld [tilespmem:s1+$0x70];
	[tilespmem:s10+$0x0] =	vst v15;
	v15 =	vmul.f32 v21, v12;
	v20 =	vmul.f32 v26, v24  }
0xd7: {  	v22 =	vmul.f32 v54, v35;
	v21 =	vld [tilespmem:s19+$0x10];
	v19 =	vmul.f32 v19, v1;
	[tilespmem:s10+$0xFFFFFF80] =	vst v17  }
0xd8: {  	(xrf2) =	vadd.scan.msk.f32 $0xffff, v8;
	[tilespmem:s10+$0xD0] =	vst v15;
	v17 =	vadd.f32 v20, v18;
	v20 =	vmul.f32 v34, v28  }
0xd9: {  	v23 =	vmul.f32 v36, v27;
	v18 =	vmul.f32 v30, v29;
	[tilespmem:s10+$0xFFFFFEF0] =	vst v19;
	v19 =	vld [tilespmem:s19+$0xD0]  }
0xda: {  	s1 =	simm.s32 $0x13A0  }
0xdb: {  	v22 =	vadd.f32 v23, v22;
	s2 =	simm.s32 $0x3A0;
	v23 =	vld [tilespmem:s1+$0x80];
	(xrf2) =	vadd.scan.msk.f32 $0xffff, v17;
	v17 =	vadd.f32 v20, v18  }
0xdc: {  	v18 =	vld [tilespmem:s2+$0x80];
	v21 =	vmul.f32 v21, v0;
	v20, _, _ =	vpop (xrf2)  }
0xdd: {  	(v2sf) =	vpush v20, $0xF;
	v20, _, _ =	vpop (xrf2);
	(xrf2) =	vadd.scan.msk.f32 $0xffff, v17;
	v17 =	vld [tilespmem:s2+$0x90]  }
0xde: {  	[tilespmem:s10+$0x10] =	vst v21;
	v21 =	vld [tilespmem:s1+$0x90];
	v19 =	vmul.f32 v19, v12  }
0xdf: {  	v25 =	vld [tilespmem:s2+$0xA0];
	(v2sf) =	vpush v20, $0xF;
	v20, _, _ =	vpop (xrf2);
	(xrf2) =	vadd.scan.msk.f32 $0xffff, v22  }
0xe0: {  	v9 =	vmul.f32 v16, v9;
	v31 =	vld [tilespmem:s2+$0xFFFFFF20];
	v3 =	vmul.f32 v14, v3;
	(v2sf) =	vpush v20, $0xF  }
0xe1: {  	v56 =	vld [tilespmem:s2+$0xFFFFFF30]  }
0xe2: {  	v24 =	vld [tilespmem:s2+$0x10];
	v3 =	vadd.f32 v3, v9;
	[tilespmem:s10+$0xE0] =	vst v19;
	v19, _, _ =	vpop (xrf2)  }
0xe3: {  	v26 =	vld [tilespmem:s1+$0xA0];
	v18 =	vmul.f32 v23, v18;
	v17 =	vmul.f32 v21, v17;
	(v2sf) =	vpush v19, $0xF  }
0xe4: {  	v28 =	vld [tilespmem:s2+$0xB0];
	(xrf2) =	vadd.scan.msk.f32 $0xffff, v3  }
0xe5: {  	v8 =	vld [tilespmem:s19+$0xFFFFFFA0];
	v21, _, _ =	vpop (xrf2);
	v17 =	vadd.f32 v17, v18  }
0xe6: {  	v22 =	vld [tilespmem:s1+$0xFFFFFF80];
	(v2sf) =	vpush v21, $0xF  }
0xe7: {  	v23 =	vld [tilespmem:s1+$0xFFFFFF90];
	(xrf2) =	vadd.scan.msk.f32 $0xffff, v17  }
0xe8: {  	v19 =	vld [tilespmem:s2+$0xFFFFFF80];
	v21, _, _ =	vpop (xrf2)  }
0xe9: {  	v18 =	vld [tilespmem:s2+$0xFFFFFF90];
	(v2sf) =	vpush v21, $0xF;
	v17, _, _ =	vpop (xrf2)  }
0xea: {  	v9 =	vld [tilespmem:s2+$0xFFFFFF10];
	(v2sf) =	vpush v17, $0xF  }
0xeb: {  	v20 =	vld [tilespmem:s1+$0xFFFFFF00]  }
0xec: {  	v3 =	vld [tilespmem:s1+$0xFFFFFF10]  }
0xed: {  	v21 =	vld [tilespmem:s2+$0x0];
	s21 =	spop (v2sf)  }
0xee: {  	v19 =	vmul.f32 v22, v19;
	v22 =	vld [tilespmem:s1+$0xB0];
	v18 =	vmul.f32 v23, v18;
	v27, _, _ =	vpop (xrf2);
	s22 =	spop (v2sf)  }
0xef: {  	v17 =	vld [tilespmem:s1+$0x0];
	s11 =	smul.f32 $1.767766920e-01, s21;
	s14 =	spop (v2sf);
	(v2sf) =	vpush v27, $0xF  }
0xf0: {  	v18 =	vadd.f32 v18, v19;
	v19 =	vld [tilespmem:s2+$0xFFFFFF00]  }
0xf1: {  	v15 =	vld [tilespmem:s19+$0xFFFFFF20];
	v23 =	vmov s11;
	v55, _, _ =	vpop (xrf2)  }
0xf2: {  	v25 =	vmul.f32 v26, v25;
	(xrf2) =	vadd.scan.msk.f32 $0xffff, v18;
	v18 =	vld [tilespmem:s1+$0xFFFFFF20];
	s13 =	smul.f32 $1.767766920e-01, s22;
	v23 =	vmul.f32 $1.442695020e+00, v23;
	s25 =	spop (v2sf);
	(v2sf) =	vpush v55, $0xF  }
0xf3: {  	v3 =	vmul.f32 v3, v9;
	v22 =	vmul.f32 v22, v28;
	v27 =	vld [tilespmem:s1+$0x10];
	s24 =	smul.f32 $1.767766920e-01, s14  }
0xf4: {  	v16 =	vld [tilespmem:s19+$0x20];
	v17 =	vmul.f32 v17, v21;
	v29 =	vmov s13;
	v23 =	vbroadcast v23, $0x0;
	s11 =	smul.f32 $1.767766920e-01, s25  }
0xf5: {  	v14 =	vld [tilespmem:s19+$0xE0];
	v22 =	vadd.f32 v22, v25;
	v9 =	vmul.f32 v20, v19;
	v29 =	vmul.f32 $1.442695020e+00, v29;
	s13 =	spop (v2sf)  }
0xf6: {  	v28 =	vld [tilespmem:s1+$0xFFFFFF30];
	v30 =	vmov s24;
	(erf) = vpow2.f32 v23;
	v23 =	vmov s11;
	s11 =	smul.f32 $1.767766920e-01, s13  }
0xf7: {  	v19 =	vld [tilespmem:s1+$0xFFFFFFA0];
	v30 =	vmul.f32 $1.442695020e+00, v30;
	v3 =	vadd.f32 v3, v9;
	v18 =	vmul.f32 v18, v31  }
0xf8: {  	(xrf2) =	vadd.scan.msk.f32 $0xffff, v22;
	v9 =	vld [tilespmem:s1+$0xFFFFFFB0];
	v26 =	vbroadcast v29, $0x0;
	v21 =	vmul.f32 v27, v24;
	s14 =	spop (v2sf);
	v22 =	vmov s11  }
0xf9: {  	v27 =	vld [tilespmem:s1+$0xC0];
	v23 =	vmul.f32 $1.442695020e+00, v23;
	s15 =	smul.f32 $1.767766920e-01, s14;
	s17 =	spop (v2sf);
	v22 =	vmul.f32 $1.442695020e+00, v22  }
0xfa: {  	v29 =	vbroadcast v30, $0x0;
	v30 =	vld [tilespmem:s2+$0xFFFFFFA0];
	(erf) = vpow2.f32 v26;
	v17 =	vadd.f32 v21, v17;
	s13 =	smul.f32 $1.767766920e-01, s17  }
0xfb: {  	(xrf2) =	vadd.scan.msk.f32 $0xffff, v3;
	v26 =	vld [tilespmem:s2+$0xC0];
	v20 =	vbroadcast v23, $0x0;
	v3 =	vbroadcast v22, $0x0;
	v22 =	vmov s15  }
0xfc: {  	(erf) = vpow2.f32 v29;
	v23 =	vld [tilespmem:s2+$0xFFFFFFB0];
	v25 =	vmov s13;
	v22 =	vmul.f32 $1.442695020e+00, v22  }
0xfd: {  	v21, _, _ =	vpop (xrf2);
	(xrf2) =	vadd.scan.msk.f32 $0xffff, v17;
	v17 =	vld [tilespmem:s1+$0xD0];
	(erf) = vpow2.f32 v20;
	v25 =	vmul.f32 $1.442695020e+00, v25  }
0xfe: {  	(v2sf) =	vpush v21, $0xF;
	(erf) = vpow2.f32 v3;
	v3 =	vld [tilespmem:s2+$0xD0];
	s21 =	spop (v2sf);
	v21 =	vbroadcast v22, $0x0  }
0xff: {  	v31 =	vld [tilespmem:s2+$0xFFFFFFD0];
	v22 =	vbroadcast v25, $0x0;
	s11 =	smul.f32 $1.767766920e-01, s21;
	v25 =	vmul.f32 v28, v56  }
0x100: {  	v24 =	vld [tilespmem:s1+$0x20];
	v19 =	vmul.f32 v19, v30;
	v26 =	vmul.f32 v27, v26  }
0x101: {  	v29 =	vld [tilespmem:s1+$0x30];
	v9 =	vmul.f32 v9, v23;
	(erf) = vpow2.f32 v21;
	v21 =	vmov s11;
	s22 =	spop (v2sf)  }
0x102: {  	v20 =	vld [tilespmem:s2+$0x20];
	v18 =	vadd.f32 v25, v18;
	v21 =	vmul.f32 $1.442695020e+00, v21;
	s11 =	smul.f32 $1.767766920e-01, s22  }
0x103: {  	v23 =	vld [tilespmem:s1+$0xFFFFFF40];
	v9 =	vadd.f32 v9, v19;
	v3 =	vmul.f32 v17, v3;
	v25, _, _ =	vpop (xrf2)  }
0x104: {  	v28 =	vld [tilespmem:s2+$0x30];
	(xrf2) =	vadd.scan.msk.f32 $0xffff, v18;
	(v2sf) =	vpush v25, $0xF;
	v17 =	vbroadcast v21, $0x0;
	v19 =	vmov s11  }
0x105: {  	(erf) = vpow2.f32 v22;
	v22 =	vld [tilespmem:s2+$0xFFFFFF40];
	v3 =	vadd.f32 v3, v26;
	v26 =	vpop (erf);
	v19 =	vmul.f32 $1.442695020e+00, v19  }
0x106: {  	v18 =	vld [tilespmem:s1+$0xFFFFFF50];
	(xrf2) =	vadd.scan.msk.f32 $0xffff, v9;
	v21, _, _ =	vpop (xrf2)  }
0x107: {  	v25 =	vld [tilespmem:s2+$0xFFFFFF50];
	(erf) = vpow2.f32 v17;
	(xrf2) =	vadd.scan.msk.f32 $0xffff, v3;
	v3 =	vmul.f32 v24, v20;
	v20, _, _ =	vpop (xrf2)  }
0x108: {  	v30 =	vld [tilespmem:s1+$0xFFFFFFC0];
	(v2sf) =	vpush v21, $0xF;
	v17 =	vpop (erf)  }
0x109: {  	v27 =	vld [tilespmem:s2+$0xFFFFFFC0];
	v9 =	vbroadcast v19, $0x0;
	v19 =	vpop (erf)  }
0x10a: {  	v28 =	vmul.f32 v29, v28;
	v29 =	vld [tilespmem:s2+$0x40];
	v57 =	vpop (erf)  }
0x10b: {  	v24 =	vld [tilespmem:s1+$0xFFFFFFD0];
	(v2sf) =	vpush v20, $0xF;
	(erf) = vpow2.f32 v9;
	v21 =	vpop (erf)  }
0x10c: {  	v18 =	vmul.f32 v18, v25;
	v25 =	vld [tilespmem:s2+$0xE0];
	v9 =	vmul.f32 v23, v22;
	v0 =	vpop (erf)  }
0x10d: {  	v22 =	vld [tilespmem:s1+$0x40];
	v23 =	vadd.f32 v28, v3;
	[tilespmem:$0x1FF60] =	vst v0;
	v0 =	vmul.f32 v4, v2  }
0x10e: {  	s24 =	spop (v2sf);
	v18 =	vadd.f32 v18, v9;
	v58, _, _ =	vpop (xrf2);
	v28 =	vld [tilespmem:s1+$0xE0]  }
0x10f: {  	s11 =	smul.f32 $1.767766920e-01, s24;
	(xrf2) =	vadd.scan.msk.f32 $0xffff, v23;
	v20 =	vpop (erf);
	v23 =	vld [tilespmem:s2+$0xF0];
	v8 =	vmul.f32 v8, v0  }
0x110: {  	v32 =	vmul.f32 v57, v2;
	(xrf2) =	vadd.scan.msk.f32 $0xffff, v18;
	v18 =	vld [tilespmem:s1+$0xF0];
	v1 =	vpop (erf);
	[tilespmem:$0x1FF90] =	vst v0  }
0x111: {  	v59 =	vmov s11;
	s11 =	simm.s32 $0x23A0;
	(v2sf) =	vpush v58, $0xF;
	[tilespmem:$0x1FF70] =	vst v1  }
0x112: {  	v27 =	vmul.f32 v30, v27;
	v14 =	vmul.f32 v14, v32;
	v61, _, _ =	vpop (xrf2);
	v62 =	vld [tilespmem:s11+$0x80]  }
0x113: {  	v24 =	vmul.f32 v24, v31;
	v33 =	vmul.f32 $1.442695020e+00, v59;
	v60 =	vld [tilespmem:s2+$0x50];
	[tilespmem:s10+$0xFFFFFF90] =	vst v8;
	s25 =	spop (v2sf);
	v8, _, _ =	vpop (xrf2)  }
0x114: {  	(v2sf) =	vpush v61, $0xF;
	v22 =	vmul.f32 v22, v29;
	v30 =	vld [tilespmem:s1+$0x50];
	[tilespmem:s10+$0xF0] =	vst v14;
	v25 =	vmul.f32 v28, v25;
	s13 =	smul.f32 $1.767766920e-01, s25;
	v28 =	vpop (erf)  }
0x115: {  	v14 =	vbroadcast v33, $0x0;
	v63 =	vld [tilespmem:s19+$0xF0];
	(v2sf) =	vpush v8, $0xF;
	v59 =	vmul.f32 v28, v2  }
0x116: {  	v31 =	vld [tilespmem:s19+$0xFFFFFFB0];
	v18 =	vmul.f32 v18, v23;
	v23 =	vadd.f32 v24, v27;
	v27 =	vmov s13  }
0x117: {  	v24 =	vld [tilespmem:s2+$0xFFFFFF60];
	s14 =	spop (v2sf);
	v29 =	vmul.f32 v62, v59;
	v27 =	vmul.f32 $1.442695020e+00, v27  }
0x118: {  	s17 =	simm.s32 $0x3400;
	(erf) = vpow2.f32 v14;
	v28 =	vld [tilespmem:s1+$0xFFFFFF60];
	s13 =	smul.f32 $1.767766920e-01, s14;
	[tilespmem:$0x1FFC0] =	vst v59  }
0x119: {  	v18 =	vadd.f32 v18, v25;
	(xrf2) =	vadd.scan.msk.f32 $0xffff, v23;
	v23 =	vld [tilespmem:s2+$0xFFFFFF70];
	[tilespmem:s17+$0x90] =	vst v29;
	v27 =	vbroadcast v27, $0x0  }
0x11a: {  	v14 =	vmul.f32 v13, v2;
	v25 =	vmul.f32 v30, v60;
	s15 =	spop (v2sf);
	v41 =	vmov s13;
	v29 =	vld [tilespmem:s11+$0x90]  }
0x11b: {  	v30, _, _ =	vpop (xrf2);
	v40 =	vld [tilespmem:s1+$0xFFFFFF70];
	(xrf2) =	vadd.scan.msk.f32 $0xffff, v18;
	s13 =	smul.f32 $1.767766920e-01, s15;
	v18 =	vmul.f32 $1.442695020e+00, v41;
	(erf) = vpow2.f32 v27  }
0x11c: {  	v15 =	vmul.f32 v15, v14;
	(v2sf) =	vpush v30, $0xF;
	v30 =	vld [tilespmem:s2+$0xFFFFFFE0]  }
0x11d: {  	v13, _, _ =	vpop (xrf2);
	v22 =	vadd.f32 v25, v22;
	v25 =	vld [tilespmem:s1+$0xFFFFFFE0];
	v27 =	vmov s13;
	v18 =	vbroadcast v18, $0x0  }
0x11e: {  	v42 =	vld [tilespmem:s1+$0xFFFFFFF0];
	(v2sf) =	vpush v13, $0xF;
	v13 =	vmul.f32 v26, v2;
	v43 =	vmul.f32 $1.442695020e+00, v27  }
0x11f: {  	v26 =	vld [tilespmem:s2+$0xFFFFFFF0];
	v27 =	vsel vm0, $0x0, v32;
	(erf) = vpow2.f32 v18;
	v18 =	vmul.f32 v29, v59  }
0x120: {  	v31 =	vmul.f32 v31, v0;
	(xrf2) =	vadd.scan.msk.f32 $0xffff, v22;
	v16 =	vmul.f32 v16, v13;
	v12 =	vsel vm1, v27, v12;
	s21 =	spop (v2sf)  }
0x121: {  	v11 =	vsel vm2, v12, v11;
	v12 =	vmul.f32 v28, v24;
	v24 =	vpop (erf);
	s13 =	smul.f32 $1.767766920e-01, s21;
	v28 =	vbroadcast v43, $0x0;
	[tilespmem:s17+$0xA0] =	vst v18  }
0x122: {  	[tilespmem:s10+$0x20] =	vst v16;
	v16 =	vmul.f32 v25, v30;
	v0 =	vmul.f32 v24, v2;
	v24 =	vld [tilespmem:s11+$0xA0]  }
0x123: {  	[tilespmem:s10+$0xFFFFFF00] =	vst v15;
	v22 =	vld [tilespmem:s2+$0x60];
	s22 =	spop (v2sf);
	v25 =	vmov s13;
	(erf) = vpow2.f32 v28;
	v18 =	vmul.f32 v40, v23  }
0x124: {  	[tilespmem:s10+$0xFFFFFFA0] =	vst v31;
	v31 =	vld [tilespmem:s11+$0xFFFFFF80];
	v15 =	vmul.f32 $1.442695020e+00, v25;
	v25 =	vmul.f32 v42, v26;
	s25 =	spop (v2sf);
	v26 =	vpop (erf)  }
0x125: {  	v29 =	vld [tilespmem:s2+$0x70];
	v23, _, _ =	vpop (xrf2);
	v12 =	vadd.f32 v18, v12;
	s2 =	smul.f32 $1.767766920e-01, s25;
	v18 =	vmul.f32 v26, v2  }
0x126: {  	v32 =	vmul.f32 v63, v32;
	v27 =	vld [tilespmem:s1+$0x60];
	v11 =	vsel vm3, v10, v11;
	s24 =	smul.f32 $1.767766920e-01, s22;
	(v2sf) =	vpush v23, $0xF  }
0x127: {  	v30 =	vld [tilespmem:s1+$0x70];
	[tilespmem:s10+$0x110] =	vst v11;
	v28, _, _ =	vpop (xrf2);
	v11 =	vbroadcast v15, $0x0;
	v26 =	vmov s2;
	v24 =	vmul.f32 v24, v18  }
0x128: {  	v23 =	vld [tilespmem:s11+$0xFFFFFF00];
	v15 =	vmov s24;
	v16 =	vadd.f32 v25, v16;
	(v2sf) =	vpush v28, $0xF  }
0x129: {  	v25 =	vld [tilespmem:s11+$0x0];
	(xrf2) =	vadd.scan.msk.f32 $0xffff, v12;
	v12 =	vmul.f32 $1.442695020e+00, v15;
	[tilespmem:s17+$0xB0] =	vst v24;
	v24 =	vmul.f32 v31, v0  }
0x12a: {  	v15 =	vld [tilespmem:s19+$0xFFFFFF30];
	(erf) = vpow2.f32 v11;
	v11 =	vmul.f32 $1.442695020e+00, v26;
	v26 =	vpop (erf)  }
0x12b: {  	[tilespmem:s10+$0x100] =	vst v32;
	v28, _, _ =	vpop (xrf2);
	(xrf2) =	vadd.scan.msk.f32 $0xffff, v16;
	v16 =	vld [tilespmem:s19+$0x30];
	v59 =	vmul.f32 v26, v2  }
0x12c: {  	(v2sf) =	vpush v28, $0xF;
	v28 =	vld [tilespmem:s19+$0xFFFFFFC0];
	v44 =	vbroadcast v12, $0x0;
	[tilespmem:$0x1FFD0] =	vst v0  }
0x12d: {  	v11 =	vbroadcast v11, $0x0;
	v26 =	vld [tilespmem:s11+$0xB0];
	[tilespmem:s17+$0xFFFFFF70] =	vst v24;
	v23 =	vmul.f32 v23, v59;
	v24 =	vpop (erf)  }
0x12e: {  	(erf) = vpow2.f32 v44;
	v1 =	vmul.f32 v24, v2  }
0x12f: {  	s13 =	spop (v2sf);
	v15 =	vmul.f32 v15, v14;
	(erf) = vpow2.f32 v11;
	v31 =	vld [tilespmem:s11+$0xFFFFFF90];
	[tilespmem:s17+$0xFFFFFEE0] =	vst v23  }
0x130: {  	s14 =	spop (v2sf);
	v16 =	vmul.f32 v16, v13;
	v45 =	vld [tilespmem:s11+$0xFFFFFF10];
	[tilespmem:$0x1FFE0] =	vst v1  }
0x131: {  	s2 =	smul.f32 $1.767766920e-01, s14;
	[tilespmem:s10+$0xFFFFFF10] =	vst v15  }
0x132: {  	[tilespmem:s10+$0x30] =	vst v16;
	v16 =	vmul.f32 v26, v18  }
0x133: {  	v24 =	vmul.f32 v19, v2;
	v23 =	vmul.f32 v21, v2;
	v21 =	vmov s2;
	v15 =	vld [tilespmem:s19+$0xFFFFFF40]  }
0x134: {  	s1 =	smul.f32 $1.767766920e-01, s13;
	v46 =	vmul.f32 v25, v1;
	v21 =	vmul.f32 $1.442695020e+00, v21;
	v19 =	vld [tilespmem:s19+$0x40]  }
0x135: {  	v28 =	vmul.f32 v28, v24;
	[tilespmem:s17+$0xC0] =	vst v16  }
0x136: {  	v25 =	vmul.f32 v17, v2;
	v17 =	vmov s1;
	v26 =	vmul.f32 v31, v0;
	s15 =	spop (v2sf);
	[tilespmem:s17+$0x0] =	vst v46;
	v47 =	vld [tilespmem:s11+$0xC0];
	v16 =	vpop (erf)  }
0x137: {  	v17 =	vmul.f32 $1.442695020e+00, v17;
	s1 =	smul.f32 $1.767766920e-01, s15;
	[tilespmem:s10+$0xFFFFFFB0] =	vst v28;
	v31 =	vld [tilespmem:s11+$0x10];
	s21 =	spop (v2sf);
	v48 =	vpop (erf)  }
0x138: {  	v49 =	vbroadcast v21, $0x0;
	[tilespmem:s17+$0xFFFFFF80] =	vst v26;
	v37 =	vld [tilespmem:s19+$0xFFFFFFD0];
	s2 =	smul.f32 $1.767766920e-01, s21;
	v15 =	vmul.f32 v15, v25;
	v21 =	vpop (erf)  }
0x139: {  	v50 =	vld [tilespmem:s11+$0xFFFFFFA0];
	v28 =	vmov s1;
	s1 =	simm.s32 $0x15A0;
	v19 =	vmul.f32 v19, v23;
	v26 =	vmul.f32 v21, v2  }
0x13a: {  	v17 =	vbroadcast v17, $0x0;
	v51 =	vmul.f32 $1.442695020e+00, v28;
	v54 =	vld [tilespmem:s1+$0x80];
	[tilespmem:s10+$0xFFFFFF20] =	vst v15;
	v15 =	vmov s2  }
0x13b: {  	v56 =	vld [tilespmem:s1+$0x90];
	[tilespmem:s10+$0x40] =	vst v19;
	v19 =	vmul.f32 v47, v26;
	v15 =	vmul.f32 $1.442695020e+00, v15  }
0x13c: {  	(erf) = vpow2.f32 v17;
	v39 =	vld [tilespmem:s1+$0xFFFFFF00];
	v52 =	vbroadcast v51, $0x0  }
0x13d: {  	v57 =	vld [tilespmem:s1+$0xFFFFFF10];
	(erf) = vpow2.f32 v49;
	s2 =	simm.s32 $0x5A0;
	[tilespmem:s17+$0xD0] =	vst v19;
	v19 =	vbroadcast v15, $0x0  }
0x13e: {  	(erf) = vpow2.f32 v52;
	v38 =	vld [tilespmem:s2+$0x90]  }
0x13f: {  	(erf) = vpow2.f32 v19;
	v19 =	vld [tilespmem:s2+$0x80]  }
0x140: {  	v60 =	vld [tilespmem:s1+$0xFFFFFF80]  }
0x141: {  	v27 =	vmul.f32 v27, v22;
	v29 =	vmul.f32 v30, v29;
	v41 =	vld [tilespmem:s1+$0xFFFFFF90]  }
0x142: {  	v43 =	vld [tilespmem:s1+$0xA0]  }
0x143: {  	v27 =	vadd.f32 v29, v27;
	v61 =	vld [tilespmem:s1+$0xB0]  }
0x144: {  	v46 =	vld [tilespmem:s1+$0x0];
	v33 =	vmul.f32 v56, v38;
	v19 =	vmul.f32 v54, v19  }
0x145: {  	(xrf2) =	vadd.scan.msk.f32 $0xffff, v27;
	v63 =	vld [tilespmem:s1+$0x10]  }
0x146: {  	v5 =	vld [tilespmem:s1+$0x20];
	v19 =	vadd.f32 v33, v19  }
0x147: {  	v9 =	vld [tilespmem:s1+$0x30]  }
0x148: {  	v8 =	vld [tilespmem:s1+$0xFFFFFFC0]  }
0x149: {  	v7 =	vld [tilespmem:s1+$0xFFFFFFD0]  }
0x14a: {  	v32 =	vmul.f32 v45, v59;
	v12 =	vld [tilespmem:s1+$0x50];
	(xrf2) =	vadd.scan.msk.f32 $0xffff, v19;
	v19, _, _ =	vpop (xrf2)  }
0x14b: {  	v11 =	vld [tilespmem:s1+$0xFFFFFFE0];
	v31 =	vmul.f32 v31, v1;
	(v2sf) =	vpush v19, $0xF  }
0x14c: {  	[tilespmem:s17+$0xFFFFFEF0] =	vst v32;
	v51 =	vld [tilespmem:s1+$0xFFFFFF20];
	v19, _, _ =	vpop (xrf2)  }
0x14d: {  	[tilespmem:s17+$0x10] =	vst v31;
	v31 =	vld [tilespmem:s11+$0xD0];
	(v2sf) =	vpush v19, $0xF  }
0x14e: {  	v28 =	vld [tilespmem:s11+$0xFFFFFF20]  }
0x14f: {  	v58 =	vld [tilespmem:s2+$0xFFFFFF80];
	v44, _, _ =	vpop (xrf2)  }
0x150: {  	v40 =	vld [tilespmem:s2+$0xFFFFFF90];
	(v2sf) =	vpush v44, $0xF  }
0x151: {  	v45 =	vld [tilespmem:s2+$0xB0]  }
0x152: {  	v31 =	vmul.f32 v31, v26;
	v19 =	vld [tilespmem:s2+$0xA0]  }
0x153: {  	v15 =	vmul.f32 v48, v2;
	v48 =	vld [tilespmem:s2+$0xFFFFFF00]  }
0x154: {  	[tilespmem:s17+$0xE0] =	vst v31;
	v31 =	vld [tilespmem:s2+$0xFFFFFF10];
	v49, _, _ =	vpop (xrf2)  }
0x155: {  	v55 =	vmul.f32 v37, v24;
	v42 =	vld [tilespmem:s2+$0x0];
	v53 =	vmul.f32 v50, v15;
	(v2sf) =	vpush v49, $0xF  }
0x156: {  	v47 =	vld [tilespmem:s2+$0x10];
	v62 =	vmul.f32 v41, v40;
	v33 =	vmul.f32 v60, v58  }
0x157: {  	v52 =	vld [tilespmem:s2+$0xFFFFFF30];
	v50 =	vmul.f32 v61, v45;
	v19 =	vmul.f32 v43, v19  }
0x158: {  	s22 =	spop (v2sf);
	[tilespmem:s10+$0xFFFFFFC0] =	vst v55;
	v55 =	vld [tilespmem:s2+$0xFFFFFFA0];
	v33 =	vadd.f32 v62, v33  }
0x159: {  	s13 =	smul.f32 $1.767766920e-01, s22;
	v61 =	vld [tilespmem:s2+$0xFFFFFFB0];
	v54 =	vmul.f32 v39, v48;
	v31 =	vmul.f32 v57, v31;
	v19 =	vadd.f32 v50, v19  }
0x15a: {  	[tilespmem:s17+$0xFFFFFF90] =	vst v53;
	v53 =	vld [tilespmem:s1+$0xFFFFFF30];
	(xrf2) =	vadd.scan.msk.f32 $0xffff, v33;
	s24 =	spop (v2sf)  }
0x15b: {  	v31 =	vadd.f32 v31, v54;
	v49 =	vld [tilespmem:s2+$0xFFFFFF20];
	(xrf2) =	vadd.scan.msk.f32 $0xffff, v19;
	v19 =	vmov s13;
	s13 =	smul.f32 $1.767766920e-01, s24  }
0x15c: {  	v40 =	vmul.f32 v63, v47;
	v63 =	vld [tilespmem:s2+$0xC0];
	s25 =	spop (v2sf)  }
0x15d: {  	v60 =	vld [tilespmem:s1+$0xFFFFFFA0];
	v19 =	vmul.f32 $1.442695020e+00, v19;
	(xrf2) =	vadd.scan.msk.f32 $0xffff, v31;
	s14 =	smul.f32 $1.767766920e-01, s25;
	v31 =	vmov s13  }
0x15e: {  	v42 =	vmul.f32 v46, v42;
	v62 =	vld [tilespmem:s1+$0xFFFFFFB0];
	v31 =	vmul.f32 $1.442695020e+00, v31  }
0x15f: {  	v33 =	vmul.f32 v53, v52;
	v50 =	vld [tilespmem:s2+$0xD0];
	v19 =	vbroadcast v19, $0x0;
	v48 =	vmov s14;
	s14 =	spop (v2sf)  }
0x160: {  	v40 =	vadd.f32 v40, v42;
	v38 =	vmul.f32 v51, v49;
	v49 =	vld [tilespmem:s1+$0xC0];
	s13 =	smul.f32 $1.767766920e-01, s14;
	v31 =	vbroadcast v31, $0x0  }
0x161: {  	v51 =	vld [tilespmem:s1+$0xD0];
	(erf) = vpow2.f32 v19;
	v44 =	vmul.f32 $1.442695020e+00, v48  }
0x162: {  	v21 =	vld [tilespmem:s19+$0xFFFFFF50];
	v30 =	vpop (erf);
	(xrf2) =	vadd.scan.msk.f32 $0xffff, v40;
	v33 =	vadd.f32 v33, v38;
	(erf) = vpow2.f32 v31;
	v31 =	vmov s13  }
0x163: {  	v17 =	vld [tilespmem:s19+$0x50];
	v36 =	vpop (erf);
	v19 =	vbroadcast v44, $0x0  }
0x164: {  	v4 =	vld [tilespmem:s2+$0x20];
	v53 =	vmul.f32 v60, v55;
	v35 =	vmul.f32 v62, v61;
	v52, _, _ =	vpop (xrf2);
	(xrf2) =	vadd.scan.msk.f32 $0xffff, v33;
	s15 =	spop (v2sf)  }
0x165: {  	v6 =	vld [tilespmem:s2+$0xFFFFFF40];
	(v2sf) =	vpush v52, $0xF;
	(erf) = vpow2.f32 v19;
	v19 =	vmul.f32 $1.442695020e+00, v31;
	s13 =	smul.f32 $1.767766920e-01, s15;
	v31, _, _ =	vpop (xrf2)  }
0x166: {  	v10 =	vld [tilespmem:s2+$0x60];
	v38 =	vmul.f32 v51, v50;
	(v2sf) =	vpush v31, $0xF;
	v31 =	vmul.f32 v49, v63  }
0x167: {  	v32 =	vld [tilespmem:s11+$0x20];
	v33 =	vadd.f32 v35, v53;
	v54 =	vmov s13  }
0x168: {  	v22 =	vld [tilespmem:s19+$0xFFFFFFE0];
	v19 =	vbroadcast v19, $0x0;
	v35 =	vmul.f32 $1.442695020e+00, v54;
	v31 =	vadd.f32 v38, v31  }
0x169: {  	v47 =	vld [tilespmem:s2+$0xFFFFFFC0];
	(xrf2) =	vadd.scan.msk.f32 $0xffff, v33;
	v55, _, _ =	vpop (xrf2)  }
0x16a: {  	v41 =	vld [tilespmem:s2+$0xE0];
	v37 =	vpop (erf);
	(v2sf) =	vpush v55, $0xF;
	(erf) = vpow2.f32 v19;
	v19 =	vbroadcast v35, $0x0  }
0x16b: {  	v46 =	vld [tilespmem:s1+$0xE0];
	(xrf2) =	vadd.scan.msk.f32 $0xffff, v31  }
0x16c: {  	v45 =	vld [tilespmem:s1+$0xF0];
	v31, _, _ =	vpop (xrf2)  }
0x16d: {  	v42 =	vld [tilespmem:s1+$0xFFFFFF40];
	v27 =	vpop (erf);
	(erf) = vpow2.f32 v19;
	(v2sf) =	vpush v31, $0xF  }
0x16e: {  	v34 =	vld [tilespmem:s11+$0xFFFFFFB0];
	v19, _, _ =	vpop (xrf2)  }
0x16f: {  	v29 =	vld [tilespmem:s11+$0xE0];
	(v2sf) =	vpush v19, $0xF  }
0x170: {  	v58 =	vld [tilespmem:s2+$0x30];
	v43 =	vpop (erf)  }
0x171: {  	v5 =	vmul.f32 v5, v4;
	v39 =	vld [tilespmem:s2+$0x40];
	v35 =	vpop (erf)  }
0x172: {  	v4 =	vmul.f32 v42, v6;
	v6 =	vld [tilespmem:s1+$0x70];
	v27 =	vmul.f32 v27, v2;
	v33 =	vpop (erf)  }
0x173: {  	v60 =	vld [tilespmem:s1+$0xFFFFFFF0];
	s24 =	simm.s32 $0x25A0;
	v19, _, _ =	vpop (xrf2)  }
0x174: {  	v29 =	vmul.f32 v29, v27;
	v53 =	vld [tilespmem:s24+$0x80];
	s21 =	spop (v2sf);
	v31 =	vpop (erf)  }
0x175: {  	v58 =	vmul.f32 v9, v58;
	v9 =	vld [tilespmem:s2+$0x70];
	s13 =	smul.f32 $1.767766920e-01, s21;
	(v2sf) =	vpush v19, $0xF;
	v19, _, _ =	vpop (xrf2);
	s22 =	spop (v2sf)  }
0x176: {  	[tilespmem:s17+$0xF0] =	vst v29;
	v61 =	vld [tilespmem:s2+$0xFFFFFF50];
	v50 =	vpop (erf);
	(v2sf) =	vpush v19, $0xF;
	s14 =	smul.f32 $1.767766920e-01, s22  }
0x177: {  	v29 =	vld [tilespmem:s11+$0xF0];
	v52 =	vmov s13;
	v19 =	vmul.f32 v50, v2  }
0x178: {  	v40 =	vld [tilespmem:s1+$0x40];
	v54 =	vmul.f32 $1.442695020e+00, v52;
	v55 =	vmov s14  }
0x179: {  	v48 =	vld [tilespmem:s2+$0xFFFFFFD0];
	s25 =	spop (v2sf);
	v53 =	vmul.f32 v53, v19;
	v0 =	vmul.f32 $1.442695020e+00, v55  }
0x17a: {  	v44 =	vld [tilespmem:s2+$0xF0];
	v1 =	vbroadcast v54, $0x0;
	s13 =	smul.f32 $1.767766920e-01, s25;
	s25 =	simm.s32 $0x3640  }
0x17b: {  	v49 =	vld [tilespmem:s2+$0x50];
	[tilespmem:s25+$0x90] =	vst v53;
	v0 =	vbroadcast v0, $0x0  }
0x17c: {  	v30 =	vmul.f32 v30, v2;
	(erf) = vpow2.f32 v1;
	v56 =	vmov s13;
	v3 =	vld [tilespmem:s24+$0x90];
	s14 =	spop (v2sf)  }
0x17d: {  	v38 =	vld [tilespmem:s1+$0xFFFFFF50];
	v1 =	vmul.f32 $1.442695020e+00, v56;
	(erf) = vpow2.f32 v0;
	s13 =	smul.f32 $1.767766920e-01, s14  }
0x17e: {  	v21 =	vmul.f32 v21, v25;
	v32 =	vmul.f32 v32, v30;
	v52 =	vld [tilespmem:s1+$0xFFFFFF60];
	s15 =	spop (v2sf)  }
0x17f: {  	v8 =	vmul.f32 v8, v47;
	v54 =	vld [tilespmem:s2+$0xFFFFFF70];
	v1 =	vbroadcast v1, $0x0;
	s14 =	smul.f32 $1.767766920e-01, s15;
	v57 =	vmov s13  }
0x180: {  	v34 =	vmul.f32 v34, v15;
	v50 =	vld [tilespmem:s2+$0xFFFFFF60];
	v42 =	vmul.f32 $1.442695020e+00, v57  }
0x181: {  	v53 =	vld [tilespmem:s2+$0xFFFFFFE0];
	(erf) = vpow2.f32 v1;
	v3 =	vmul.f32 v3, v19;
	v1 =	vmov s14  }
0x182: {  	v56 =	vld [tilespmem:s2+$0xFFFFFFF0];
	v0 =	vmul.f32 $1.442695020e+00, v1;
	v51 =	vbroadcast v42, $0x0  }
0x183: {  	v38 =	vmul.f32 v38, v61;
	v57 =	vld [tilespmem:s1+$0x60];
	[tilespmem:s25+$0xA0] =	vst v3;
	v42 =	vmul.f32 v16, v2  }
0x184: {  	s21 =	spop (v2sf);
	v61 =	vld [tilespmem:s24+$0xA0];
	v0 =	vbroadcast v0, $0x0;
	(erf) = vpow2.f32 v51  }
0x185: {  	v5 =	vadd.f32 v58, v5;
	v6 =	vmul.f32 v6, v9;
	v7 =	vmul.f32 v7, v48;
	s2 =	smul.f32 $1.767766920e-01, s21;
	v1 =	vld [tilespmem:s24+$0xFFFFFF80];
	v16 =	vpop (erf);
	s22 =	spop (v2sf)  }
0x186: {  	v4 =	vadd.f32 v38, v4;
	v55 =	vld [tilespmem:s1+$0xFFFFFF70];
	(erf) = vpow2.f32 v0;
	v0 =	vmul.f32 v28, v42;
	s13 =	smul.f32 $1.767766920e-01, s22;
	v28 =	vpop (erf)  }
0x187: {  	(xrf2) =	vadd.scan.msk.f32 $0xffff, v5;
	s21 =	simm.s32 $0x17A0;
	v3 =	vld [tilespmem:s24+$0xFFFFFF00];
	v16 =	vmul.f32 v16, v2;
	v51 =	vmov s2;
	v28 =	vmul.f32 v28, v2  }
0x188: {  	v9 =	vld [tilespmem:s21+$0xFFFFFF00];
	v10 =	vmul.f32 v57, v10;
	[tilespmem:s17+$0xFFFFFF00] =	vst v0;
	v0 =	vmul.f32 $1.442695020e+00, v51;
	v62 =	vmov s13  }
0x189: {  	[tilespmem:s17+$0x20] =	vst v32;
	(xrf2) =	vadd.scan.msk.f32 $0xffff, v4;
	v32 =	vmul.f32 v61, v28;
	v61 =	vmul.f32 $1.442695020e+00, v62;
	v62 =	vld [tilespmem:s11+$0xFFFFFF30]  }
0x18a: {  	[tilespmem:s17+$0xFFFFFFA0] =	vst v34;
	v34 =	vmul.f32 v1, v16;
	v1 =	vld [tilespmem:s11+$0x30];
	v63 =	vpop (erf);
	v0 =	vbroadcast v0, $0x0  }
0x18b: {  	v51 =	vld [tilespmem:s24+$0x0];
	[tilespmem:s25+$0xB0] =	vst v32;
	v32 =	vmul.f32 v63, v2;
	v61 =	vbroadcast v61, $0x0  }
0x18c: {  	[tilespmem:s25+$0xFFFFFF70] =	vst v34;
	(erf) = vpow2.f32 v0;
	v0 =	vmul.f32 v17, v23;
	v17 =	vld [tilespmem:s24+$0xB0]  }
0x18d: {  	[tilespmem:s10+$0xFFFFFF30] =	vst v21;
	s2 =	simm.s32 $0x7A0;
	(erf) = vpow2.f32 v61;
	v3 =	vmul.f32 v3, v32;
	v21 =	vpop (erf);
	v61 =	vld [tilespmem:s24+$0xFFFFFF90]  }
0x18e: {  	v7 =	vadd.f32 v7, v8;
	v57 =	vld [tilespmem:s2+$0xFFFFFF00];
	[tilespmem:s10+$0x50] =	vst v0;
	v62 =	vmul.f32 v62, v42;
	v21 =	vmul.f32 v21, v2  }
0x18f: {  	v5 =	vmul.f32 v46, v41;
	v63 =	vld [tilespmem:s11+$0xFFFFFFC0];
	[tilespmem:s25+$0xFFFFFEE0] =	vst v3;
	v3 =	vmul.f32 v1, v30  }
0x190: {  	(xrf2) =	vadd.scan.msk.f32 $0xffff, v7;
	v7 =	vmul.f32 v12, v49;
	[tilespmem:s17+$0xFFFFFF10] =	vst v62;
	v47 =	vmul.f32 v51, v21;
	v62 =	vld [tilespmem:s24+$0xFFFFFF10]  }
0x191: {  	v34 =	vmul.f32 v20, v2;
	[tilespmem:s17+$0x30] =	vst v3;
	v3 =	vmul.f32 v17, v28;
	v17 =	vld [tilespmem:s11+$0xFFFFFF40]  }
0x192: {  	v12, _, _ =	vpop (xrf2);
	[tilespmem:s25+$0x0] =	vst v47;
	v47 =	vmul.f32 v37, v2;
	v20 =	vmul.f32 v61, v16;
	v38 =	vld [tilespmem:s11+$0x40]  }
0x193: {  	v41 =	vmul.f32 v36, v2;
	(v2sf) =	vpush v12, $0xF;
	v12, _, _ =	vpop (xrf2);
	[tilespmem:s25+$0xC0] =	vst v3;
	v3 =	vmul.f32 v22, v34;
	v46 =	vld [tilespmem:s24+$0x10]  }
0x194: {  	v36 =	vmul.f32 v43, v2;
	v48 =	vpop (erf);
	[tilespmem:s25+$0xFFFFFF80] =	vst v20;
	v4 =	vmul.f32 v63, v47;
	v61 =	vld [tilespmem:s24+$0xC0]  }
0x195: {  	v9 =	vmul.f32 v9, v57;
	v22 =	vpop (erf);
	[tilespmem:s10+$0xFFFFFFD0] =	vst v3;
	v3 =	vmul.f32 v62, v32;
	v62 =	vld [tilespmem:s24+$0xFFFFFFA0]  }
0x196: {  	(v2sf) =	vpush v12, $0xF;
	v12 =	vld [tilespmem:s21+$0x80];
	v63 =	vmul.f32 v45, v44;
	[tilespmem:s17+$0xFFFFFFB0] =	vst v4;
	v4 =	vmul.f32 v17, v41;
	v17 =	vpop (erf)  }
0x197: {  	v57 =	vld [tilespmem:s2+$0xD0];
	[tilespmem:s25+$0xFFFFFEF0] =	vst v3;
	v3 =	vmul.f32 v38, v36;
	v20 =	vmul.f32 v17, v2  }
0x198: {  	v0 =	vld [tilespmem:s19+$0xFFFFFF60];
	v22 =	vmul.f32 v22, v2;
	[tilespmem:s17+$0xFFFFFF20] =	vst v4;
	v4 =	vmul.f32 v46, v21  }
0x199: {  	v1 =	vld [tilespmem:s19+$0x60];
	v5 =	vadd.f32 v63, v5;
	[tilespmem:s17+$0x40] =	vst v3;
	v3 =	vmul.f32 v61, v20  }
0x19a: {  	v8 =	vld [tilespmem:s11+$0xFFFFFFD0];
	[tilespmem:s25+$0x10] =	vst v4;
	v4 =	vmul.f32 v62, v22  }
0x19b: {  	v37 =	vld [tilespmem:s19+$0xFFFFFFF0];
	(xrf2) =	vadd.scan.msk.f32 $0xffff, v5;
	[tilespmem:s25+$0xD0] =	vst v3;
	v3 =	vmul.f32 v40, v39  }
0x19c: {  	v17 =	vmul.f32 v55, v54;
	v5 =	vmul.f32 v52, v50;
	[tilespmem:s25+$0xFFFFFF90] =	vst v4;
	v4 =	vld [tilespmem:s24+$0xD0]  }
0x19d: {  	v63 =	vld [tilespmem:s21+$0xB0];
	v3 =	vadd.f32 v7, v3  }
0x19e: {  	v38 =	vld [tilespmem:s21+$0x0];
	v5 =	vadd.f32 v17, v5;
	v17 =	vmul.f32 v60, v56  }
0x19f: {  	v55 =	vld [tilespmem:s2+$0xFFFFFFC0];
	v8 =	vmul.f32 v8, v47;
	(xrf2) =	vadd.scan.msk.f32 $0xffff, v3;
	v3 =	vmul.f32 v11, v53  }
0x1a0: {  	v46 =	vld [tilespmem:s24+$0xFFFFFF20]  }
0x1a1: {  	v50 =	vld [tilespmem:s2+$0x10];
	v4 =	vmul.f32 v4, v20;
	v3 =	vadd.f32 v17, v3  }
0x1a2: {  	v7 =	vld [tilespmem:s2+$0x80];
	(xrf2) =	vadd.scan.msk.f32 $0xffff, v5  }
0x1a3: {  	[tilespmem:s17+$0xFFFFFFC0] =	vst v8;
	v11 =	vld [tilespmem:s2+$0x90];
	v8, _, _ =	vpop (xrf2);
	(xrf2) =	vadd.scan.msk.f32 $0xffff, v3;
	v3 =	vadd.f32 v6, v10  }
0x1a4: {  	s13 =	spop (v2sf);
	v5 =	vld [tilespmem:s21+$0x90];
	[tilespmem:s25+$0xE0] =	vst v4  }
0x1a5: {  	s1 =	smul.f32 $1.767766920e-01, s13;
	s14 =	spop (v2sf);
	v4, _, _ =	vpop (xrf2);
	(xrf2) =	vadd.scan.msk.f32 $0xffff, v3;
	v3 =	vld [tilespmem:$0x1FF60]  }
0x1a6: {  	s13 =	smul.f32 $1.767766920e-01, s14;
	v52 =	vld [tilespmem:s2+$0x50]  }
0x1a7: {  	v44 =	vld [tilespmem:s11+$0xFFFFFF50];
	v6 =	vmul.f32 v12, v7  }
0x1a8: {  	v61 =	vmov s13;
	v43 =	vld [tilespmem:s11+$0x50]  }
0x1a9: {  	v51 =	vmul.f32 $1.442695020e+00, v61;
	v61 =	vld [tilespmem:s21+$0xFFFFFF30];
	v5 =	vmul.f32 v5, v11  }
0x1aa: {  	v45 =	vld [tilespmem:s24+$0x20];
	(v2sf) =	vpush v8, $0xF;
	v3 =	vmul.f32 v3, v2  }
0x1ab: {  	v39 =	vld [tilespmem:s24+$0xFFFFFFB0];
	(v2sf) =	vpush v4, $0xF;
	v4 =	vadd.f32 v5, v6;
	v6, _, _ =	vpop (xrf2)  }
0x1ac: {  	v53 =	vld [tilespmem:s21+$0xA0];
	(v2sf) =	vpush v6, $0xF;
	v6 =	vsel vm0, $0x0, v3  }
0x1ad: {  	v8 =	vld [tilespmem:s2+$0xFFFFFF10];
	v6 =	vsel vm1, v6, v25  }
0x1ae: {  	v6 =	vsel vm2, v6, v14;
	v14 =	vld [tilespmem:$0x1FF80]  }
0x1af: {  	v10 =	vld [tilespmem:s21+$0xFFFFFF10]  }
0x1b0: {  	v7 =	vld [tilespmem:s2+$0xFFFFFF80]  }
0x1b1: {  	v12 =	vld [tilespmem:s21+$0xFFFFFF90]  }
0x1b2: {  	v11 =	vld [tilespmem:s21+$0xFFFFFF80]  }
0x1b3: {  	v14 =	vsel vm3, v14, v6;
	v6 =	vld [tilespmem:$0x1FF90]  }
0x1b4: {  	v5 =	vld [tilespmem:s2+$0xFFFFFF90];
	(xrf2) =	vadd.scan.msk.f32 $0xffff, v4;
	v4, _, _ =	vpop (xrf2)  }
0x1b5: {  	(v2sf) =	vpush v4, $0xF;
	v4 =	vld [tilespmem:$0x1FF70]  }
0x1b6: {  	v17 =	vld [tilespmem:s2+$0x0];
	v25 =	vsel vm0, $0x0, v34  }
0x1b7: {  	v8 =	vmul.f32 v10, v8;
	v10 =	vld [tilespmem:s21+$0xFFFFFFA0];
	v24 =	vsel vm1, v25, v24  }
0x1b8: {  	v60, _, _ =	vpop (xrf2);
	v6 =	vsel vm2, v24, v6;
	v24 =	vld [tilespmem:$0x1FFA0]  }
0x1b9: {  	v7 =	vmul.f32 v11, v7;
	v11 =	vld [tilespmem:s21+$0x10];
	(v2sf) =	vpush v60, $0xF  }
0x1ba: {  	v5 =	vmul.f32 v12, v5;
	v12 =	vsel vm0, $0x0, v27;
	v25 =	vld [tilespmem:s2+$0xA0];
	v4 =	vmul.f32 v4, v2  }
0x1bb: {  	v51 =	vbroadcast v51, $0x0;
	v17 =	vmul.f32 v38, v17;
	v12 =	vsel vm1, v12, v26;
	v26 =	vld [tilespmem:s2+$0xFFFFFF20]  }
0x1bc: {  	v5 =	vadd.f32 v5, v7;
	v60 =	vld [tilespmem:s21+$0xFFFFFF20];
	v12 =	vsel vm2, v12, v18;
	v62, _, _ =	vpop (xrf2);
	v58 =	vsel vm0, $0x0, v4  }
0x1bd: {  	(v2sf) =	vpush v62, $0xF;
	v24 =	vsel vm3, v24, v6;
	v6 =	vsel vm1, v58, v23;
	v23 =	vld [tilespmem:s2+$0xB0]  }
0x1be: {  	v18 =	vld [tilespmem:$0x1FFC0];
	v11 =	vmul.f32 v11, v50;
	(xrf2) =	vadd.scan.msk.f32 $0xffff, v5;
	v7, _, _ =	vpop (xrf2);
	v6 =	vsel vm2, v6, v13;
	v13 =	vmov s1  }
0x1bf: {  	s15 =	spop (v2sf);
	(v2sf) =	vpush v7, $0xF;
	v7 =	vmul.f32 v53, v25;
	v25 =	vld [tilespmem:s2+$0xFFFFFF30];
	v13 =	vmul.f32 $1.442695020e+00, v13  }
0x1c0: {  	v43 =	vmul.f32 v43, v36;
	v8 =	vadd.f32 v8, v9;
	v0 =	vmul.f32 v0, v3;
	v62 =	vld [tilespmem:s2+$0xFFFFFFA0];
	s1 =	smul.f32 $1.767766920e-01, s15  }
0x1c1: {  	v40 =	vld [tilespmem:s11+$0xFFFFFFE0];
	v34 =	vmul.f32 v37, v34;
	v11 =	vadd.f32 v11, v17;
	v13 =	vbroadcast v13, $0x0  }
0x1c2: {  	v26 =	vmul.f32 v60, v26;
	s22 =	spop (v2sf);
	v58 =	vld [tilespmem:$0x1FFB0];
	v5 =	vmov s1;
	v23 =	vmul.f32 v63, v23  }
0x1c3: {  	v49 =	vld [tilespmem:s24+$0xE0];
	v18 =	vsel vm3, v18, v12;
	s14 =	smul.f32 $1.767766920e-01, s22;
	(erf) = vpow2.f32 v13;
	v13 =	vmul.f32 $1.442695020e+00, v5  }
0x1c4: {  	v50 =	vld [tilespmem:s2+$0xFFFFFFF0];
	v1 =	vmul.f32 v1, v4;
	v25 =	vmul.f32 v61, v25;
	v7 =	vadd.f32 v23, v7  }
0x1c5: {  	v17 =	vld [tilespmem:s21+$0xC0];
	v10 =	vmul.f32 v10, v62;
	s15 =	spop (v2sf);
	v23 =	vmov s14;
	v13 =	vbroadcast v13, $0x0  }
0x1c6: {  	v25 =	vadd.f32 v25, v26;
	s1 =	smul.f32 $1.767766920e-01, s15;
	v63 =	vld [tilespmem:s2+$0xFFFFFFB0];
	(erf) = vpow2.f32 v51;
	v12 =	vmul.f32 $1.442695020e+00, v23;
	(xrf2) =	vadd.scan.msk.f32 $0xffff, v7  }
0x1c7: {  	s22 =	spop (v2sf);
	v6 =	vsel vm3, v58, v6;
	v5 =	vmul.f32 v35, v2;
	(erf) = vpow2.f32 v13;
	v13 =	vld [tilespmem:s21+$0xFFFFFFB0]  }
0x1c8: {  	v60 =	vld [tilespmem:s2+$0x30];
	v56, _, _ =	vpop (xrf2);
	s13 =	smul.f32 $1.767766920e-01, s22;
	v54 =	vmov s1;
	s14 =	spop (v2sf);
	v23 =	vmul.f32 v29, v27;
	v12 =	vbroadcast v12, $0x0;
	(xrf2) =	vadd.scan.msk.f32 $0xffff, v8  }
0x1c9: {  	(v2sf) =	vpush v56, $0xF;
	s1 =	smul.f32 $1.767766920e-01, s14;
	v7 =	vmul.f32 v33, v2;
	v33 =	vmul.f32 $1.442695020e+00, v54;
	v8 =	vld [tilespmem:s2+$0xC0]  }
0x1ca: {  	v27 =	vsel vm0, $0x0, v5;
	(xrf2) =	vadd.scan.msk.f32 $0xffff, v11;
	v11 =	vld [tilespmem:s21+$0xD0];
	(erf) = vpow2.f32 v12;
	v12 =	vmov s13  }
0x1cb: {  	v26 =	vld [tilespmem:s21+$0x30];
	v58 =	vmov s1;
	v33 =	vbroadcast v33, $0x0;
	v12 =	vmul.f32 $1.442695020e+00, v12  }
0x1cc: {  	v62 =	vld [tilespmem:s2+$0xFFFFFF40];
	s15 =	spop (v2sf);
	v9 =	vsel vm1, v27, v41;
	v61 =	vmul.f32 $1.442695020e+00, v58;
	v13 =	vmul.f32 v13, v63  }
0x1cd: {  	v29 =	vld [tilespmem:s2+$0x20];
	s22 =	smul.f32 $1.767766920e-01, s15;
	v9 =	vsel vm2, v9, v42;
	(erf) = vpow2.f32 v33;
	v12 =	vbroadcast v12, $0x0  }
0x1ce: {  	v27 =	vld [tilespmem:s21+$0x20];
	v33 =	vbroadcast v61, $0x0;
	v8 =	vmul.f32 v17, v8;
	v10 =	vadd.f32 v13, v10  }
0x1cf: {  	v54 =	vld [tilespmem:s21+$0xFFFFFF50];
	v11 =	vmul.f32 v11, v57;
	(erf) = vpow2.f32 v12;
	v12 =	vmov s22  }
0x1d0: {  	v26 =	vmul.f32 v26, v60;
	v9 =	vsel vm3, v59, v9;
	s13 =	spop (v2sf);
	v12 =	vmul.f32 $1.442695020e+00, v12;
	v13, _, _ =	vpop (xrf2);
	(xrf2) =	vadd.scan.msk.f32 $0xffff, v25;
	v25 =	vld [tilespmem:s21+$0xFFFFFF40]  }
0x1d1: {  	v59 =	vld [tilespmem:s21+$0xFFFFFFD0];
	s1 =	smul.f32 $1.767766920e-01, s13;
	(erf) = vpow2.f32 v33;
	v11 =	vadd.f32 v11, v8;
	(v2sf) =	vpush v13, $0xF  }
0x1d2: {  	v17 =	vld [tilespmem:s2+$0xFFFFFF50];
	v8 =	vmul.f32 v31, v2;
	v13 =	vsel vm0, $0x0, v7;
	v12 =	vbroadcast v12, $0x0;
	(xrf2) =	vadd.scan.msk.f32 $0xffff, v10;
	v10, _, _ =	vpop (xrf2)  }
0x1d3: {  	v57 =	vpop (erf);
	v63 =	vsel vm1, v13, v47;
	v13 =	vmov s1;
	(v2sf) =	vpush v10, $0xF;
	v10 =	vld [tilespmem:s21+$0xFFFFFFC0]  }
0x1d4: {  	v31 =	vpop (erf);
	v56 =	vmul.f32 $1.442695020e+00, v13;
	(erf) = vpow2.f32 v12;
	v12 =	vld [tilespmem:s2+$0xFFFFFFD0]  }
0x1d5: {  	(xrf2) =	vadd.scan.msk.f32 $0xffff, v11;
	v11 =	vsel vm2, v63, v15;
	v15 =	vmul.f32 v27, v29;
	v35 =	vmul.f32 v25, v62;
	v25 =	vld [tilespmem:$0x1FFD0]  }
0x1d6: {  	v60 =	vld [tilespmem:s2+$0x40];
	v41 =	vmul.f32 v44, v41;
	v58 =	vbroadcast v56, $0x0  }
0x1d7: {  	v61 =	vld [tilespmem:s2+$0xE0];
	v33 =	vmul.f32 v57, v2;
	v17 =	vmul.f32 v54, v17;
	v27, _, _ =	vpop (xrf2);
	v15 =	vadd.f32 v26, v15  }
0x1d8: {  	v57 =	vld [tilespmem:s2+$0xFFFFFF60];
	v42 =	vpop (erf);
	v13 =	vmul.f32 v48, v2;
	s14 =	spop (v2sf);
	(v2sf) =	vpush v27, $0xF;
	(erf) = vpow2.f32 v58  }
0x1d9: {  	v40 =	vmul.f32 v40, v7;
	v27 =	vpop (erf);
	s15 =	smul.f32 $1.767766920e-01, s14;
	v26 =	vld [tilespmem:s21+$0x40];
	(xrf2) =	vadd.scan.msk.f32 $0xffff, v15;
	v15 =	vadd.f32 v17, v35;
	v10 =	vmul.f32 v10, v55  }
0x1da: {  	v62 =	vld [tilespmem:s2+$0xF0];
	v12 =	vmul.f32 v59, v12;
	v29 =	vsel vm3, v25, v11;
	v11 =	vmul.f32 v46, v13;
	v46 =	vpop (erf)  }
0x1db: {  	v53 =	vmov s15;
	v17 =	vld [tilespmem:s21+$0xE0];
	v25 =	vmul.f32 v31, v2;
	v31 =	vmul.f32 v27, v2;
	v27, _, _ =	vpop (xrf2)  }
0x1dc: {  	v44 =	vmul.f32 v45, v33;
	v37 =	vmul.f32 $1.442695020e+00, v53;
	(xrf2) =	vadd.scan.msk.f32 $0xffff, v15;
	v15 =	vld [tilespmem:s21+$0xF0];
	v45 =	vpop (erf)  }
0x1dd: {  	s1 =	simm.s32 $0x27A0;
	v10 =	vadd.f32 v12, v10;
	v12 =	vld [tilespmem:s21+$0x50];
	(v2sf) =	vpush v27, $0xF;
	v27 =	vsel vm0, $0x0, v8;
	v63, _, _ =	vpop (xrf2)  }
0x1de: {  	v54 =	vld [tilespmem:s1+$0x80];
	[tilespmem:s17+$0x100] =	vst v23;
	v23 =	vmul.f32 v39, v22;
	v49 =	vmul.f32 v49, v31;
	v51 =	vpop (erf);
	(v2sf) =	vpush v63, $0xF  }
0x1df: {  	[tilespmem:s17+$0x110] =	vst v18;
	v37 =	vbroadcast v37, $0x0;
	v26 =	vmul.f32 v26, v60;
	v60 =	vld [tilespmem:s21+$0xFFFFFF70];
	v55, _, _ =	vpop (xrf2);
	(xrf2) =	vadd.scan.msk.f32 $0xffff, v10  }
0x1e0: {  	v35 =	vmul.f32 v42, v2;
	v36 =	vsel vm1, v27, v36;
	v17 =	vmul.f32 v17, v61;
	v63 =	vld [tilespmem:s21+$0xFFFFFFE0];
	v27 =	vpop (erf);
	[tilespmem:s25+$0xF0] =	vst v49;
	s22 =	spop (v2sf)  }
0x1e1: {  	(erf) = vpow2.f32 v37;
	v30 =	vsel vm2, v36, v30;
	v15 =	vmul.f32 v15, v62;
	v10 =	vld [tilespmem:$0x1FFE0];
	v18 =	vpop (erf);
	s13 =	smul.f32 $1.767766920e-01, s22  }
0x1e2: {  	v56 =	vld [tilespmem:s24+$0xF0];
	[tilespmem:s10+$0xFFFFFFF0] =	vst v24;
	v12 =	vmul.f32 v12, v52;
	(v2sf) =	vpush v55, $0xF;
	v18 =	vmul.f32 v18, v2  }
0x1e3: {  	v24 =	vld [tilespmem:s2+$0xFFFFFF70];
	[tilespmem:s25+$0xFFFFFF00] =	vst v11;
	v11 =	vmul.f32 v45, v2;
	v15 =	vadd.f32 v15, v17;
	s14 =	spop (v2sf);
	v58 =	vmov s13  }
0x1e4: {  	v49 =	vsel vm0, $0x0, v31;
	v52 =	vld [tilespmem:s21+$0xFFFFFFF0];
	v17, _, _ =	vpop (xrf2);
	v59 =	vmul.f32 v54, v18;
	s13 =	smul.f32 $1.767766920e-01, s14;
	v61 =	vmul.f32 $1.442695020e+00, v58  }
0x1e5: {  	s22 =	simm.s32 $0x3880;
	v12 =	vadd.f32 v12, v26;
	(v2sf) =	vpush v17, $0xF;
	v17 =	vld [tilespmem:s2+$0xFFFFFFE0];
	(xrf2) =	vadd.scan.msk.f32 $0xffff, v15;
	v15 =	vmul.f32 v46, v2  }
0x1e6: {  	v26, _, _ =	vpop (xrf2);
	v10 =	vsel vm3, v10, v30;
	v30 =	vld [tilespmem:s21+$0xFFFFFF60];
	[tilespmem:s22+$0x90] =	vst v59;
	v62 =	vmov s13;
	v39 =	vbroadcast v61, $0x0  }
0x1e7: {  	[tilespmem:s25+$0x20] =	vst v44;
	s15 =	spop (v2sf);
	(v2sf) =	vpush v26, $0xF;
	v31 =	vmul.f32 v56, v31;
	v37 =	vmul.f32 $1.442695020e+00, v62;
	v26 =	vld [tilespmem:s1+$0x90]  }
0x1e8: {  	[tilespmem:s10+$0xFFFFFF40] =	vst v0;
	v0 =	vsel vm1, v49, v20;
	v47 =	vld [tilespmem:s24+$0x30];
	v24 =	vmul.f32 v60, v24;
	s13 =	smul.f32 $1.767766920e-01, s15;
	(erf) = vpow2.f32 v39  }
0x1e9: {  	[tilespmem:s25+$0xFFFFFFA0] =	vst v23;
	v0 =	vsel vm2, v0, v28;
	v56 =	vld [tilespmem:s21+$0x70];
	v23 =	vmul.f32 v52, v50;
	v28, _, _ =	vpop (xrf2);
	v37 =	vbroadcast v37, $0x0  }
0x1ea: {  	(xrf2) =	vadd.scan.msk.f32 $0xffff, v12;
	v12 =	vmov s13;
	(v2sf) =	vpush v28, $0xF;
	v28 =	vld [tilespmem:s2+$0x70];
	v17 =	vmul.f32 v63, v17  }
0x1eb: {  	v53 =	vld [tilespmem:s21+$0x60];
	v12 =	vmul.f32 $1.442695020e+00, v12;
	(erf) = vpow2.f32 v37  }
0x1ec: {  	v0 =	vsel vm3, v19, v0;
	v20 =	vmul.f32 v30, v57;
	v30 =	vld [tilespmem:s2+$0x60];
	s14 =	spop (v2sf);
	v26 =	vmul.f32 v26, v18  }
0x1ed: {  	[tilespmem:s25+$0x110] =	vst v0;
	v19 =	vpop (erf);
	v52 =	vmul.f32 v47, v33;
	v0 =	vadd.f32 v23, v17;
	v54 =	vbroadcast v12, $0x0;
	s13 =	smul.f32 $1.767766920e-01, s14;
	s15 =	spop (v2sf)  }
0x1ee: {  	v63 =	vld [tilespmem:s24+$0xFFFFFF30];
	v12 =	vmul.f32 v51, v2;
	v24 =	vadd.f32 v24, v20;
	v20 =	vmul.f32 v19, v2;
	s2 =	smul.f32 $1.767766920e-01, s15;
	[tilespmem:s22+$0xA0] =	vst v26  }
0x1ef: {  	[tilespmem:s17+$0xFFFFFF30] =	vst v41;
	(erf) = vpow2.f32 v54;
	v28 =	vmul.f32 v56, v28;
	v55 =	vmov s13;
	v19 =	vld [tilespmem:s1+$0xA0]  }
0x1f0: {  	[tilespmem:s17+$0x50] =	vst v43;
	v60, _, _ =	vpop (xrf2);
	v26 =	vsel vm0, $0x0, v11;
	v41 =	vmul.f32 $1.442695020e+00, v55;
	v58 =	vmov s2  }
0x1f1: {  	v59 =	vld [tilespmem:s1+$0xFFFFFF80];
	(xrf2) =	vadd.scan.msk.f32 $0xffff, v24;
	(v2sf) =	vpush v60, $0xF;
	v30 =	vmul.f32 v53, v30;
	s13 =	spop (v2sf);
	v36 =	vmul.f32 $1.442695020e+00, v58;
	v62 =	vpop (erf)  }
0x1f2: {  	[tilespmem:s10+$0x60] =	vst v1;
	v57 =	vld [tilespmem:s1+$0xFFFFFF00];
	v1 =	vsel vm1, v26, v25;
	v24 =	vbroadcast v41, $0x0;
	s2 =	smul.f32 $1.767766920e-01, s13;
	v26 =	vmul.f32 v62, v2  }
0x1f3: {  	[tilespmem:s25+$0x30] =	vst v52;
	v1 =	vsel vm2, v1, v13;
	v13 =	vmul.f32 v63, v13;
	v45 =	vbroadcast v36, $0x0  }
0x1f4: {  	(xrf2) =	vadd.scan.msk.f32 $0xffff, v0;
	s14 =	spop (v2sf);
	(erf) = vpow2.f32 v24;
	v24 =	vmov s2;
	v23 =	vpop (erf);
	v17 =	vmul.f32 v19, v26  }
0x1f5: {  	[tilespmem:s17+$0xFFFFFFD0] =	vst v40;
	v46, _, _ =	vpop (xrf2);
	v55 =	vld [tilespmem:s24+$0x40];
	s2 =	smul.f32 $1.767766920e-01, s14;
	v19 =	vmul.f32 $1.442695020e+00, v24;
	v24 =	vmul.f32 v23, v2  }
0x1f6: {  	(v2sf) =	vpush v46, $0xF;
	[tilespmem:s25+$0xFFFFFF10] =	vst v13;
	v13 =	vsel vm0, $0x0, v12;
	v23 =	vmul.f32 v59, v20  }
0x1f7: {  	v48 =	vld [tilespmem:s24+$0xFFFFFFC0];
	v0 =	vmov s2;
	[tilespmem:s22+$0xB0] =	vst v17;
	v17 =	vbroadcast v19, $0x0;
	v19 =	vmul.f32 v57, v24  }
0x1f8: {  	[tilespmem:s10+$0xFFFFFFE0] =	vst v34;
	v61 =	vld [tilespmem:s1+$0x0];
	v54 =	vsel vm1, v13, v35;
	s15 =	spop (v2sf);
	v0 =	vmul.f32 $1.442695020e+00, v0  }
0x1f9: {  	v28 =	vadd.f32 v28, v30;
	(erf) = vpow2.f32 v45;
	v22 =	vsel vm2, v54, v22;
	s13 =	smul.f32 $1.767766920e-01, s15;
	[tilespmem:s22+$0xFFFFFF70] =	vst v23;
	v50 =	vld [tilespmem:s1+$0xB0]  }
0x1fa: {  	v16 =	vsel vm3, v16, v22;
	v22 =	vmul.f32 v55, v15;
	v51 =	vld [tilespmem:s1+$0xFFFFFF90];
	v0 =	vbroadcast v0, $0x0;
	v23 =	vpop (erf);
	[tilespmem:s22+$0xFFFFFEE0] =	vst v19  }
0x1fb: {  	(erf) = vpow2.f32 v17;
	v17 =	vmov s13;
	s13 =	spop (v2sf);
	v23 =	vmul.f32 v23, v2;
	v53 =	vld [tilespmem:s1+$0xFFFFFF10];
	v19, _, _ =	vpop (xrf2);
	(xrf2) =	vadd.scan.msk.f32 $0xffff, v28  }
0x1fc: {  	v34 =	vld [tilespmem:s11+$0xFFFFFFF0];
	[tilespmem:s17+$0xFFFFFFF0] =	vst v29;
	v17 =	vmul.f32 $1.442695020e+00, v17;
	s2 =	smul.f32 $1.767766920e-01, s13;
	(erf) = vpow2.f32 v0  }
0x1fd: {  	[tilespmem:s25+$0x100] =	vst v31;
	v30 =	vld [tilespmem:s19+$0xFFFFFF70];
	(v2sf) =	vpush v19, $0xF;
	v37 =	vmul.f32 v61, v23;
	v19 =	vmul.f32 v27, v2  }
0x1fe: {  	[tilespmem:s10+$0xFFFFFF60] =	vst v14;
	v27 =	vld [tilespmem:s24+$0xFFFFFF40];
	v13 =	vbroadcast v17, $0x0;
	v0 =	vmov s2;
	v61, _, _ =	vpop (xrf2);
	v17 =	vmul.f32 v50, v26  }
0x1ff: {  	v49 =	vld [tilespmem:s11+$0xFFFFFF60];
	v28 =	vmul.f32 v51, v20;
	v0 =	vmul.f32 $1.442695020e+00, v0;
	(v2sf) =	vpush v61, $0xF;
	[tilespmem:s22+$0x0] =	vst v37  }
0x200: {  	[tilespmem:s25+$0x40] =	vst v22;
	(erf) = vpow2.f32 v13;
	v13 =	vsel vm3, v32, v1;
	v56 =	vld [tilespmem:s1+$0x10];
	v1 =	vmul.f32 v53, v24  }
0x201: {  	v31 =	vld [tilespmem:s11+$0x60];
	[tilespmem:s22+$0xC0] =	vst v17;
	v17 =	vmul.f32 v48, v35  }
0x202: {  	v14 =	vpop (erf);
	[tilespmem:s22+$0xFFFFFF80] =	vst v28;
	v0 =	vbroadcast v0, $0x0;
	v28 =	vld [tilespmem:s1+$0xC0]  }
0x203: {  	v57 =	vpop (erf);
	s14 =	spop (v2sf);
	v59 =	vsel vm0, $0x0, v19;
	v58 =	vld [tilespmem:s1+$0xFFFFFFA0];
	v27 =	vmul.f32 v27, v25;
	[tilespmem:s25+$0xFFFFFFB0] =	vst v17  }
0x204: {  	v14 =	vmul.f32 v14, v2;
	s2 =	smul.f32 $1.767766920e-01, s14;
	v22 =	vsel vm1, v59, v15;
	[tilespmem:s22+$0xFFFFFEF0] =	vst v1;
	(erf) = vpow2.f32 v0;
	v17 =	vld [tilespmem:s24+$0xFFFFFFD0];
	v1 =	vpop (erf)  }
0x205: {  	v22 =	vsel vm2, v22, v33;
	v60 =	vld [tilespmem:s1+$0xFFFFFF20];
	[tilespmem:s25+$0xFFFFFF20] =	vst v27;
	v36 =	vmul.f32 v56, v23;
	v32 =	vmul.f32 v1, v2;
	v29, _, _ =	vpop (xrf2)  }
0x206: {  	s15 =	spop (v2sf);
	v27 =	vmul.f32 v57, v2;
	v1 =	vmov s2;
	v0 =	vld [tilespmem:s24+$0xFFFFFF50];
	(v2sf) =	vpush v29, $0xF  }
0x207: {  	v1 =	vmul.f32 $1.442695020e+00, v1;
	[tilespmem:s22+$0x10] =	vst v36;
	v28 =	vmul.f32 v28, v32;
	v36 =	vld [tilespmem:s24+$0x50]  }
0x208: {  	v33 =	vmul.f32 v49, v5;
	s2 =	smul.f32 $1.767766920e-01, s15;
	v40 =	vmul.f32 v58, v27;
	v37 =	vld [tilespmem:s1+$0x20]  }
0x209: {  	v21 =	vsel vm3, v21, v22;
	v22 =	vpop (erf);
	v1 =	vbroadcast v1, $0x0;
	v17 =	vmul.f32 v17, v35;
	[tilespmem:s22+$0xD0] =	vst v28;
	v28 =	vld [tilespmem:s19+$0x70]  }
0x20a: {  	v22 =	vmul.f32 v22, v2;
	v62 =	vmov s2;
	v41 =	vmul.f32 v60, v14;
	[tilespmem:s22+$0xFFFFFF90] =	vst v40;
	v35 =	vld [tilespmem:s1+$0xD0]  }
0x20b: {  	s13 =	simm.s32 $0x9A0;
	v63 =	vpop (erf);
	v39 =	vmul.f32 $1.442695020e+00, v62;
	v38 =	vld [tilespmem:s1+$0xFFFFFFB0];
	(erf) = vpow2.f32 v1;
	[tilespmem:s25+$0xFFFFFFC0] =	vst v17  }
0x20c: {  	s2 =	simm.s32 $0xC;
	s19 =	simm.s32 $0x27A0;
	[tilespmem:s22+$0xFFFFFF00] =	vst v41;
	v17 =	vmul.f32 v63, v2;
	v25 =	vmul.f32 v0, v25;
	v29 =	vld [tilespmem:s24+$0xFFFFFFE0];
	s14 =	spop (v2sf)  }
.LBB2_7:
0x20d: {  	v0 =	vld [tilespmem:s13+$0x80];
	s14 =	smul.f32 $1.767766920e-01, s14;
	v1 =	vmul.f32 v37, v22;
	v37 =	vbroadcast v39, $0x0;
	s21 =	sadd.s32 $0x200, s21;
	[tilespmem:s17+$0xFFFFFF40] =	vst v33  }
0x20e: {  	v15 =	vmul.f32 v36, v15;
	v31 =	vmul.f32 v31, v8;
	v33 =	vld [tilespmem:s21+$0x80];
	[tilespmem:s25+$0xFFFFFF30] =	vst v25  }
0x20f: {  	v36 =	vld [tilespmem:s13+$0x90];
	v39 =	vmov s14;
	[tilespmem:s22+$0x20] =	vst v1;
	v1 =	vmul.f32 v35, v32;
	v25 =	vpop (erf);
	s14 =	spop (v2sf);
	(erf) = vpow2.f32 v37  }
0x210: {  	s2 =	sadd.s32 $0x4, s2;
	v35 =	vld [tilespmem:s21+$0x90];
	v37 =	vmul.f32 v38, v27;
	v25 =	vmul.f32 v25, v2;
	s14 =	smul.f32 $1.767766920e-01, s14;
	[tilespmem:s25+$0x50] =	vst v15  }
0x211: {  	p0 =	slt.u32 s2, $0x1C;
	v15 =	vmul.f32 $1.442695020e+00, v39;
	v38 =	vld [tilespmem:s21+$0xFFFFFF00];
	[tilespmem:s22+$0xE0] =	vst v1;
	v1 =	vmul.f32 v29, v12  }
0x212: {  	v34 =	vmul.f32 v34, v7;
	v30 =	vmul.f32 v30, v3;
	v3 =	vmovc v5;
	v5 =	vmovc v11;
	[tilespmem:s22+$0xFFFFFFA0] =	vst v37;
	v29 =	vmov s14;
	v37 =	vld [tilespmem:s1+$0xE0]  }
0x213: {  	v7 =	vmov v12;
	v15 =	vbroadcast v15, $0x0;
	v11 =	vld [tilespmem:s13+$0xFFFFFF10];
	v29 =	vmul.f32 $1.442695020e+00, v29;
	[tilespmem:s25+$0xFFFFFFD0] =	vst v1  }
0x214: {  	v28 =	vmul.f32 v28, v4;
	v4 =	vmov v8;
	v0 =	vmul.f32 v33, v0;
	v1 =	vld [tilespmem:s21+$0xFFFFFF10];
	v12 =	vpop (erf);
	[tilespmem:s17+$0x60] =	vst v31  }
0x215: {  	v8 =	vmov v19;
	v31 =	vld [tilespmem:s13+$0xFFFFFF80];
	v33 =	vmul.f32 v35, v36;
	v12 =	vmul.f32 v12, v2;
	s14 =	spop (v2sf);
	[tilespmem:s10+$0xFFFFFF50] =	vst v30  }
0x216: {  	v29 =	vbroadcast v29, $0x0;
	v19 =	vld [tilespmem:s21+$0xFFFFFF80];
	s14 =	smul.f32 $1.767766920e-01, s14;
	(erf) = vpow2.f32 v15;
	[tilespmem:s17+$0xFFFFFFE0] =	vst v34  }
0x217: {  	v30 =	vld [tilespmem:s13+$0xFFFFFF90];
	v0 =	vadd.f32 v33, v0;
	v33 =	vmul.f32 v37, v12;
	v35 =	vsel vm0, $0x0, v12;
	[tilespmem:s10+$0x70] =	vst v28  }
0x218: {  	v28 =	vld [tilespmem:s21+$0xFFFFFF90];
	v34 =	vmov s14;
	v32 =	vsel vm1, v35, v32;
	(erf) = vpow2.f32 v29;
	v15 =	vpop (erf);
	[tilespmem:s10+$0x80] =	vst v6;
	s10 =	smov.u32 s17;
	s17 =	smov.u32 s25;
	s25 =	smov.u32 s22  }
0x219: {  	v6 =	vmovc v10;
	v1 =	vmul.f32 v1, v11;
	v11 =	vld [tilespmem:s13+$0x0];
	(xrf2) =	vadd.scan.msk.f32 $0xffff, v0;
	v15 =	vmul.f32 v15, v2;
	[tilespmem:s22+$0xF0] =	vst v33  }
0x21a: {  	v10 =	vmov v21;
	v0 =	vmul.f32 $1.442695020e+00, v34;
	v26 =	vsel vm2, v32, v26;
	v29 =	vld [tilespmem:s1+$0xF0]  }
0x21b: {  	v18 =	vsel vm3, v18, v26;
	v19 =	vmul.f32 v19, v31;
	v21 =	vld [tilespmem:s21+$0x0]  }
0x21c: {  	v0 =	vbroadcast v0, $0x0;
	v26 =	vld [tilespmem:s13+$0x10];
	[tilespmem:s22+$0x110] =	vst v18  }
0x21d: {  	v18 =	vmul.f32 v28, v30;
	v28 =	vld [tilespmem:s13+$0xA0]  }
0x21e: {  	v30 =	vld [tilespmem:s21+$0xA0];
	(erf) = vpow2.f32 v0  }
0x21f: {  	v31 =	vadd.f32 v18, v19;
	v18 =	vld [tilespmem:s13+$0xB0];
	v12 =	vmul.f32 v29, v12;
	v19 =	vpop (erf)  }
0x220: {  	v21 =	vmul.f32 v21, v11;
	v29 =	vld [tilespmem:s21+$0xB0];
	v11 =	vmul.f32 v19, v2  }
0x221: {  	v19 =	vld [tilespmem:s21+$0x10];
	(xrf2) =	vadd.scan.msk.f32 $0xffff, v31;
	[tilespmem:s22+$0x100] =	vst v12;
	v0 =	vpop (erf)  }
0x222: {  	v31 =	vld [tilespmem:s13+$0xFFFFFF00];
	v32 =	vsel vm0, $0x0, v11;
	v12 =	vmul.f32 v0, v2  }
0x223: {  	v0 =	vld [tilespmem:s13+$0xFFFFFF20];
	v33, _, _ =	vpop (xrf2);
	v32 =	vsel vm1, v32, v17  }
0x224: {  	v34 =	vld [tilespmem:s21+$0xFFFFFF20];
	(v2sf) =	vpush v33, $0xF;
	v32 =	vsel vm2, v32, v14;
	v33 =	vsel vm0, $0x0, v12  }
0x225: {  	v28 =	vmul.f32 v30, v28;
	v35 =	vld [tilespmem:s13+$0xFFFFFF30];
	v18 =	vmul.f32 v29, v18;
	v30 =	vsel vm1, v33, v25  }
0x226: {  	v29 =	vsel vm3, v24, v32;
	v33 =	vld [tilespmem:s21+$0xFFFFFF30];
	v19 =	vmul.f32 v19, v26;
	v24 =	vsel vm2, v30, v27  }
0x227: {  	v26 =	vmul.f32 v38, v31;
	v27 =	vld [tilespmem:s13+$0xFFFFFFA0];
	v18 =	vadd.f32 v18, v28;
	v28 =	vsel vm3, v20, v24;
	v20 =	vpop (erf)  }
0x228: {  	v24 =	vld [tilespmem:s21+$0xFFFFFFA0];
	v30 =	vadd.f32 v19, v21;
	v19 =	vmul.f32 v20, v2  }
0x229: {  	v0 =	vmul.f32 v34, v0;
	v1 =	vadd.f32 v1, v26;
	v20 =	vld [tilespmem:s13+$0xFFFFFFB0];
	(xrf2) =	vadd.scan.msk.f32 $0xffff, v18  }
0x22a: {  	v18 =	vld [tilespmem:s21+$0xFFFFFFB0];
	v21 =	vsel vm0, $0x0, v19  }
0x22b: {  	v26 =	vmul.f32 v33, v35;
	v31 =	vld [tilespmem:s13+$0x20];
	v32, _, _ =	vpop (xrf2);
	v21 =	vsel vm1, v21, v15  }
0x22c: {  	v33 =	vld [tilespmem:s21+$0x20];
	(xrf2) =	vadd.scan.msk.f32 $0xffff, v1;
	(v2sf) =	vpush v32, $0xF;
	v1 =	vsel vm2, v21, v22  }
0x22d: {  	v0 =	vadd.f32 v26, v0;
	v24 =	vmul.f32 v24, v27;
	v26 =	vld [tilespmem:s13+$0xC0];
	v21 =	vsel vm3, v23, v1  }
0x22e: {  	v1 =	vld [tilespmem:s21+$0xC0]  }
0x22f: {  	v18 =	vmul.f32 v18, v20;
	v20 =	vld [tilespmem:s13+$0xD0];
	(xrf2) =	vadd.scan.msk.f32 $0xffff, v30  }
0x230: {  	v23 =	vld [tilespmem:s21+$0xD0]  }
0x231: {  	v18 =	vadd.f32 v18, v24;
	v24 =	vmul.f32 v33, v31;
	v27 =	vld [tilespmem:s13+$0x30]  }
0x232: {  	v30 =	vld [tilespmem:s21+$0x30];
	(xrf2) =	vadd.scan.msk.f32 $0xffff, v0  }
0x233: {  	v0 =	vld [tilespmem:s13+$0xFFFFFF40];
	s14 =	spop (v2sf);
	v31, _, _ =	vpop (xrf2)  }
0x234: {  	v32 =	vld [tilespmem:s21+$0xFFFFFF40];
	s14 =	smul.f32 $1.767766920e-01, s14;
	(v2sf) =	vpush v31, $0xF  }
0x235: {  	v1 =	vmul.f32 v1, v26;
	v31 =	vld [tilespmem:s13+$0xFFFFFF50];
	v20 =	vmul.f32 v23, v20;
	(xrf2) =	vadd.scan.msk.f32 $0xffff, v18  }
0x236: {  	v18 =	vld [tilespmem:s21+$0xFFFFFF50];
	v23 =	vmov s14;
	v26, _, _ =	vpop (xrf2)  }
0x237: {  	v33 =	vld [tilespmem:s13+$0xFFFFFFC0];
	v23 =	vmul.f32 $1.442695020e+00, v23;
	v1 =	vadd.f32 v20, v1;
	(v2sf) =	vpush v26, $0xF  }
0x238: {  	v26 =	vmul.f32 v30, v27;
	v20 =	vld [tilespmem:s21+$0xFFFFFFC0]  }
0x239: {  	v0 =	vmul.f32 v32, v0;
	v27 =	vld [tilespmem:s13+$0xFFFFFFD0];
	v23 =	vbroadcast v23, $0x0;
	v30, _, _ =	vpop (xrf2);
	(xrf2) =	vadd.scan.msk.f32 $0xffff, v1  }
0x23a: {  	v24 =	vadd.f32 v26, v24;
	v1 =	vld [tilespmem:s21+$0xFFFFFFD0];
	(v2sf) =	vpush v30, $0xF  }
0x23b: {  	v18 =	vmul.f32 v18, v31;
	v26 =	vld [tilespmem:s13+$0x40];
	s14 =	spop (v2sf);
	(erf) = vpow2.f32 v23  }
0x23c: {  	s14 =	smul.f32 $1.767766920e-01, s14;
	v23 =	vld [tilespmem:s21+$0x40];
	v30, _, _ =	vpop (xrf2);
	(xrf2) =	vadd.scan.msk.f32 $0xffff, v24  }
0x23d: {  	v31 =	vadd.f32 v18, v0;
	v18 =	vmul.f32 v20, v33;
	v20 =	vld [tilespmem:s13+$0xE0];
	(v2sf) =	vpush v30, $0xF  }
0x23e: {  	v24 =	vmov s14;
	v30 =	vld [tilespmem:s21+$0xE0]  }
0x23f: {  	v1 =	vmul.f32 v1, v27;
	v24 =	vmul.f32 $1.442695020e+00, v24;
	v27 =	vld [tilespmem:s13+$0xF0];
	(xrf2) =	vadd.scan.msk.f32 $0xffff, v31;
	v0, _, _ =	vpop (xrf2)  }
0x240: {  	v31 =	vld [tilespmem:s21+$0xF0];
	(v2sf) =	vpush v0, $0xF  }
0x241: {  	s1 =	sadd.s32 $0x200, s1;
	v33 =	vbroadcast v24, $0x0;
	v1 =	vadd.f32 v1, v18;
	v23 =	vmul.f32 v23, v26;
	v24 =	vld [tilespmem:s13+$0x50]  }
0x242: {  	v26 =	vld [tilespmem:s1+$0x80]  }
0x243: {  	v32 =	vld [tilespmem:s21+$0x50];
	(erf) = vpow2.f32 v33;
	(xrf2) =	vadd.scan.msk.f32 $0xffff, v1;
	s14 =	spop (v2sf);
	v0, _, _ =	vpop (xrf2)  }
0x244: {  	v20 =	vmul.f32 v30, v20;
	v1 =	vld [tilespmem:s13+$0xFFFFFF60];
	s14 =	smul.f32 $1.767766920e-01, s14;
	v18 =	vpop (erf);
	(v2sf) =	vpush v0, $0xF  }
0x245: {  	v0 =	vld [tilespmem:s21+$0xFFFFFF60];
	v27 =	vmul.f32 v31, v27;
	v18 =	vmul.f32 v18, v2  }
0x246: {  	v30 =	vld [tilespmem:s13+$0xFFFFFF70];
	v31 =	vmov s14;
	s14 =	spop (v2sf);
	v33, _, _ =	vpop (xrf2)  }
0x247: {  	v34 =	vld [tilespmem:s21+$0xFFFFFF70];
	s14 =	smul.f32 $1.767766920e-01, s14;
	v26 =	vmul.f32 v26, v18;
	v35 =	vmul.f32 $1.442695020e+00, v31;
	v20 =	vadd.f32 v27, v20  }
0x248: {  	s22 =	sadd.s32 $0x240, s22;
	v27 =	vld [tilespmem:s13+$0xFFFFFFE0];
	v24 =	vmul.f32 v32, v24;
	(v2sf) =	vpush v33, $0xF  }
0x249: {  	v32 =	vmov s14;
	v33 =	vld [tilespmem:s21+$0xFFFFFFE0];
	[tilespmem:s22+$0x90] =	vst v26;
	v26 =	vbroadcast v35, $0x0;
	v31, _, _ =	vpop (xrf2);
	s14 =	spop (v2sf);
	(xrf2) =	vadd.scan.msk.f32 $0xffff, v20  }
0x24a: {  	v35 =	vmul.f32 $1.442695020e+00, v32;
	s14 =	smul.f32 $1.767766920e-01, s14;
	v23 =	vadd.f32 v24, v23;
	v24 =	vld [tilespmem:s1+$0x90];
	(v2sf) =	vpush v31, $0xF  }
0x24b: {  	v0 =	vmul.f32 v0, v1;
	v1 =	vld [tilespmem:s13+$0xFFFFFFF0];
	(erf) = vpow2.f32 v26  }
0x24c: {  	v26 =	vmul.f32 v34, v30;
	v30 =	vbroadcast v35, $0x0;
	v31 =	vld [tilespmem:s21+$0xFFFFFFF0];
	v32 =	vmov s14;
	s14 =	spop (v2sf);
	v20 =	vpop (erf);
	(xrf2) =	vadd.scan.msk.f32 $0xffff, v23  }
0x24d: {  	s14 =	smul.f32 $1.767766920e-01, s14;
	v20 =	vmul.f32 v20, v2;
	v23 =	vld [tilespmem:s13+$0x60];
	v32 =	vmul.f32 $1.442695020e+00, v32;
	v34, _, _ =	vpop (xrf2)  }
0x24e: {  	v27 =	vmul.f32 v33, v27;
	v33 =	vld [tilespmem:s21+$0x60];
	(erf) = vpow2.f32 v30;
	(v2sf) =	vpush v34, $0xF  }
0x24f: {  	v30 =	vmov s14;
	v34 =	vld [tilespmem:s13+$0x70];
	v32 =	vbroadcast v32, $0x0;
	v24 =	vmul.f32 v24, v18;
	s14 =	spop (v2sf)  }
0x250: {  	v0 =	vadd.f32 v26, v0;
	v30 =	vmul.f32 $1.442695020e+00, v30;
	s14 =	smul.f32 $1.767766920e-01, s14;
	v26 =	vld [tilespmem:s21+$0x70]  }
0x251: {  	v35 =	vld [tilespmem:s1+$0xFFFFFF00];
	v1 =	vmul.f32 v31, v1;
	[tilespmem:s22+$0xA0] =	vst v24;
	(erf) = vpow2.f32 v32  }
0x252: {  	v36 =	vbroadcast v30, $0x0;
	v30 =	vmov s14;
	v31 =	vld [tilespmem:s1+$0xA0];
	(xrf2) =	vadd.scan.msk.f32 $0xffff, v0  }
0x253: {  	v0 =	vld [tilespmem:s1+$0xFFFFFF80];
	v30 =	vmul.f32 $1.442695020e+00, v30;
	v1 =	vadd.f32 v1, v27;
	v23 =	vmul.f32 v33, v23;
	s14 =	spop (v2sf);
	v27, _, _ =	vpop (xrf2)  }
0x254: {  	v32 =	vld [tilespmem:s1+$0x0];
	s14 =	smul.f32 $1.767766920e-01, s14;
	(erf) = vpow2.f32 v36;
	v24 =	vpop (erf);
	(v2sf) =	vpush v27, $0xF  }
0x255: {  	v27 =	vmul.f32 v26, v34;
	v26 =	vmul.f32 v24, v2;
	(xrf2) =	vadd.scan.msk.f32 $0xffff, v1;
	v1 =	vld [tilespmem:s19+$0xFFFFFF30]  }
0x256: {  	v30 =	vbroadcast v30, $0x0;
	v37 =	vmov s14;
	v33, _, _ =	vpop (xrf2);
	v34 =	vld [tilespmem:s19+$0x30]  }
0x257: {  	v31 =	vmul.f32 v31, v26;
	v36 =	vmul.f32 $1.442695020e+00, v37;
	v24 =	vpop (erf);
	s14 =	spop (v2sf);
	(v2sf) =	vpush v33, $0xF;
	v33 =	vld [tilespmem:s19+$0xFFFFFFC0]  }
0x258: {  	v27 =	vadd.f32 v27, v23;
	v24 =	vmul.f32 v24, v2;
	v0 =	vmul.f32 v0, v20;
	s14 =	smul.f32 $1.767766920e-01, s14;
	v38 =	vld [tilespmem:s24+$0xFFFFFF60]  }
0x259: {  	[tilespmem:s22+$0xB0] =	vst v31;
	v36 =	vbroadcast v36, $0x0;
	s15 =	spop (v2sf);
	(erf) = vpow2.f32 v30;
	v31 =	vld [tilespmem:s24+$0x60]  }
0x25a: {  	v30 =	vmul.f32 v35, v24;
	s15 =	smul.f32 $1.767766920e-01, s15;
	[tilespmem:s22+$0xFFFFFF70] =	vst v0;
	v0 =	vmov s14;
	v35 =	vld [tilespmem:s1+$0xB0];
	v23 =	vpop (erf);
	v1 =	vmul.f32 v1, v14  }
0x25b: {  	v37 =	vld [tilespmem:s1+$0xFFFFFF90];
	v23 =	vmul.f32 v23, v2;
	(xrf2) =	vadd.scan.msk.f32 $0xffff, v27;
	(erf) = vpow2.f32 v36  }
0x25c: {  	v0 =	vmul.f32 $1.442695020e+00, v0;
	v22 =	vmul.f32 v34, v22;
	[tilespmem:s22+$0xFFFFFEE0] =	vst v30;
	v39 =	vmov s15;
	v27, _, _ =	vpop (xrf2);
	v30 =	vld [tilespmem:s11+$0xFFFFFF70]  }
0x25d: {  	v36 =	vld [tilespmem:s1+$0xFFFFFF10];
	v34 =	vmul.f32 $1.442695020e+00, v39;
	v39 =	vmul.f32 v32, v23;
	v14 =	vpop (erf);
	(v2sf) =	vpush v27, $0xF;
	s14 =	spop (v2sf);
	[tilespmem:s25+$0xFFFFFF10] =	vst v1  }
0x25e: {  	v0 =	vbroadcast v0, $0x0;
	v14 =	vmul.f32 v14, v2;
	s14 =	smul.f32 $1.767766920e-01, s14;
	v1 =	vld [tilespmem:s19+$0xFFFFFF40];
	[tilespmem:s25+$0x30] =	vst v22  }
0x25f: {  	v22 =	vbroadcast v34, $0x0;
	[tilespmem:s22+$0x0] =	vst v39;
	v40 =	vmul.f32 v35, v26;
	v32, _, _ =	vpop (xrf2);
	v35 =	vld [tilespmem:s19+$0x40]  }
0x260: {  	v37 =	vmul.f32 v37, v20;
	v39 =	vld [tilespmem:s1+$0x10];
	(v2sf) =	vpush v32, $0xF;
	(erf) = vpow2.f32 v0;
	[tilespmem:s10+$0xFFFFFF60] =	vst v9;
	v9 =	vmovc v13;
	v13 =	vmovc v29  }
0x261: {  	v0 =	vmov s14;
	v32 =	vmul.f32 v33, v25;
	[tilespmem:s22+$0xC0] =	vst v40;
	(erf) = vpow2.f32 v22;
	v34 =	vld [tilespmem:s24+$0xFFFFFFF0]  }
0x262: {  	v0 =	vmul.f32 $1.442695020e+00, v0;
	v29 =	vmul.f32 v36, v24;
	[tilespmem:s22+$0xFFFFFF80] =	vst v37;
	v33 =	vld [tilespmem:s1+$0xC0];
	v27 =	vpop (erf)  }
0x263: {  	v27 =	vmul.f32 v27, v2;
	v37 =	vld [tilespmem:s1+$0xFFFFFFA0];
	s14 =	spop (v2sf);
	v1 =	vmul.f32 v1, v17;
	[tilespmem:s25+$0xFFFFFFB0] =	vst v32  }
0x264: {  	v0 =	vbroadcast v0, $0x0;
	[tilespmem:s22+$0xFFFFFEF0] =	vst v29;
	s14 =	smul.f32 $1.767766920e-01, s14;
	v22 =	vpop (erf);
	v29 =	vld [tilespmem:s19+$0xFFFFFFD0];
	v35 =	vmul.f32 v35, v15  }
0x265: {  	v40 =	vld [tilespmem:s1+$0xFFFFFF20];
	v36 =	vmul.f32 v39, v23;
	v32 =	vmul.f32 v22, v2;
	v22, _, _ =	vpop (xrf2);
	[tilespmem:s25+$0xFFFFFF20] =	vst v1  }
0x266: {  	v1 =	vmov s14;
	(erf) = vpow2.f32 v0;
	s14 =	spop (v2sf);
	(v2sf) =	vpush v22, $0xF;
	v0 =	vld [tilespmem:s19+$0xFFFFFF50];
	[tilespmem:s25+$0x40] =	vst v35  }
0x267: {  	[tilespmem:s22+$0x10] =	vst v36;
	s14 =	smul.f32 $1.767766920e-01, s14;
	v41 =	vmul.f32 v33, v32;
	v1 =	vmul.f32 $1.442695020e+00, v1;
	v36 =	vld [tilespmem:s19+$0x50]  }
.Ltmp2:
0x268: {  	v33 =	vmul.f32 v38, v5;
	v35 =	vmul.f32 v37, v27;
	v37 =	vld [tilespmem:s1+$0x20];
	[tilespmem:s17+$0xFFFFFFF0] =	vst v16;
	v16 =	vmov v28;
	(pc) =	sbr.rel @p0 .LBB2_7-.Ltmp2, $4  }
0x269: {  	v39 =	vmov s14;
	[tilespmem:s22+$0xD0] =	vst v41;
	v1 =	vbroadcast v1, $0x0;
	v22 =	vpop (erf);
	v25 =	vmul.f32 v29, v25;
	v28 =	vld [tilespmem:s11+$0x70];
	s11 =	smov.u32 s24;
	s24 =	smov.u32 s19;
	s19 =	smov.u32 s1  }
0x26a: {  	v29 =	vmul.f32 v40, v14;
	[tilespmem:s22+$0xFFFFFF90] =	vst v35;
	v22 =	vmul.f32 v22, v2;
	v35 =	vld [tilespmem:s1+$0xD0];
	v40 =	vpop (erf)  }
0x26b: {  	v39 =	vmul.f32 $1.442695020e+00, v39;
	v38 =	vld [tilespmem:s1+$0xFFFFFFB0];
	(erf) = vpow2.f32 v1;
	[tilespmem:s25+$0xFFFFFFC0] =	vst v25  }
0x26c: {  	s13 =	sadd.s32 $0x200, s13;
	v25 =	vmul.f32 v0, v17;
	v17 =	vmul.f32 v40, v2;
	[tilespmem:s22+$0xFFFFFF00] =	vst v29;
	s14 =	spop (v2sf);
	v29 =	vld [tilespmem:s24+$0xFFFFFFE0]  }
0x26d: {  	_ =	sdelay $0x1  }
0x26e: {  	v0 =	vmul.f32 v37, v22  }
0x26f: {  	[tilespmem:s17+$0xFFFFFF40] =	vst v33;
	v1 =	vmul.f32 v38, v27  }
0x270: {  	[tilespmem:s22+$0x20] =	vst v0;
	v0 =	vld [tilespmem:s19+$0xFFFFFF30]  }
0x271: {  	v57 =	vbroadcast v39, $0x0;
	v15 =	vmul.f32 v36, v15;
	[tilespmem:s22+$0xFFFFFFA0] =	vst v1;
	v1 =	vld [tilespmem:s19+$0x30]  }
0x272: {  	[tilespmem:s25+$0xFFFFFF30] =	vst v25;
	v35 =	vmul.f32 v35, v32;
	s13 =	spop (v2sf)  }
0x273: {  	v31 =	vmul.f32 v31, v8;
	(erf) = vpow2.f32 v57;
	[tilespmem:s25+$0x50] =	vst v15;
	s13 =	smul.f32 $1.767766920e-01, s13;
	v25 =	vld [tilespmem:s19+$0xFFFFFFC0]  }
0x274: {  	s2 =	smul.f32 $1.767766920e-01, s14;
	v58 =	vpop (erf);
	[tilespmem:s22+$0xE0] =	vst v35;
	v29 =	vmul.f32 v29, v12  }
0x275: {  	[tilespmem:s17+$0x60] =	vst v31;
	v33 =	vmul.f32 v58, v2;
	v15 =	vld [tilespmem:s1+$0xE0];
	v60 =	vmov s13;
	v0 =	vmul.f32 v0, v14  }
0x276: {  	v59 =	vmov s2;
	[tilespmem:s25+$0xFFFFFFD0] =	vst v29;
	v29 =	vmul.f32 $1.442695020e+00, v60;
	v61 =	vpop (erf);
	v1 =	vmul.f32 v1, v22  }
0x277: {  	v35 =	vmul.f32 $1.442695020e+00, v59;
	v31 =	vmul.f32 v61, v2;
	[tilespmem:s22+$0xFFFFFF10] =	vst v0  }
0x278: {  	v0 =	vmul.f32 v25, v33;
	[tilespmem:s22+$0x30] =	vst v1;
	v1 =	vbroadcast v29, $0x0  }
0x279: {  	v3 =	vmul.f32 v30, v3;
	[tilespmem:s10+$0x80] =	vst v6;
	v30 =	vld [tilespmem:s19+$0xFFFFFF40];
	v25 =	vbroadcast v35, $0x0  }
0x27a: {  	v15 =	vmul.f32 v15, v31;
	v29 =	vld [tilespmem:s19+$0x40];
	[tilespmem:s22+$0xFFFFFFB0] =	vst v0  }
0x27b: {  	[tilespmem:s10+$0xFFFFFF50] =	vst v3;
	s21 =	spop (v2sf);
	v0 =	vmul.f32 v34, v7;
	(erf) = vpow2.f32 v25;
	v3 =	vld [tilespmem:s19+$0xFFFFFFD0]  }
0x27c: {  	v4 =	vmul.f32 v28, v4;
	v6 =	vld [tilespmem:s24+$0xFFFFFF60];
	s2 =	smul.f32 $1.767766920e-01, s21;
	[tilespmem:s22+$0xF0] =	vst v15;
	(erf) = vpow2.f32 v1;
	v1 =	vpop (erf)  }
0x27d: {  	[tilespmem:s17+$0xFFFFFFE0] =	vst v0;
	v0 =	vmul.f32 v1, v2  }
0x27e: {  	[tilespmem:s10+$0x70] =	vst v4;
	v15 =	vmov s2;
	v7 =	vsel vm0, $0x0, v31;
	v4 =	vmul.f32 v30, v17;
	v1 =	vld [tilespmem:s1+$0xF0]  }
0x27f: {  	v15 =	vmul.f32 $1.442695020e+00, v15;
	v7 =	vsel vm1, v7, v32;
	v25 =	vmul.f32 v29, v0  }
0x280: {  	[tilespmem:s22+$0xFFFFFF20] =	vst v4;
	v4 =	vsel vm2, v7, v26;
	v3 =	vmul.f32 v3, v33  }
0x281: {  	v6 =	vmul.f32 v6, v11;
	v15 =	vbroadcast v15, $0x0;
	v7 =	vld [tilespmem:s19+$0xFFFFFF50];
	v4 =	vsel vm3, v18, v4;
	[tilespmem:s22+$0x40] =	vst v25  }
0x282: {  	[tilespmem:s22+$0xFFFFFFC0] =	vst v3;
	v18 =	vld [tilespmem:s19+$0x50]  }
0x283: {  	[tilespmem:s25+$0xFFFFFF40] =	vst v6;
	v1 =	vmul.f32 v1, v31;
	v3 =	vld [tilespmem:s19+$0xFFFFFFE0]  }
0x284: {  	v28 =	vld [tilespmem:s24+$0x60];
	(erf) = vpow2.f32 v15;
	[tilespmem:s22+$0x110] =	vst v4;
	v4 =	vpop (erf)  }
0x285: {  	v15 =	vpop (erf);
	[tilespmem:s22+$0x100] =	vst v1;
	v1 =	vld [tilespmem:s11+$0xFFFFFF70]  }
0x286: {  	v7 =	vmul.f32 v7, v17;
	[tilespmem:s17+$0xFFFFFF60] =	vst v9;
	v9 =	vld [tilespmem:s24+$0xFFFFFFF0];
	v15 =	vmul.f32 v15, v2  }
0x287: {  	[tilespmem:s25+$0xFFFFFFF0] =	vst v16;
	v6 =	vmul.f32 v18, v0  }
0x288: {  	v16 =	vld [tilespmem:s11+$0x70];
	[tilespmem:s22+$0xFFFFFF30] =	vst v7;
	v3 =	vmul.f32 v3, v15  }
0x289: {  	v7 =	vmul.f32 v28, v19;
	[tilespmem:s22+$0x50] =	vst v6  }
0x28a: {  	v1 =	vmul.f32 v1, v5;
	[tilespmem:s22+$0xFFFFFFD0] =	vst v3;
	v3 =	vld [tilespmem:s19+$0xFFFFFF60]  }
0x28b: {  	[tilespmem:s25+$0x60] =	vst v7;
	v5 =	vmul.f32 v9, v12;
	v6 =	vld [tilespmem:s19+$0x60]  }
0x28c: {  	[tilespmem:s17+$0xFFFFFF50] =	vst v1  }
0x28d: {  	v7 =	vmul.f32 v16, v8;
	v1 =	vmul.f32 v4, v2;
	v4 =	vpop (erf);
	[tilespmem:s25+$0xFFFFFFE0] =	vst v5;
	v5 =	vld [tilespmem:s24+$0xFFFFFF70]  }
0x28e: {  	[tilespmem:s17+$0x80] =	vst v10;
	v2 =	vmul.f32 v4, v2;
	v4 =	vld [tilespmem:s19+$0xFFFFFFF0]  }
0x28f: {  	[tilespmem:s17+$0x70] =	vst v7;
	v7 =	vsel vm0, $0x0, v15;
	v3 =	vmul.f32 v3, v1  }
0x290: {  	v8 =	vld [tilespmem:s24+$0x70];
	[tilespmem:s25+$0x80] =	vst v21;
	v7 =	vsel vm1, v7, v33;
	v6 =	vmul.f32 v6, v2  }
0x291: {  	v7 =	vsel vm2, v7, v27;
	[tilespmem:s22+$0xFFFFFF40] =	vst v3  }
0x292: {  	v3 =	vsel vm3, v20, v7;
	v5 =	vmul.f32 v5, v11;
	[tilespmem:s22+$0x60] =	vst v6  }
0x293: {  	v7 =	vsel vm0, $0x0, v1;
	v6 =	vld [tilespmem:s19+$0xFFFFFF70];
	[tilespmem:s22+$0xFFFFFFF0] =	vst v3;
	v3 =	vmul.f32 v4, v15  }
0x294: {  	v4 =	vld [tilespmem:s19+$0x70];
	[tilespmem:s25+$0xFFFFFF50] =	vst v5;
	v5 =	vsel vm1, v7, v17  }
0x295: {  	v8 =	vmul.f32 v8, v19;
	[tilespmem:s22+$0xFFFFFFE0] =	vst v3;
	v3 =	vsel vm2, v5, v14;
	v5 =	vsel vm0, $0x0, v2  }
0x296: {  	[tilespmem:s25+$0xFFFFFF60] =	vst v13;
	v0 =	vsel vm1, v5, v0  }
0x297: {  	[tilespmem:s25+$0x70] =	vst v8;
	v3 =	vsel vm3, v24, v3;
	v0 =	vsel vm2, v0, v22  }
0x298: {  	[tilespmem:s22+$0xFFFFFF60] =	vst v3;
	v1 =	vmul.f32 v6, v1;
	v0 =	vsel vm3, v23, v0  }
0x299: {  	v2 =	vmul.f32 v4, v2;
	[tilespmem:s22+$0x80] =	vst v0  }
0x29a: {  	[tilespmem:s22+$0xFFFFFF50] =	vst v1  }
0x29b: {  	s10 =	simm.s32 $0x30A0;
	s2 =	simm.s32 $0x80;
	[tilespmem:s22+$0x70] =	vst v2  }
0x29c: {  	[spmem:s16] =	stream.indirect.scatter.add.f32 [tilespmem:s10], [sflag:$0x3], $0x90, s2, s20, $0xb8;
	[tilespmem:$0x1FB50] =	vst v63  }
0x29d: {  	_ =	swait.ge [sflag:s18], $0x1000  }
0x29e: {  	[sflag:s18] =	ssyncset.done $0x0  }
0x29f: {  	[sflag:s18] =	ssyncadd.s32 $0xFFFFF000  }
0x2a0: {  	_ =	swait.ge [sflag:s18], $0x1000  }
0x2a1: {  	[sflag:s18] =	ssyncset.done $0x0  }
0x2a2: {  	[sflag:s18] =	ssyncadd.s32 $0xFFFFF000  }
0x2a3: {  	_ =	swait.ge [sflag:s18], $0x1000  }
0x2a4: {  	[sflag:s18] =	ssyncset.done $0x0  }
0x2a5: {  	s2 =	simm.s32 $0x4440;
	[sflag:s18] =	ssyncadd.s32 $0xFFFFF000  }
0x2a6: {  	s1 =	simm.s32 $0x5440;
	v0 =	vld [tilespmem:s2+$0x80]  }
0x2a7: {  	v1 =	vld [tilespmem:s1+$0x80]  }
0x2a8: {  	v2 =	vld [tilespmem:s2+$0x90]  }
0x2a9: {  	v3 =	vld [tilespmem:s1+$0x90];
	_ =	sdelay $0x4  }
0x2aa: {  	v0 =	vmul.f32 v1, v0;
	v1 =	vmul.f32 v3, v2  }
0x2ab: {  	v4 =	vld [tilespmem:s1+$0xFFFFFF00]  }
0x2ac: {  	v5 =	vld [tilespmem:s1+$0xFFFFFF80];
	v0 =	vadd.f32 v1, v0  }
0x2ad: {  	v6 =	vld [tilespmem:s1+$0xFFFFFF90]  }
0x2ae: {  	v7 =	vld [tilespmem:s2+$0x0];
	(xrf2) =	vadd.scan.msk.f32 $0xffff, v0  }
0x2af: {  	v8 =	vld [tilespmem:s2+$0xA0]  }
0x2b0: {  	v9 =	vld [tilespmem:s1+$0xA0]  }
0x2b1: {  	v10 =	vld [tilespmem:s2+$0xB0]  }
0x2b2: {  	v11 =	vld [tilespmem:s1+$0xB0]  }
0x2b3: {  	v12 =	vld [tilespmem:s1+$0x0]  }
0x2b4: {  	v13 =	vld [tilespmem:s2+$0x10]  }
0x2b5: {  	v1 =	vld [tilespmem:s2+$0xFFFFFF80]  }
0x2b6: {  	v0 =	vld [tilespmem:s2+$0xFFFFFF90]  }
0x2b7: {  	v14 =	vld [tilespmem:s1+$0x10]  }
0x2b8: {  	v16 =	vld [tilespmem:s2+$0xC0];
	v15, _, _ =	vpop (xrf2)  }
0x2b9: {  	v2 =	vld [tilespmem:s2+$0xFFFFFF10];
	(v2sf) =	vpush v15, $0xF  }
0x2ba: {  	v3 =	vld [tilespmem:s1+$0xFFFFFF10];
	v8 =	vmul.f32 v9, v8;
	v9 =	vmul.f32 v11, v10  }
0x2bb: {  	v10 =	vld [tilespmem:s2+$0xFFFFFF30];
	v1 =	vmul.f32 v5, v1;
	v0 =	vmul.f32 v6, v0  }
0x2bc: {  	v5 =	vld [tilespmem:s2+$0xFFFFFF00]  }
0x2bd: {  	v11 =	vld [tilespmem:s2+$0xFFFFFFB0];
	v0 =	vadd.f32 v0, v1  }
0x2be: {  	v8 =	vadd.f32 v9, v8;
	v9 =	vld [tilespmem:s2+$0xFFFFFFA0]  }
0x2bf: {  	v6 =	vld [tilespmem:s2+$0xFFFFFF20];
	(xrf2) =	vadd.scan.msk.f32 $0xffff, v0  }
0x2c0: {  	v1 =	vld [tilespmem:s1+$0xFFFFFF20];
	(xrf2) =	vadd.scan.msk.f32 $0xffff, v8  }
0x2c1: {  	v2 =	vmul.f32 v3, v2;
	v3 =	vmul.f32 v4, v5;
	v5 =	vld [tilespmem:s2+$0xD0]  }
0x2c2: {  	v0 =	vld [tilespmem:s1+$0xFFFFFF30]  }
0x2c3: {  	v8 =	vld [tilespmem:s1+$0xFFFFFFA0]  }
0x2c4: {  	v2 =	vadd.f32 v2, v3;
	v3 =	vld [tilespmem:s1+$0xD0]  }
0x2c5: {  	v7 =	vmul.f32 v12, v7;
	v15 =	vld [tilespmem:s1+$0xFFFFFFB0]  }
0x2c6: {  	v12 =	vmul.f32 v14, v13;
	v4 =	vld [tilespmem:s1+$0xC0];
	v1 =	vmul.f32 v1, v6  }
0x2c7: {  	v0 =	vmul.f32 v0, v10  }
0x2c8: {  	v6 =	vadd.f32 v12, v7;
	(xrf2) =	vadd.scan.msk.f32 $0xffff, v2;
	s11 =	spop (v2sf)  }
0x2c9: {  	v2 =	vmul.f32 v8, v9;
	v0 =	vadd.f32 v0, v1;
	v7, _, _ =	vpop (xrf2);
	s10 =	smul.f32 $1.767766920e-01, s11  }
0x2ca: {  	v3 =	vmul.f32 v3, v5;
	(v2sf) =	vpush v7, $0xF;
	v1, _, _ =	vpop (xrf2);
	v7 =	vmul.f32 v15, v11;
	(xrf2) =	vadd.scan.msk.f32 $0xffff, v6  }
0x2cb: {  	(v2sf) =	vpush v1, $0xF;
	v1 =	vmul.f32 v4, v16;
	(xrf2) =	vadd.scan.msk.f32 $0xffff, v0;
	v0 =	vmov s10  }
0x2cc: {  	v2 =	vadd.f32 v7, v2;
	v0 =	vmul.f32 $1.442695020e+00, v0  }
0x2cd: {  	v1 =	vadd.f32 v3, v1  }
0x2ce: {  	(xrf2) =	vadd.scan.msk.f32 $0xffff, v2;
	v0 =	vbroadcast v0, $0x0  }
0x2cf: {  	(xrf2) =	vadd.scan.msk.f32 $0xffff, v1;
	_ =	sdelay $0x2  }
0x2d0: {  	(erf) = vpow2.f32 v0;
	v0, _, _ =	vpop (xrf2)  }
0x2d1: {  	v17 =	vld [tilespmem:s2+$0xFFFFFFC0];
	(v2sf) =	vpush v0, $0xF  }
0x2d2: {  	v18 =	vld [tilespmem:s1+$0xFFFFFFC0];
	v2, _, _ =	vpop (xrf2)  }
0x2d3: {  	v19 =	vld [tilespmem:s2+$0xFFFFFFD0];
	(v2sf) =	vpush v2, $0xF;
	v2, _, _ =	vpop (xrf2)  }
0x2d4: {  	v20 =	vld [tilespmem:s1+$0xFFFFFFD0];
	(v2sf) =	vpush v2, $0xF  }
0x2d5: {  	v21 =	vld [tilespmem:s2+$0x40]  }
0x2d6: {  	s17 =	simm.s32 $0x6440;
	s13 =	rddreg [dreg:$0xb];
	v22 =	vld [tilespmem:s1+$0x40];
	v2, _, _ =	vpop (xrf2)  }
0x2d7: {  	p0 =	slt.u32 s0, s13;
	s0 =	simm.f32 $1.000000000e+00;
	v5 =	vld [tilespmem:s17+$0x80];
	s14 =	spop (v2sf);
	(v2sf) =	vpush v2, $0xF;
	v7, _, _ =	vpop (xrf2)  }
0x2d8: {  	s0 =	simm.s32 @!p0 $0x0;
	v23 =	vld [tilespmem:s2+$0x50];
	s10 =	smul.f32 $1.767766920e-01, s14;
	s15 =	spop (v2sf);
	(v2sf) =	vpush v7, $0xF  }
0x2d9: {  	v25 =	vld [tilespmem:s1+$0x50];
	s19 =	smul.f32 $1.767766920e-01, s15;
	v2 =	vmov s0;
	v10 =	vpop (erf)  }
0x2da: {  	v27 =	vld [tilespmem:s2+$0xFFFFFF60];
	v7 =	vmov s10;
	v10 =	vmul.f32 v10, v2  }
0x2db: {  	v14 =	vld [tilespmem:s1+$0xE0];
	v11 =	vmov s19;
	v7 =	vmul.f32 $1.442695020e+00, v7  }
0x2dc: {  	v12 =	vld [tilespmem:s2+$0xE0];
	v11 =	vmul.f32 $1.442695020e+00, v11;
	v5 =	vmul.f32 v5, v10  }
0x2dd: {  	v15 =	vld [tilespmem:s2+$0xF0];
	s0 =	simm.s32 $0x7460;
	v7 =	vbroadcast v7, $0x0  }
0x2de: {  	v16 =	vld [tilespmem:s1+$0xF0];
	[tilespmem:s0+$0x90] =	vst v5;
	v5 =	vbroadcast v11, $0x0  }
0x2df: {  	(erf) = vpow2.f32 v7;
	v7 =	vld [tilespmem:s17+$0x90]  }
0x2e0: {  	v28 =	vld [tilespmem:s1+$0xFFFFFF60];
	(erf) = vpow2.f32 v5;
	s21 =	spop (v2sf)  }
0x2e1: {  	v30 =	vld [tilespmem:s2+$0xFFFFFF70];
	s10 =	smul.f32 $1.767766920e-01, s21  }
0x2e2: {  	v62 =	vld [tilespmem:s1+$0xFFFFFF70];
	s22 =	spop (v2sf)  }
0x2e3: {  	v63 =	vld [tilespmem:s2+$0xFFFFFFE0];
	s24 =	spop (v2sf);
	v5 =	vmov s10  }
0x2e4: {  	v13 =	vld [tilespmem:s1+$0xFFFFFF50];
	v7 =	vmul.f32 v7, v10;
	s11 =	smul.f32 $1.767766920e-01, s24;
	v5 =	vmul.f32 $1.442695020e+00, v5  }
0x2e5: {  	v8 =	vld [tilespmem:s1+$0xFFFFFF40];
	s10 =	smul.f32 $1.767766920e-01, s22  }
0x2e6: {  	v9 =	vld [tilespmem:s2+$0xFFFFFF50];
	s25 =	spop (v2sf);
	[tilespmem:s0+$0xA0] =	vst v7;
	v11 =	vmov s11;
	v5 =	vbroadcast v5, $0x0  }
0x2e7: {  	s13 =	spop (v2sf);
	v7 =	vmov s10;
	v24 =	vld [tilespmem:s17+$0xA0];
	s10 =	smul.f32 $1.767766920e-01, s25  }
0x2e8: {  	v6 =	vld [tilespmem:s2+$0xFFFFFF40];
	v26 =	vpop (erf);
	s11 =	smul.f32 $1.767766920e-01, s13;
	v7 =	vmul.f32 $1.442695020e+00, v7;
	(erf) = vpow2.f32 v5  }
0x2e9: {  	v4 =	vld [tilespmem:s1+$0x30];
	v29 =	vmov s10;
	v5 =	vmul.f32 $1.442695020e+00, v11;
	v11 =	vpop (erf)  }
0x2ea: {  	v3 =	vld [tilespmem:s2+$0x30];
	v31 =	vmov s11;
	v7 =	vbroadcast v7, $0x0;
	v11 =	vmul.f32 v11, v2  }
0x2eb: {  	v1 =	vld [tilespmem:s2+$0x20];
	v29 =	vmul.f32 $1.442695020e+00, v29;
	v31 =	vmul.f32 $1.442695020e+00, v31  }
0x2ec: {  	v0 =	vld [tilespmem:s1+$0x20];
	v5 =	vbroadcast v5, $0x0;
	v24 =	vmul.f32 v24, v11  }
0x2ed: {  	(erf) = vpow2.f32 v7;
	v7 =	vbroadcast v29, $0x0;
	v29 =	vld [tilespmem:s17+$0xFFFFFF80]  }
0x2ee: {  	(erf) = vpow2.f32 v5;
	v5 =	vbroadcast v31, $0x0;
	v31 =	vld [tilespmem:s17+$0xFFFFFF00];
	[tilespmem:s0+$0xB0] =	vst v24  }
0x2ef: {  	(erf) = vpow2.f32 v7;
	v24 =	vld [tilespmem:s17+$0xB0]  }
0x2f0: {  	v36 =	vld [tilespmem:s1+$0xFFFFFFE0];
	(erf) = vpow2.f32 v5;
	v5 =	vmul.f32 v26, v2  }
0x2f1: {  	v0 =	vmul.f32 v0, v1;
	v1 =	vmul.f32 v4, v3;
	v3 =	vld [tilespmem:s2+$0xFFFFFFF0];
	v4 =	vpop (erf)  }
0x2f2: {  	v9 =	vmul.f32 v13, v9;
	v26 =	vld [tilespmem:s1+$0xFFFFFFF0];
	[tilespmem:$0x1FF10] =	vst v5;
	v7 =	vmul.f32 v4, v2  }
0x2f3: {  	v6 =	vmul.f32 v8, v6;
	v4 =	vmul.f32 v29, v5;
	v29 =	vld [tilespmem:s2+$0x60]  }
0x2f4: {  	v8 =	vmul.f32 v24, v11;
	v24 =	vld [tilespmem:s17+$0x0];
	v13 =	vmul.f32 v31, v7;
	[tilespmem:$0x1FEF0] =	vst v7  }
0x2f5: {  	[tilespmem:s0+$0xFFFFFF70] =	vst v4;
	v4 =	vmul.f32 v20, v19  }
0x2f6: {  	v0 =	vadd.f32 v1, v0  }
0x2f7: {  	v1 =	vmul.f32 v18, v17;
	v17 =	vpop (erf);
	[tilespmem:s0+$0xC0] =	vst v8;
	v8 =	vadd.f32 v9, v6;
	v18 =	vld [tilespmem:s17+$0xFFFFFF90]  }
0x2f8: {  	(xrf2) =	vadd.scan.msk.f32 $0xffff, v0;
	v6 =	vmul.f32 v17, v2;
	[tilespmem:s0+$0xFFFFFEE0] =	vst v13;
	v9 =	vld [tilespmem:s17+$0xC0];
	v13 =	vpop (erf)  }
0x2f9: {  	v0 =	vadd.f32 v4, v1;
	v1 =	vld [tilespmem:s17+$0xFFFFFF10];
	(xrf2) =	vadd.scan.msk.f32 $0xffff, v8;
	v8 =	vmul.f32 v14, v12;
	v4 =	vpop (erf)  }
0x2fa: {  	v14 =	vmul.f32 v16, v15;
	v16 =	vld [tilespmem:s1+$0x60];
	v15 =	vmul.f32 v24, v6;
	v12 =	vpop (erf)  }
0x2fb: {  	(xrf2) =	vadd.scan.msk.f32 $0xffff, v0;
	v0 =	vld [tilespmem:s2+$0x70];
	[tilespmem:$0x1FF20] =	vst v6;
	v12 =	vmul.f32 v12, v2  }
0x2fc: {  	v8 =	vadd.f32 v14, v8;
	v14 =	vld [tilespmem:s1+$0x70];
	[tilespmem:s0+$0x0] =	vst v15;
	v15 =	vmul.f32 v25, v23;
	v17 =	vmul.f32 v18, v5  }
0x2fd: {  	v18 =	vmul.f32 v22, v21;
	v9 =	vmul.f32 v9, v12  }
0x2fe: {  	v3 =	vmul.f32 v26, v3  }
0x2ff: {  	s2 =	simm.s32 $0x4640;
	v1 =	vmul.f32 v1, v7;
	[tilespmem:s0+$0xD0] =	vst v9;
	v9 =	vadd.f32 v15, v18;
	v18 =	vmul.f32 v62, v30  }
0x300: {  	v20 =	vmul.f32 v36, v63;
	v23 =	vld [tilespmem:s2+$0xA0];
	(xrf2) =	vadd.scan.msk.f32 $0xffff, v8;
	[tilespmem:s0+$0xFFFFFF80] =	vst v17;
	v17 =	vmul.f32 v28, v27  }
0x301: {  	s1 =	simm.s32 $0x5640;
	[tilespmem:s0+$0xFFFFFEF0] =	vst v1;
	v1 =	vld [tilespmem:s17+$0xD0]  }
0x302: {  	v3 =	vadd.f32 v3, v20;
	v20 =	vld [tilespmem:s1+$0x80];
	(xrf2) =	vadd.scan.msk.f32 $0xffff, v9;
	v9 =	vadd.f32 v18, v17  }
0x303: {  	v17 =	vld [tilespmem:s2+$0x80];
	v18, _, _ =	vpop (xrf2)  }
0x304: {  	(v2sf) =	vpush v18, $0xF;
	v18, _, _ =	vpop (xrf2);
	(xrf2) =	vadd.scan.msk.f32 $0xffff, v9;
	v9 =	vld [tilespmem:s2+$0x90]  }
0x305: {  	v0 =	vmul.f32 v14, v0;
	(v2sf) =	vpush v18, $0xF;
	v18, _, _ =	vpop (xrf2);
	(xrf2) =	vadd.scan.msk.f32 $0xffff, v3;
	v3 =	vld [tilespmem:s1+$0x90]  }
0x306: {  	v19 =	vld [tilespmem:s17+$0x10];
	v1 =	vmul.f32 v1, v12;
	(v2sf) =	vpush v18, $0xF;
	v18 =	vmul.f32 v16, v29  }
0x307: {  	v26 =	vld [tilespmem:s2+$0xB0]  }
0x308: {  	v21 =	vld [tilespmem:s1+$0xFFFFFF90];
	v0 =	vadd.f32 v0, v18  }
0x309: {  	v22 =	vld [tilespmem:s2+$0x10]  }
0x30a: {  	v24 =	vld [tilespmem:s1+$0xA0];
	v17 =	vmul.f32 v20, v17;
	[tilespmem:s0+$0xE0] =	vst v1;
	v1, _, _ =	vpop (xrf2);
	(xrf2) =	vadd.scan.msk.f32 $0xffff, v0;
	v3 =	vmul.f32 v3, v9  }
0x30b: {  	v8 =	vld [tilespmem:s17+$0xFFFFFFA0];
	v19 =	vmul.f32 v19, v6;
	(v2sf) =	vpush v1, $0xF  }
0x30c: {  	v15 =	vld [tilespmem:s17+$0xFFFFFF20];
	v18, _, _ =	vpop (xrf2);
	v3 =	vadd.f32 v3, v17  }
0x30d: {  	[tilespmem:s0+$0x10] =	vst v19;
	v19 =	vld [tilespmem:s1+$0xFFFFFF00];
	(v2sf) =	vpush v18, $0xF  }
0x30e: {  	v20 =	vld [tilespmem:s1+$0xFFFFFF80]  }
0x30f: {  	v9 =	vld [tilespmem:s2+$0xFFFFFF80];
	v18, _, _ =	vpop (xrf2);
	(xrf2) =	vadd.scan.msk.f32 $0xffff, v3  }
0x310: {  	v16 =	vld [tilespmem:s17+$0x20];
	(v2sf) =	vpush v18, $0xF;
	v3, _, _ =	vpop (xrf2)  }
0x311: {  	v17 =	vld [tilespmem:s2+$0xFFFFFF90];
	(v2sf) =	vpush v3, $0xF  }
0x312: {  	v29 =	vld [tilespmem:s2+$0xFFFFFF20]  }
0x313: {  	v1 =	vld [tilespmem:s2+$0xFFFFFF10];
	s14 =	spop (v2sf)  }
0x314: {  	v9 =	vmul.f32 v20, v9;
	v20 =	vld [tilespmem:s1+$0xB0];
	s15 =	spop (v2sf);
	v25, _, _ =	vpop (xrf2)  }
0x315: {  	v0 =	vld [tilespmem:s1+$0xFFFFFF10];
	s19 =	spop (v2sf);
	(v2sf) =	vpush v25, $0xF  }
0x316: {  	v18 =	vld [tilespmem:s2+$0x0];
	v17 =	vmul.f32 v21, v17;
	s10 =	smul.f32 $1.767766920e-01, s14  }
0x317: {  	v3 =	vld [tilespmem:s1+$0x0]  }
0x318: {  	v23 =	vmul.f32 v24, v23;
	v9 =	vadd.f32 v17, v9;
	v17 =	vld [tilespmem:s2+$0xFFFFFF00];
	v21 =	vmov s10  }
0x319: {  	v14 =	vld [tilespmem:s17+$0xE0];
	v20 =	vmul.f32 v20, v26;
	s11 =	smul.f32 $1.767766920e-01, s15;
	v21 =	vmul.f32 $1.442695020e+00, v21;
	v30, _, _ =	vpop (xrf2)  }
0x31a: {  	v0 =	vmul.f32 v0, v1;
	v25 =	vld [tilespmem:s1+$0x10];
	(xrf2) =	vadd.scan.msk.f32 $0xffff, v9;
	s21 =	smul.f32 $1.767766920e-01, s19;
	s22 =	spop (v2sf);
	(v2sf) =	vpush v30, $0xF  }
0x31b: {  	v26 =	vld [tilespmem:s1+$0xFFFFFF30];
	v20 =	vadd.f32 v20, v23;
	v27 =	vmov s11;
	v21 =	vbroadcast v21, $0x0;
	s10 =	smul.f32 $1.767766920e-01, s22  }
0x31c: {  	v9 =	vld [tilespmem:s1+$0xFFFFFF20];
	v3 =	vmul.f32 v3, v18;
	v27 =	vmul.f32 $1.442695020e+00, v27;
	v28 =	vmov s21;
	s24 =	spop (v2sf)  }
0x31d: {  	v1 =	vmul.f32 v19, v17;
	v17 =	vld [tilespmem:s1+$0xFFFFFFA0];
	(erf) = vpow2.f32 v21;
	v21 =	vmov s10;
	s10 =	smul.f32 $1.767766920e-01, s24  }
0x31e: {  	v28 =	vmul.f32 $1.442695020e+00, v28;
	v30 =	vld [tilespmem:s2+$0xFFFFFF30];
	v24 =	vbroadcast v27, $0x0  }
0x31f: {  	(xrf2) =	vadd.scan.msk.f32 $0xffff, v20;
	v0 =	vadd.f32 v0, v1;
	v1 =	vld [tilespmem:s1+$0xFFFFFFB0];
	v18 =	vmul.f32 v25, v22;
	s25 =	spop (v2sf);
	v20 =	vmov s10  }
0x320: {  	v25 =	vld [tilespmem:s1+$0xC0];
	v21 =	vmul.f32 $1.442695020e+00, v21;
	s13 =	smul.f32 $1.767766920e-01, s25;
	v20 =	vmul.f32 $1.442695020e+00, v20;
	s14 =	spop (v2sf)  }
0x321: {  	v27 =	vbroadcast v28, $0x0;
	v28 =	vld [tilespmem:s2+$0xFFFFFFA0];
	(erf) = vpow2.f32 v24;
	v3 =	vadd.f32 v18, v3;
	s11 =	smul.f32 $1.767766920e-01, s14  }
0x322: {  	(xrf2) =	vadd.scan.msk.f32 $0xffff, v0;
	v24 =	vld [tilespmem:s2+$0xC0];
	v19 =	vbroadcast v21, $0x0;
	v0 =	vbroadcast v20, $0x0;
	v20 =	vmov s13  }
0x323: {  	(erf) = vpow2.f32 v27;
	(xrf2) =	vadd.scan.msk.f32 $0xffff, v3;
	v3 =	vld [tilespmem:s1+$0xD0];
	v20 =	vmul.f32 $1.442695020e+00, v20;
	v23 =	vmov s11  }
0x324: {  	v21 =	vld [tilespmem:s2+$0xFFFFFFB0];
	v18, _, _ =	vpop (xrf2);
	(erf) = vpow2.f32 v19;
	v23 =	vmul.f32 $1.442695020e+00, v23;
	s15 =	spop (v2sf)  }
0x325: {  	(v2sf) =	vpush v18, $0xF;
	(erf) = vpow2.f32 v0;
	v0 =	vld [tilespmem:s2+$0xD0];
	v18 =	vbroadcast v20, $0x0;
	s10 =	smul.f32 $1.767766920e-01, s15  }
0x326: {  	v22 =	vld [tilespmem:s1+$0x20];
	v20 =	vbroadcast v23, $0x0;
	v23 =	vmul.f32 v26, v30  }
0x327: {  	v9 =	vmul.f32 v9, v29;
	v27 =	vld [tilespmem:s1+$0x30];
	(erf) = vpow2.f32 v18;
	v18 =	vmov s10  }
0x328: {  	v17 =	vmul.f32 v17, v28;
	v19 =	vld [tilespmem:s2+$0x20];
	v18 =	vmul.f32 $1.442695020e+00, v18  }
0x329: {  	v24 =	vmul.f32 v25, v24;
	v25 =	vld [tilespmem:s2+$0xFFFFFFC0];
	v1 =	vmul.f32 v1, v21;
	s19 =	spop (v2sf)  }
0x32a: {  	v21 =	vld [tilespmem:s1+$0xFFFFFF40];
	v9 =	vadd.f32 v23, v9;
	v0 =	vmul.f32 v3, v0;
	s10 =	smul.f32 $1.767766920e-01, s19;
	v23, _, _ =	vpop (xrf2)  }
0x32b: {  	v26 =	vld [tilespmem:s2+$0x30];
	v1 =	vadd.f32 v1, v17;
	(erf) = vpow2.f32 v20;
	(v2sf) =	vpush v23, $0xF  }
0x32c: {  	v20 =	vld [tilespmem:s2+$0xFFFFFF40];
	v3 =	vbroadcast v18, $0x0;
	(xrf2) =	vadd.scan.msk.f32 $0xffff, v9;
	v0 =	vadd.f32 v0, v24;
	v17 =	vmov s10;
	v18, _, _ =	vpop (xrf2)  }
0x32d: {  	v9 =	vld [tilespmem:s1+$0xFFFFFF50];
	(xrf2) =	vadd.scan.msk.f32 $0xffff, v1;
	v28 =	vmul.f32 $1.442695020e+00, v17;
	(v2sf) =	vpush v18, $0xF;
	v18 =	vpop (erf)  }
0x32e: {  	v23 =	vld [tilespmem:s2+$0xFFFFFF50];
	(xrf2) =	vadd.scan.msk.f32 $0xffff, v0;
	v0 =	vmul.f32 v22, v19;
	(erf) = vpow2.f32 v3;
	v22, _, _ =	vpop (xrf2)  }
0x32f: {  	v24 =	vld [tilespmem:s2+$0xFFFFFFD0];
	v17 =	vpop (erf);
	v3 =	vbroadcast v28, $0x0  }
0x330: {  	v1 =	vld [tilespmem:s1+$0xFFFFFFC0];
	v19 =	vpop (erf)  }
0x331: {  	v26 =	vmul.f32 v27, v26;
	v20 =	vmul.f32 v21, v20;
	v28 =	vld [tilespmem:s1+$0xFFFFFFD0];
	v27 =	vpop (erf)  }
0x332: {  	(v2sf) =	vpush v22, $0xF;
	v22 =	vld [tilespmem:s2+$0x40];
	(erf) = vpow2.f32 v3;
	v21 =	vpop (erf)  }
0x333: {  	v0 =	vadd.f32 v26, v0;
	v26 =	vld [tilespmem:s2+$0xE0];
	v9 =	vmul.f32 v9, v23;
	v3 =	vpop (erf)  }
0x334: {  	v4 =	vmul.f32 v4, v2;
	v23 =	vld [tilespmem:s1+$0x40];
	[tilespmem:$0x1FED0] =	vst v3  }
0x335: {  	s21 =	spop (v2sf);
	v29 =	vadd.f32 v9, v20;
	v20 =	vpop (erf);
	v30 =	vld [tilespmem:s1+$0xE0]  }
0x336: {  	v8 =	vmul.f32 v8, v4;
	s10 =	smul.f32 $1.767766920e-01, s21;
	(xrf2) =	vadd.scan.msk.f32 $0xffff, v0;
	v0 =	vld [tilespmem:s2+$0xF0];
	v31, _, _ =	vpop (xrf2)  }
0x337: {  	(xrf2) =	vadd.scan.msk.f32 $0xffff, v29;
	v29 =	vld [tilespmem:s1+$0xF0];
	[tilespmem:$0x1FF00] =	vst v4;
	v3 =	vpop (erf)  }
0x338: {  	v27 =	vmul.f32 v27, v2;
	(v2sf) =	vpush v31, $0xF;
	v31 =	vmov s10;
	s10 =	simm.s32 $0x6640;
	[tilespmem:$0x1FEE0] =	vst v3  }
0x339: {  	v1 =	vmul.f32 v1, v25;
	v38, _, _ =	vpop (xrf2);
	v39 =	vld [tilespmem:s10+$0x80]  }
0x33a: {  	v14 =	vmul.f32 v14, v27;
	v24 =	vmul.f32 v28, v24;
	v37 =	vld [tilespmem:s2+$0x50];
	[tilespmem:s0+$0xFFFFFF90] =	vst v8;
	v8, _, _ =	vpop (xrf2);
	s22 =	spop (v2sf)  }
0x33b: {  	v31 =	vmul.f32 $1.442695020e+00, v31;
	(v2sf) =	vpush v38, $0xF;
	v25 =	vld [tilespmem:s1+$0x50];
	v26 =	vmul.f32 v30, v26;
	v30 =	vpop (erf);
	s11 =	smul.f32 $1.767766920e-01, s22  }
0x33c: {  	v22 =	vmul.f32 v23, v22;
	v23 =	vld [tilespmem:s2+$0xFFFFFF60];
	(v2sf) =	vpush v8, $0xF;
	v3 =	vmul.f32 v30, v2  }
0x33d: {  	v1 =	vadd.f32 v24, v1;
	[tilespmem:s0+$0xF0] =	vst v14;
	v14 =	vbroadcast v31, $0x0;
	v28 =	vld [tilespmem:s17+$0xFFFFFFB0];
	v24 =	vmov s11  }
0x33e: {  	v31 =	vld [tilespmem:s17+$0xF0];
	s24 =	spop (v2sf);
	v30 =	vmul.f32 v39, v3;
	v24 =	vmul.f32 $1.442695020e+00, v24  }
0x33f: {  	v0 =	vmul.f32 v29, v0;
	v29 =	vld [tilespmem:s1+$0xFFFFFF60];
	[tilespmem:$0x1FF30] =	vst v3;
	s25 =	smul.f32 $1.767766920e-01, s24;
	s11 =	simm.s32 $0x76A0  }
0x340: {  	(xrf2) =	vadd.scan.msk.f32 $0xffff, v1;
	(erf) = vpow2.f32 v14;
	[tilespmem:s11+$0x90] =	vst v30;
	v24 =	vbroadcast v24, $0x0  }
0x341: {  	v43 =	vsel vm0, $0x0, v27;
	v0 =	vadd.f32 v0, v26;
	v26, _, _ =	vpop (xrf2);
	v41 =	vmov s25;
	v30 =	vld [tilespmem:s10+$0x90]  }
0x342: {  	v1 =	vld [tilespmem:s2+$0xFFFFFF70];
	(v2sf) =	vpush v26, $0xF;
	v26 =	vmul.f32 $1.442695020e+00, v41;
	(erf) = vpow2.f32 v24  }
0x343: {  	v12 =	vsel vm1, v43, v12;
	v25 =	vmul.f32 v25, v37;
	v40 =	vld [tilespmem:s1+$0xFFFFFF70];
	s14 =	spop (v2sf)  }
0x344: {  	v11 =	vsel vm2, v12, v11;
	(xrf2) =	vadd.scan.msk.f32 $0xffff, v0;
	v42 =	vld [tilespmem:s2+$0xFFFFFFE0];
	s13 =	smul.f32 $1.767766920e-01, s14;
	v24 =	vbroadcast v26, $0x0  }
0x345: {  	v14 =	vmul.f32 v13, v2;
	v13 =	vmul.f32 v18, v2;
	v18 =	vld [tilespmem:s2+$0xFFFFFFF0];
	v22 =	vadd.f32 v25, v22  }
0x346: {  	v0, _, _ =	vpop (xrf2);
	v25 =	vmov s13;
	v26 =	vld [tilespmem:s1+$0xFFFFFFF0];
	(erf) = vpow2.f32 v24;
	v24 =	vmul.f32 v30, v3  }
0x347: {  	v12 =	vmul.f32 v29, v23;
	v29 =	vld [tilespmem:s2+$0x70];
	(v2sf) =	vpush v0, $0xF;
	v25 =	vmul.f32 $1.442695020e+00, v25  }
0x348: {  	v15 =	vmul.f32 v15, v14;
	v0 =	vld [tilespmem:s1+$0xFFFFFFE0];
	v1 =	vmul.f32 v40, v1;
	[tilespmem:s11+$0xA0] =	vst v24  }
0x349: {  	v11 =	vsel vm3, v10, v11;
	v28 =	vmul.f32 v28, v4;
	v23 =	vpop (erf);
	v25 =	vbroadcast v25, $0x0;
	s15 =	spop (v2sf);
	v24 =	vld [tilespmem:s10+$0xA0]  }
0x34a: {  	v16 =	vmul.f32 v16, v13;
	(xrf2) =	vadd.scan.msk.f32 $0xffff, v22;
	v22 =	vld [tilespmem:s2+$0x60];
	v1 =	vadd.f32 v1, v12;
	s13 =	smul.f32 $1.767766920e-01, s15;
	v3 =	vmul.f32 v23, v2;
	v23, _, _ =	vpop (xrf2);
	s19 =	spop (v2sf)  }
0x34b: {  	[tilespmem:s0+$0xFFFFFFA0] =	vst v28;
	(erf) = vpow2.f32 v25;
	(v2sf) =	vpush v23, $0xF;
	s21 =	smul.f32 $1.767766920e-01, s19;
	v23 =	vmul.f32 v26, v18;
	v26 =	vld [tilespmem:s10+$0xFFFFFF80];
	s22 =	spop (v2sf);
	v18 =	vpop (erf)  }
0x34c: {  	[tilespmem:s0+$0x20] =	vst v16;
	v28 =	vld [tilespmem:s17+$0xFFFFFFC0];
	v30 =	vmul.f32 v31, v27;
	v16 =	vmov s13;
	s2 =	smul.f32 $1.767766920e-01, s22;
	v18 =	vmul.f32 v18, v2  }
0x34d: {  	[tilespmem:s0+$0xFFFFFF00] =	vst v15;
	v27 =	vld [tilespmem:s1+$0x60];
	v0 =	vmul.f32 v0, v42;
	v15 =	vmul.f32 $1.442695020e+00, v16;
	v12 =	vmov s21  }
0x34e: {  	v31 =	vld [tilespmem:s1+$0x70];
	(xrf2) =	vadd.scan.msk.f32 $0xffff, v1;
	v25, _, _ =	vpop (xrf2);
	v1 =	vmul.f32 $1.442695020e+00, v12;
	v12 =	vmov s2;
	v24 =	vmul.f32 v24, v18  }
0x34f: {  	[tilespmem:s0+$0x110] =	vst v11;
	v16 =	vld [tilespmem:s10+$0xFFFFFF00];
	(v2sf) =	vpush v25, $0xF;
	v11 =	vbroadcast v15, $0x0  }
0x350: {  	v0 =	vadd.f32 v23, v0;
	v23 =	vld [tilespmem:s17+$0xFFFFFF30];
	v1 =	vbroadcast v1, $0x0;
	[tilespmem:s11+$0xB0] =	vst v24;
	v24 =	vmul.f32 v26, v3  }
0x351: {  	[tilespmem:s0+$0x100] =	vst v30;
	v15 =	vld [tilespmem:s10+$0x0];
	(erf) = vpow2.f32 v11;
	v11 =	vmul.f32 $1.442695020e+00, v12;
	v12 =	vpop (erf)  }
0x352: {  	(xrf2) =	vadd.scan.msk.f32 $0xffff, v0;
	v0 =	vld [tilespmem:s17+$0x30];
	v12 =	vmul.f32 v12, v2;
	[tilespmem:$0x1FF40] =	vst v3  }
0x353: {  	(erf) = vpow2.f32 v1;
	v11 =	vbroadcast v11, $0x0;
	v1 =	vld [tilespmem:s10+$0xB0];
	[tilespmem:s11+$0xFFFFFF70] =	vst v24  }
0x354: {  	v16 =	vmul.f32 v16, v12;
	v26 =	vld [tilespmem:s10+$0xFFFFFF90];
	v24 =	vpop (erf)  }
0x355: {  	s24 =	spop (v2sf);
	(erf) = vpow2.f32 v11;
	v4 =	vmul.f32 v24, v2  }
0x356: {  	v25, _, _ =	vpop (xrf2);
	v23 =	vmul.f32 v23, v14;
	s25 =	spop (v2sf);
	[tilespmem:s11+$0xFFFFFEE0] =	vst v16  }
0x357: {  	(v2sf) =	vpush v25, $0xF;
	v25 =	vmul.f32 v17, v2;
	v0 =	vmul.f32 v0, v13;
	s2 =	smul.f32 $1.767766920e-01, s25;
	v30 =	vld [tilespmem:s10+$0xFFFFFF10];
	[tilespmem:$0x1FF50] =	vst v4  }
0x358: {  	v24 =	vmul.f32 v19, v2;
	v15 =	vmul.f32 v15, v4;
	[tilespmem:s0+$0xFFFFFF10] =	vst v23  }
0x359: {  	s1 =	smul.f32 $1.767766920e-01, s24;
	v16 =	vmov s2;
	[tilespmem:s0+$0x30] =	vst v0;
	v0 =	vmul.f32 v1, v18;
	v17 =	vld [tilespmem:s17+$0xFFFFFF40];
	v19 =	vmul.f32 v26, v3  }
0x35a: {  	v26 =	vmul.f32 v28, v24;
	[tilespmem:s11+$0x0] =	vst v15;
	v15 =	vld [tilespmem:s17+$0x40]  }
0x35b: {  	v1 =	vmov s1;
	[tilespmem:s11+$0xC0] =	vst v0  }
0x35c: {  	v1 =	vmul.f32 $1.442695020e+00, v1;
	v0 =	vmul.f32 $1.442695020e+00, v16;
	v16 =	vpop (erf);
	v44 =	vld [tilespmem:s10+$0xC0]  }
0x35d: {  	v23 =	vmul.f32 v21, v2;
	s2 =	spop (v2sf);
	[tilespmem:s11+$0xFFFFFF80] =	vst v19;
	v19 =	vpop (erf)  }
0x35e: {  	s1 =	smul.f32 $1.767766920e-01, s2;
	s13 =	spop (v2sf);
	v1 =	vbroadcast v1, $0x0;
	[tilespmem:s0+$0xFFFFFFB0] =	vst v26;
	v17 =	vmul.f32 v17, v25;
	v26 =	vpop (erf)  }
0x35f: {  	s2 =	smul.f32 $1.767766920e-01, s13;
	v15 =	vmul.f32 v15, v23;
	v26 =	vmul.f32 v26, v2  }
0x360: {  	v28 =	vmul.f32 v30, v12;
	v0 =	vbroadcast v0, $0x0;
	v30 =	vld [tilespmem:s10+$0xFFFFFFA0];
	v45 =	vmov s1;
	[tilespmem:s0+$0xFFFFFF20] =	vst v17  }
0x361: {  	v33 =	vmul.f32 $1.442695020e+00, v45;
	v17 =	vmov s2;
	[tilespmem:s0+$0x40] =	vst v15;
	v15 =	vmul.f32 v44, v26  }
0x362: {  	(erf) = vpow2.f32 v1;
	v48 =	vmul.f32 $1.442695020e+00, v17  }
0x363: {  	v46 =	vld [tilespmem:s17+$0xFFFFFFD0];
	s1 =	simm.s32 $0x5840;
	v1 =	vbroadcast v33, $0x0;
	[tilespmem:s11+$0xD0] =	vst v15;
	v15 =	vmul.f32 v19, v2  }
0x364: {  	v49 =	vld [tilespmem:s1+$0x80];
	(erf) = vpow2.f32 v0;
	s2 =	simm.s32 $0x4840;
	v0 =	vbroadcast v48, $0x0  }
0x365: {  	(erf) = vpow2.f32 v1;
	v50 =	vld [tilespmem:s2+$0x90];
	v19 =	vmul.f32 v30, v15  }
0x366: {  	(erf) = vpow2.f32 v0;
	v0 =	vld [tilespmem:s2+$0x80]  }
0x367: {  	[tilespmem:s11+$0xFFFFFF90] =	vst v19;
	v19 =	vld [tilespmem:s1+$0x90];
	_ =	sdelay $0x1  }
0x368: {  	v27 =	vmul.f32 v27, v22;
	v29 =	vmul.f32 v31, v29;
	v21 =	vld [tilespmem:s10+$0x10]  }
0x369: {  	v1 =	vld [tilespmem:s10+$0xD0]  }
0x36a: {  	v27 =	vadd.f32 v29, v27;
	v31 =	vld [tilespmem:s1+$0xFFFFFF00];
	v30 =	vmul.f32 v46, v24  }
0x36b: {  	v52 =	vld [tilespmem:s1+$0xFFFFFF10];
	v0 =	vmul.f32 v49, v0;
	v19 =	vmul.f32 v19, v50  }
0x36c: {  	(xrf2) =	vadd.scan.msk.f32 $0xffff, v27;
	v40 =	vld [tilespmem:s1+$0xFFFFFF90]  }
0x36d: {  	v55 =	vld [tilespmem:s1+$0xB0];
	v0 =	vadd.f32 v19, v0  }
0x36e: {  	v57 =	vld [tilespmem:s1+$0x10];
	v1 =	vmul.f32 v1, v26  }
0x36f: {  	v59 =	vld [tilespmem:s1+$0xFFFFFF20];
	[tilespmem:s0+$0xFFFFFFC0] =	vst v30;
	v30 =	vpop (erf)  }
0x370: {  	v62 =	vld [tilespmem:s1+$0xFFFFFFA0];
	v36 =	vpop (erf);
	[tilespmem:s11+$0xE0] =	vst v1  }
0x371: {  	v1 =	vld [tilespmem:s10+$0xE0];
	(xrf2) =	vadd.scan.msk.f32 $0xffff, v0;
	v0, _, _ =	vpop (xrf2)  }
0x372: {  	v63 =	vld [tilespmem:s1+$0xFFFFFFB0];
	v37 =	vpop (erf);
	(v2sf) =	vpush v0, $0xF  }
0x373: {  	v51 =	vld [tilespmem:s2+$0xFFFFFF10];
	v27 =	vpop (erf)  }
0x374: {  	v53 =	vld [tilespmem:s2+$0xFFFFFF80];
	v27 =	vmul.f32 v27, v2;
	v0, _, _ =	vpop (xrf2)  }
0x375: {  	v54 =	vld [tilespmem:s2+$0xFFFFFF90];
	(v2sf) =	vpush v0, $0xF  }
0x376: {  	v19 =	vld [tilespmem:s1+$0xFFFFFF80];
	v1 =	vmul.f32 v1, v27;
	v42, _, _ =	vpop (xrf2)  }
0x377: {  	v47 =	vmul.f32 v21, v4;
	v43 =	vld [tilespmem:s2+$0xB0];
	(v2sf) =	vpush v42, $0xF  }
0x378: {  	[tilespmem:s11+$0xF0] =	vst v1;
	v1 =	vld [tilespmem:s1+$0xA0]  }
0x379: {  	v0 =	vld [tilespmem:s2+$0xA0]  }
0x37a: {  	v41 =	vld [tilespmem:s2+$0x0]  }
0x37b: {  	[tilespmem:s11+$0x10] =	vst v47;
	v46 =	vld [tilespmem:s2+$0xFFFFFF00];
	v56 =	vmul.f32 v40, v54;
	v19 =	vmul.f32 v19, v53;
	v47, _, _ =	vpop (xrf2)  }
0x37c: {  	v45 =	vld [tilespmem:s2+$0x10];
	(v2sf) =	vpush v47, $0xF  }
0x37d: {  	v58 =	vld [tilespmem:s2+$0xFFFFFF20];
	v19 =	vadd.f32 v56, v19  }
0x37e: {  	v60 =	vld [tilespmem:s2+$0xFFFFFF30];
	v0 =	vmul.f32 v1, v0;
	v1 =	vmul.f32 v55, v43  }
0x37f: {  	s14 =	spop (v2sf);
	(xrf2) =	vadd.scan.msk.f32 $0xffff, v19;
	v19 =	vld [tilespmem:s1+$0xFFFFFF30]  }
0x380: {  	s13 =	smul.f32 $1.767766920e-01, s14;
	v44 =	vld [tilespmem:s1+$0x0];
	v31 =	vmul.f32 v31, v46;
	v0 =	vadd.f32 v1, v0;
	v1 =	vmul.f32 v52, v51  }
0x381: {  	v38 =	vld [tilespmem:s1+$0x30];
	s15 =	spop (v2sf)  }
0x382: {  	v6 =	vld [tilespmem:s1+$0xFFFFFF40];
	(xrf2) =	vadd.scan.msk.f32 $0xffff, v0;
	v0 =	vmov s13;
	v1 =	vadd.f32 v1, v31;
	s13 =	smul.f32 $1.767766920e-01, s15  }
0x383: {  	v61 =	vld [tilespmem:s2+$0xFFFFFFA0];
	v39 =	vmul.f32 v57, v45;
	v35 =	vmul.f32 v59, v58  }
0x384: {  	v45 =	vld [tilespmem:s2+$0xC0];
	v19 =	vmul.f32 v19, v60;
	v0 =	vmul.f32 $1.442695020e+00, v0;
	(xrf2) =	vadd.scan.msk.f32 $0xffff, v1;
	s19 =	spop (v2sf);
	v1 =	vmov s13  }
0x385: {  	v41 =	vmul.f32 v44, v41;
	v54 =	vld [tilespmem:s2+$0xD0];
	s14 =	smul.f32 $1.767766920e-01, s19;
	v1 =	vmul.f32 $1.442695020e+00, v1  }
0x386: {  	v31 =	vld [tilespmem:s2+$0xFFFFFFB0];
	v19 =	vadd.f32 v19, v35;
	v0 =	vbroadcast v0, $0x0;
	s21 =	spop (v2sf)  }
0x387: {  	v39 =	vadd.f32 v39, v41;
	v55 =	vld [tilespmem:s1+$0xD0];
	s13 =	smul.f32 $1.767766920e-01, s21;
	v46 =	vmov s14;
	v1 =	vbroadcast v1, $0x0  }
0x388: {  	v47 =	vld [tilespmem:s1+$0xC0];
	(erf) = vpow2.f32 v0;
	v42 =	vmul.f32 $1.442695020e+00, v46  }
0x389: {  	v11 =	vld [tilespmem:s1+$0x50];
	(xrf2) =	vadd.scan.msk.f32 $0xffff, v39;
	(erf) = vpow2.f32 v1;
	v1 =	vmov s13  }
0x38a: {  	v8 =	vld [tilespmem:s1+$0xFFFFFFF0];
	(xrf2) =	vadd.scan.msk.f32 $0xffff, v19;
	v19, _, _ =	vpop (xrf2);
	v0 =	vbroadcast v42, $0x0  }
0x38b: {  	[tilespmem:s11+$0xFFFFFEF0] =	vst v28;
	v7 =	vld [tilespmem:s1+$0x60];
	v31 =	vmul.f32 v63, v31;
	(v2sf) =	vpush v19, $0xF;
	v19 =	vmul.f32 v62, v61;
	s22 =	spop (v2sf)  }
0x38c: {  	v28 =	vld [tilespmem:s10+$0xFFFFFF20];
	(erf) = vpow2.f32 v0;
	v0 =	vmul.f32 $1.442695020e+00, v1;
	s13 =	smul.f32 $1.767766920e-01, s22;
	v1, _, _ =	vpop (xrf2)  }
0x38d: {  	v21 =	vld [tilespmem:s17+$0xFFFFFF50];
	v56 =	vmul.f32 v55, v54;
	(v2sf) =	vpush v1, $0xF;
	v1 =	vmul.f32 v47, v45  }
0x38e: {  	v3 =	vld [tilespmem:s2+$0x30];
	v19 =	vadd.f32 v31, v19;
	v31 =	vmov s13  }
0x38f: {  	v5 =	vld [tilespmem:s2+$0xFFFFFF50];
	v0 =	vbroadcast v0, $0x0;
	v57, _, _ =	vpop (xrf2);
	v31 =	vmul.f32 $1.442695020e+00, v31;
	v1 =	vadd.f32 v56, v1  }
0x390: {  	v10 =	vld [tilespmem:s2+$0xFFFFFFE0];
	(xrf2) =	vadd.scan.msk.f32 $0xffff, v19;
	(v2sf) =	vpush v57, $0xF  }
0x391: {  	v9 =	vld [tilespmem:s2+$0xFFFFFFF0];
	(erf) = vpow2.f32 v0;
	v0 =	vbroadcast v31, $0x0  }
0x392: {  	v17 =	vld [tilespmem:s17+$0x50];
	(xrf2) =	vadd.scan.msk.f32 $0xffff, v1  }
0x393: {  	v32 =	vld [tilespmem:s10+$0x20];
	v1, _, _ =	vpop (xrf2)  }
0x394: {  	v48 =	vld [tilespmem:s2+$0xFFFFFFD0];
	(erf) = vpow2.f32 v0;
	(v2sf) =	vpush v1, $0xF  }
0x395: {  	v58 =	vld [tilespmem:s2+$0xFFFFFF40];
	v0, _, _ =	vpop (xrf2)  }
0x396: {  	v40 =	vld [tilespmem:s1+$0x40];
	(v2sf) =	vpush v0, $0xF  }
0x397: {  	v44 =	vld [tilespmem:s2+$0xF0];
	v43 =	vpop (erf)  }
0x398: {  	v34 =	vld [tilespmem:s10+$0xFFFFFFB0];
	v35 =	vpop (erf)  }
0x399: {  	v22 =	vld [tilespmem:s17+$0xFFFFFFE0];
	v33 =	vpop (erf)  }
0x39a: {  	v41 =	vld [tilespmem:s2+$0xE0];
	s19 =	simm.s32 $0x6840;
	v0, _, _ =	vpop (xrf2)  }
0x39b: {  	s24 =	spop (v2sf);
	v1 =	vld [tilespmem:s19+$0x80];
	v31 =	vpop (erf)  }
0x39c: {  	v49 =	vld [tilespmem:s2+$0x50];
	s13 =	smul.f32 $1.767766920e-01, s24;
	(v2sf) =	vpush v0, $0xF;
	v0, _, _ =	vpop (xrf2);
	s25 =	spop (v2sf)  }
0x39d: {  	v51 =	vld [tilespmem:s1+$0x20];
	v19 =	vpop (erf);
	(v2sf) =	vpush v0, $0xF;
	s14 =	smul.f32 $1.767766920e-01, s25  }
0x39e: {  	v52 =	vld [tilespmem:s1+$0xFFFFFF60];
	v50 =	vmov s13;
	v19 =	vmul.f32 v19, v2  }
0x39f: {  	v39 =	vld [tilespmem:s2+$0x40];
	v53 =	vmul.f32 $1.442695020e+00, v50;
	v54 =	vmov s14;
	s14 =	spop (v2sf)  }
0x3a0: {  	v42 =	vld [tilespmem:s2+$0x20];
	v1 =	vmul.f32 v1, v19;
	s13 =	smul.f32 $1.767766920e-01, s14;
	v0 =	vmul.f32 $1.442695020e+00, v54  }
0x3a1: {  	v46 =	vld [tilespmem:s1+$0xE0];
	s24 =	simm.s32 $0x78E0;
	v53 =	vbroadcast v53, $0x0  }
0x3a2: {  	v45 =	vld [tilespmem:s1+$0xF0];
	[tilespmem:s24+$0x90] =	vst v1;
	v1 =	vmov s13;
	v0 =	vbroadcast v0, $0x0  }
0x3a3: {  	(erf) = vpow2.f32 v53;
	s15 =	spop (v2sf);
	v59 =	vmul.f32 $1.442695020e+00, v1;
	v1 =	vld [tilespmem:s19+$0x90]  }
0x3a4: {  	v63 =	vld [tilespmem:s1+$0xFFFFFFD0];
	(erf) = vpow2.f32 v0;
	s13 =	smul.f32 $1.767766920e-01, s15  }
0x3a5: {  	v61 =	vld [tilespmem:s1+$0xFFFFFF50];
	v4 =	vmul.f32 v51, v42;
	s21 =	spop (v2sf);
	v42 =	vbroadcast v59, $0x0  }
0x3a6: {  	v21 =	vmul.f32 v21, v25;
	v47 =	vld [tilespmem:s2+$0xFFFFFFC0];
	v53 =	vmul.f32 v38, v3;
	s14 =	smul.f32 $1.767766920e-01, s21;
	v60 =	vmov s13  }
0x3a7: {  	v50 =	vld [tilespmem:s2+$0xFFFFFF60];
	(erf) = vpow2.f32 v42;
	v42 =	vmul.f32 $1.442695020e+00, v60  }
0x3a8: {  	v38 =	vmul.f32 v6, v58;
	v58 =	vld [tilespmem:s2+$0x60];
	v60 =	vmov s14;
	v1 =	vmul.f32 v1, v19  }
0x3a9: {  	v6 =	vld [tilespmem:s2+$0x70];
	v0 =	vmul.f32 $1.442695020e+00, v60;
	v56 =	vbroadcast v42, $0x0  }
0x3aa: {  	v30 =	vmul.f32 v30, v2;
	v54 =	vld [tilespmem:s2+$0xFFFFFF70];
	v42 =	vmul.f32 v16, v2;
	[tilespmem:s24+$0xA0] =	vst v1  }
0x3ab: {  	s22 =	spop (v2sf);
	v1 =	vbroadcast v0, $0x0;
	(erf) = vpow2.f32 v56;
	v56 =	vld [tilespmem:s19+$0xA0]  }
0x3ac: {  	v32 =	vmul.f32 v32, v30;
	v34 =	vmul.f32 v34, v15;
	s2 =	smul.f32 $1.767766920e-01, s22;
	v16 =	vpop (erf);
	v0 =	vld [tilespmem:s19+$0xFFFFFF80];
	s25 =	spop (v2sf)  }
0x3ad: {  	v62 =	vld [tilespmem:s1+$0xFFFFFFC0];
	(erf) = vpow2.f32 v1;
	v1 =	vmul.f32 v28, v42;
	s13 =	smul.f32 $1.767766920e-01, s25;
	v28 =	vpop (erf)  }
0x3ae: {  	v61 =	vmul.f32 v61, v5;
	v51 =	vld [tilespmem:s1+$0xFFFFFFE0];
	v57 =	vmov s2;
	v28 =	vmul.f32 v28, v2  }
0x3af: {  	v3 =	vld [tilespmem:s19+$0xFFFFFF00];
	v16 =	vmul.f32 v16, v2;
	[tilespmem:s11+$0xFFFFFF00] =	vst v1;
	v1 =	vmul.f32 $1.442695020e+00, v57;
	v60 =	vmov s13  }
0x3b0: {  	[tilespmem:s11+$0x20] =	vst v32;
	v32 =	vmul.f32 v56, v28;
	v56 =	vmul.f32 $1.442695020e+00, v60;
	v60 =	vld [tilespmem:s10+$0xFFFFFF30]  }
0x3b1: {  	[tilespmem:s11+$0xFFFFFFA0] =	vst v34;
	v57 =	vld [tilespmem:s19+$0x0];
	v34 =	vmul.f32 v0, v16;
	v1 =	vbroadcast v1, $0x0;
	v59 =	vpop (erf)  }
0x3b2: {  	v0 =	vld [tilespmem:s10+$0x30];
	[tilespmem:s24+$0xB0] =	vst v32;
	v32 =	vmul.f32 v59, v2;
	v56 =	vbroadcast v56, $0x0  }
0x3b3: {  	[tilespmem:s0+$0xFFFFFF30] =	vst v21;
	v59 =	vld [tilespmem:s10+$0xFFFFFFC0];
	(erf) = vpow2.f32 v1;
	v1 =	vmul.f32 v17, v23  }
0x3b4: {  	[tilespmem:s24+$0xFFFFFF70] =	vst v34;
	v17 =	vld [tilespmem:s19+$0xB0];
	(erf) = vpow2.f32 v56;
	v3 =	vmul.f32 v3, v32;
	v21 =	vpop (erf)  }
0x3b5: {  	v56 =	vld [tilespmem:s19+$0xFFFFFF90];
	v34 =	vmul.f32 v60, v42;
	v21 =	vmul.f32 v21, v2  }
0x3b6: {  	v55 =	vld [tilespmem:s1+$0xFFFFFF70];
	[tilespmem:s0+$0x50] =	vst v1;
	v60 =	vmul.f32 v62, v47;
	v62 =	vmul.f32 v63, v48  }
0x3b7: {  	v5 =	vld [tilespmem:s1+$0x70];
	v4 =	vadd.f32 v53, v4;
	v47 =	vmul.f32 v37, v2;
	[tilespmem:s24+$0xFFFFFEE0] =	vst v3;
	v3 =	vmul.f32 v0, v30  }
0x3b8: {  	[tilespmem:s11+$0xFFFFFF10] =	vst v34;
	v48 =	vmul.f32 v57, v21;
	v57 =	vld [tilespmem:s19+$0xFFFFFF10];
	v34 =	vmul.f32 v20, v2;
	v20 =	vadd.f32 v61, v38  }
0x3b9: {  	(xrf2) =	vadd.scan.msk.f32 $0xffff, v4;
	[tilespmem:s11+$0x30] =	vst v3;
	v3 =	vmul.f32 v17, v28;
	v17 =	vld [tilespmem:s10+$0xFFFFFF40]  }
0x3ba: {  	[tilespmem:s24+$0x0] =	vst v48;
	v61 =	vmul.f32 v56, v16;
	v63 =	vld [tilespmem:s10+$0x40];
	(xrf2) =	vadd.scan.msk.f32 $0xffff, v20;
	v20 =	vmul.f32 v59, v47  }
0x3bb: {  	v4 =	vmul.f32 v46, v41;
	[tilespmem:s24+$0xC0] =	vst v3;
	v3 =	vmul.f32 v22, v34;
	v46 =	vld [tilespmem:s19+$0x10]  }
0x3bc: {  	v8 =	vmul.f32 v8, v9;
	v41 =	vmul.f32 v36, v2;
	[tilespmem:s24+$0xFFFFFF80] =	vst v61;
	v48 =	vpop (erf);
	v53 =	vld [tilespmem:s19+$0xC0]  }
0x3bd: {  	v29 =	vld [tilespmem:s10+$0xF0];
	v36 =	vmul.f32 v43, v2;
	[tilespmem:s0+$0xFFFFFFD0] =	vst v3;
	v3 =	vmul.f32 v57, v32;
	v22 =	vpop (erf)  }
0x3be: {  	s21 =	simm.s32 $0x5A40;
	v62 =	vadd.f32 v62, v60;
	v61 =	vmul.f32 v45, v44;
	[tilespmem:s11+$0xFFFFFFB0] =	vst v20;
	v56 =	vld [tilespmem:s19+$0xFFFFFFA0];
	v17 =	vmul.f32 v17, v41;
	v20 =	vpop (erf)  }
0x3bf: {  	v9 =	vld [tilespmem:s21+$0x90];
	[tilespmem:s24+$0xFFFFFEF0] =	vst v3;
	v3 =	vmul.f32 v63, v36;
	v20 =	vmul.f32 v20, v2  }
0x3c0: {  	v1 =	vld [tilespmem:s17+$0xFFFFFF60];
	(xrf2) =	vadd.scan.msk.f32 $0xffff, v62;
	[tilespmem:s11+$0xFFFFFF20] =	vst v17;
	v17 =	vmul.f32 v46, v21  }
0x3c1: {  	s2 =	simm.s32 $0x4A40;
	v0 =	vld [tilespmem:s17+$0x60];
	v22 =	vmul.f32 v22, v2;
	v4 =	vadd.f32 v61, v4;
	[tilespmem:s11+$0x40] =	vst v3;
	v3 =	vmul.f32 v53, v20  }
0x3c2: {  	v11 =	vmul.f32 v11, v49;
	v62 =	vld [tilespmem:s2+$0xFFFFFF00];
	[tilespmem:s24+$0x10] =	vst v17  }
0x3c3: {  	v63 =	vld [tilespmem:s10+$0xFFFFFFD0];
	(xrf2) =	vadd.scan.msk.f32 $0xffff, v4;
	v17 =	vmul.f32 v56, v22;
	[tilespmem:s24+$0xD0] =	vst v3;
	v3 =	vmul.f32 v40, v39  }
0x3c4: {  	v4 =	vld [tilespmem:s19+$0xD0]  }
0x3c5: {  	v54 =	vmul.f32 v55, v54;
	v37 =	vld [tilespmem:s17+$0xFFFFFFF0];
	[tilespmem:s24+$0xFFFFFF90] =	vst v17;
	v17 =	vmul.f32 v52, v50;
	v3 =	vadd.f32 v11, v3  }
0x3c6: {  	v61 =	vld [tilespmem:s21+$0xB0];
	v53, _, _ =	vpop (xrf2)  }
0x3c7: {  	v46 =	vld [tilespmem:s19+$0xFFFFFF20];
	v55, _, _ =	vpop (xrf2);
	v17 =	vadd.f32 v54, v17;
	(xrf2) =	vadd.scan.msk.f32 $0xffff, v3;
	v3 =	vmul.f32 v51, v10  }
0x3c8: {  	v7 =	vmul.f32 v7, v58;
	v5 =	vmul.f32 v5, v6;
	v44 =	vld [tilespmem:s10+$0xFFFFFF50]  }
0x3c9: {  	v43 =	vld [tilespmem:s10+$0x50];
	v38 =	vmul.f32 v63, v47;
	v4 =	vmul.f32 v4, v20;
	v3 =	vadd.f32 v8, v3  }
0x3ca: {  	v10 =	vld [tilespmem:s2+$0x90];
	(xrf2) =	vadd.scan.msk.f32 $0xffff, v17  }
0x3cb: {  	v56 =	vld [tilespmem:s21+$0x80];
	[tilespmem:s11+$0xFFFFFFC0] =	vst v38;
	v17, _, _ =	vpop (xrf2);
	(xrf2) =	vadd.scan.msk.f32 $0xffff, v3;
	v3 =	vadd.f32 v5, v7  }
0x3cc: {  	v11 =	vld [tilespmem:s2+$0x80];
	[tilespmem:s24+$0xE0] =	vst v4  }
0x3cd: {  	v4, _, _ =	vpop (xrf2);
	(xrf2) =	vadd.scan.msk.f32 $0xffff, v3;
	v3 =	vld [tilespmem:$0x1FED0]  }
0x3ce: {  	v45 =	vld [tilespmem:s19+$0x20]  }
0x3cf: {  	v50 =	vld [tilespmem:s21+$0x0];
	v6 =	vmul.f32 v9, v10  }
0x3d0: {  	(v2sf) =	vpush v53, $0xF;
	v39 =	vld [tilespmem:s19+$0xFFFFFFB0]  }
0x3d1: {  	(v2sf) =	vpush v55, $0xF;
	v38 =	vld [tilespmem:s2+$0x0];
	v5 =	vmul.f32 v56, v11  }
0x3d2: {  	v54 =	vld [tilespmem:s21+$0xA0];
	(v2sf) =	vpush v17, $0xF;
	v3 =	vmul.f32 v3, v2  }
0x3d3: {  	v40 =	vld [tilespmem:s10+$0xFFFFFFE0];
	(v2sf) =	vpush v4, $0xF;
	v4 =	vadd.f32 v6, v5;
	v6, _, _ =	vpop (xrf2)  }
0x3d4: {  	v8 =	vld [tilespmem:s21+$0xFFFFFF00];
	(v2sf) =	vpush v6, $0xF;
	v6 =	vsel vm0, $0x0, v3  }
0x3d5: {  	v7 =	vld [tilespmem:s2+$0xFFFFFF10];
	v6 =	vsel vm1, v6, v25  }
0x3d6: {  	v6 =	vsel vm2, v6, v14;
	v14 =	vld [tilespmem:$0x1FEF0]  }
0x3d7: {  	v17 =	vld [tilespmem:s21+$0xFFFFFF10]  }
0x3d8: {  	v11 =	vld [tilespmem:s21+$0xFFFFFF90]  }
0x3d9: {  	v9 =	vld [tilespmem:s2+$0xFFFFFF80]  }
0x3da: {  	v10 =	vld [tilespmem:s21+$0xFFFFFF80]  }
0x3db: {  	v14 =	vsel vm3, v14, v6;
	v6 =	vld [tilespmem:$0x1FF00]  }
0x3dc: {  	v5 =	vld [tilespmem:s2+$0xFFFFFF90];
	(xrf2) =	vadd.scan.msk.f32 $0xffff, v4;
	v4, _, _ =	vpop (xrf2)  }
0x3dd: {  	(v2sf) =	vpush v4, $0xF;
	v4 =	vld [tilespmem:$0x1FEE0]  }
0x3de: {  	v51 =	vld [tilespmem:s2+$0x10];
	v25 =	vsel vm0, $0x0, v34  }
0x3df: {  	v56 =	vld [tilespmem:s21+$0xFFFFFF40];
	v24 =	vsel vm1, v25, v24  }
0x3e0: {  	v8 =	vmul.f32 v8, v62;
	v58, _, _ =	vpop (xrf2);
	v6 =	vsel vm2, v24, v6;
	v24 =	vld [tilespmem:$0x1FF10]  }
0x3e1: {  	v49 =	vld [tilespmem:s19+$0xE0];
	v17 =	vmul.f32 v17, v7;
	s14 =	spop (v2sf);
	v9 =	vmul.f32 v10, v9;
	(v2sf) =	vpush v58, $0xF  }
0x3e2: {  	v7 =	vld [tilespmem:$0x1FF30];
	v5 =	vmul.f32 v11, v5;
	v4 =	vmul.f32 v4, v2  }
0x3e3: {  	v43 =	vmul.f32 v43, v36;
	v10 =	vld [tilespmem:s21+$0x10];
	v8 =	vadd.f32 v17, v8;
	v11 =	vsel vm0, $0x0, v27  }
0x3e4: {  	s1 =	smul.f32 $1.767766920e-01, s14;
	v11 =	vsel vm1, v11, v26;
	v5 =	vadd.f32 v5, v9;
	v25 =	vld [tilespmem:s2+$0xA0];
	v57 =	vsel vm0, $0x0, v4  }
0x3e5: {  	s15 =	spop (v2sf);
	v11 =	vsel vm2, v11, v18;
	v60, _, _ =	vpop (xrf2);
	v24 =	vsel vm3, v24, v6;
	v6 =	vsel vm1, v57, v23;
	v23 =	vld [tilespmem:s2+$0xB0]  }
0x3e6: {  	v63 =	vld [tilespmem:$0x1FF20];
	s13 =	smul.f32 $1.767766920e-01, s15;
	(xrf2) =	vadd.scan.msk.f32 $0xffff, v5;
	(v2sf) =	vpush v60, $0xF;
	v6 =	vsel vm2, v6, v13;
	v13 =	vmov s1  }
0x3e7: {  	v17 =	vld [tilespmem:s2+$0x20];
	v18 =	vsel vm3, v7, v11;
	v7 =	vmul.f32 v33, v2;
	s22 =	spop (v2sf);
	v26, _, _ =	vpop (xrf2);
	v13 =	vmul.f32 $1.442695020e+00, v13  }
0x3e8: {  	v9 =	vld [tilespmem:s2+$0xFFFFFF20];
	v10 =	vmul.f32 v10, v51;
	v59 =	vmov s13;
	(v2sf) =	vpush v26, $0xF;
	s1 =	smul.f32 $1.767766920e-01, s22  }
0x3e9: {  	v58 =	vld [tilespmem:s21+$0xFFFFFF30];
	v52 =	vmul.f32 $1.442695020e+00, v59;
	s25 =	spop (v2sf);
	v13 =	vbroadcast v13, $0x0  }
0x3ea: {  	v25 =	vmul.f32 v54, v25;
	v26 =	vld [tilespmem:s21+$0xFFFFFF20];
	s13 =	smul.f32 $1.767766920e-01, s25;
	v5 =	vmov s1;
	v23 =	vmul.f32 v61, v23  }
0x3eb: {  	v59 =	vld [tilespmem:s2+$0xFFFFFFA0];
	(erf) = vpow2.f32 v13;
	v13 =	vmul.f32 $1.442695020e+00, v5  }
0x3ec: {  	v52 =	vbroadcast v52, $0x0;
	s14 =	spop (v2sf);
	v57 =	vld [tilespmem:s2+$0xFFFFFF30];
	v23 =	vadd.f32 v23, v25;
	v25 =	vmov s13  }
0x3ed: {  	v60 =	vld [tilespmem:s21+$0xFFFFFFA0];
	s1 =	smul.f32 $1.767766920e-01, s14;
	v13 =	vbroadcast v13, $0x0;
	v11 =	vmul.f32 $1.442695020e+00, v25  }
0x3ee: {  	v6 =	vsel vm3, v63, v6;
	v63 =	vld [tilespmem:s2+$0xD0];
	(xrf2) =	vadd.scan.msk.f32 $0xffff, v23;
	v23 =	vmul.f32 v29, v27;
	v29 =	vmul.f32 v50, v38  }
0x3ef: {  	v9 =	vmul.f32 v26, v9;
	s15 =	spop (v2sf);
	v61 =	vmov s1;
	(erf) = vpow2.f32 v52;
	v25 =	vld [tilespmem:s2+$0xFFFFFFB0]  }
0x3f0: {  	v62, _, _ =	vpop (xrf2);
	s22 =	spop (v2sf);
	s13 =	smul.f32 $1.767766920e-01, s15;
	(erf) = vpow2.f32 v13;
	v13 =	vld [tilespmem:s21+$0xFFFFFFB0];
	v11 =	vbroadcast v11, $0x0;
	(xrf2) =	vadd.scan.msk.f32 $0xffff, v8;
	v10 =	vadd.f32 v10, v29  }
0x3f1: {  	(v2sf) =	vpush v62, $0xF;
	s1 =	smul.f32 $1.767766920e-01, s22;
	v26 =	vmul.f32 v58, v57;
	v38 =	vmul.f32 $1.442695020e+00, v61;
	v8 =	vld [tilespmem:s2+$0xC0]  }
0x3f2: {  	v5 =	vmul.f32 v35, v2;
	v29 =	vld [tilespmem:s21+$0xC0];
	(erf) = vpow2.f32 v11;
	v11 =	vmov s13;
	(xrf2) =	vadd.scan.msk.f32 $0xffff, v10  }
0x3f3: {  	v53 =	vmov s1;
	v38 =	vbroadcast v38, $0x0;
	v11 =	vmul.f32 $1.442695020e+00, v11;
	v10 =	vld [tilespmem:s21+$0xD0]  }
0x3f4: {  	v33 =	vld [tilespmem:s21+$0x20];
	v35 =	vmul.f32 v60, v59;
	v9 =	vadd.f32 v26, v9;
	v54 =	vmul.f32 $1.442695020e+00, v53  }
0x3f5: {  	s25 =	spop (v2sf);
	v58 =	vld [tilespmem:s21+$0xFFFFFF50];
	v27 =	vsel vm0, $0x0, v5;
	(erf) = vpow2.f32 v38;
	v11 =	vbroadcast v11, $0x0  }
0x3f6: {  	v26 =	vld [tilespmem:s21+$0x30];
	v27 =	vsel vm1, v27, v41;
	s13 =	smul.f32 $1.767766920e-01, s25;
	v38 =	vbroadcast v54, $0x0;
	v13 =	vmul.f32 v13, v25  }
0x3f7: {  	s14 =	spop (v2sf);
	v27 =	vsel vm2, v27, v42;
	v25 =	vld [tilespmem:s2+$0x30];
	v8 =	vmul.f32 v29, v8;
	(erf) = vpow2.f32 v11  }
0x3f8: {  	v60 =	vld [tilespmem:s2+$0xFFFFFFC0];
	s1 =	smul.f32 $1.767766920e-01, s14;
	v11 =	vmov s13;
	v13 =	vadd.f32 v13, v35;
	v10 =	vmul.f32 v10, v63;
	v55, _, _ =	vpop (xrf2);
	(xrf2) =	vadd.scan.msk.f32 $0xffff, v9  }
0x3f9: {  	v54 =	vld [tilespmem:s21+$0x40];
	v11 =	vmul.f32 $1.442695020e+00, v11;
	v9 =	vsel vm0, $0x0, v7;
	(v2sf) =	vpush v55, $0xF  }
0x3fa: {  	v29 =	vld [tilespmem:s2+$0xFFFFFF50];
	v57 =	vsel vm1, v9, v47;
	v9 =	vmov s1;
	v59, _, _ =	vpop (xrf2);
	v10 =	vadd.f32 v10, v8  }
0x3fb: {  	v35 =	vld [tilespmem:s2+$0xFFFFFF40];
	v11 =	vbroadcast v11, $0x0;
	(xrf2) =	vadd.scan.msk.f32 $0xffff, v13;
	v61 =	vmul.f32 $1.442695020e+00, v9;
	(v2sf) =	vpush v59, $0xF  }
0x3fc: {  	v63 =	vld [tilespmem:s2+$0x40];
	(xrf2) =	vadd.scan.msk.f32 $0xffff, v10;
	v10 =	vsel vm2, v57, v15;
	v15 =	vmul.f32 v33, v17;
	v17 =	vmul.f32 v26, v25;
	v25, _, _ =	vpop (xrf2)  }
0x3fd: {  	v9 =	vsel vm3, v12, v27;
	v27 =	vbroadcast v61, $0x0;
	(v2sf) =	vpush v25, $0xF;
	v25 =	vld [tilespmem:$0x1FF40]  }
0x3fe: {  	v62 =	vpop (erf);
	(erf) = vpow2.f32 v38;
	v8 =	vmul.f32 v31, v2;
	v31 =	vld [tilespmem:s21+$0xFFFFFFC0]  }
0x3ff: {  	v1 =	vmul.f32 v1, v3;
	v12 =	vpop (erf);
	(erf) = vpow2.f32 v11;
	v11 =	vld [tilespmem:s2+$0xFFFFFFD0]  }
0x400: {  	v34 =	vmul.f32 v37, v34;
	v26 =	vld [tilespmem:s21+$0xFFFFFFD0];
	v42 =	vpop (erf);
	v35 =	vmul.f32 v56, v35  }
0x401: {  	v50 =	vld [tilespmem:s21+$0xFFFFFFE0];
	v15 =	vadd.f32 v17, v15;
	v17 =	vmul.f32 v58, v29;
	(erf) = vpow2.f32 v27;
	v27 =	vpop (erf)  }
0x402: {  	v56 =	vld [tilespmem:s2+$0xF0];
	v29 =	vsel vm3, v25, v10;
	v25 =	vmul.f32 v12, v2;
	v12 =	vmul.f32 v27, v2;
	v27, _, _ =	vpop (xrf2)  }
0x403: {  	v41 =	vmul.f32 v44, v41;
	v61 =	vmul.f32 v54, v63;
	v63 =	vld [tilespmem:s2+$0xFFFFFF60];
	(v2sf) =	vpush v27, $0xF  }
0x404: {  	v13 =	vmul.f32 v48, v2;
	v33 =	vmul.f32 v62, v2;
	(xrf2) =	vadd.scan.msk.f32 $0xffff, v15;
	v15 =	vadd.f32 v17, v35;
	v17 =	vld [tilespmem:s21+$0xE0];
	v55 =	vpop (erf)  }
0x405: {  	s15 =	spop (v2sf);
	v31 =	vmul.f32 v31, v60;
	v11 =	vmul.f32 v26, v11;
	v10 =	vld [tilespmem:s2+$0xE0];
	v26, _, _ =	vpop (xrf2)  }
0x406: {  	s22 =	smul.f32 $1.767766920e-01, s15;
	v44 =	vmul.f32 v45, v33;
	v58 =	vld [tilespmem:s2+$0x50];
	v45 =	vpop (erf);
	v27 =	vsel vm0, $0x0, v8;
	(v2sf) =	vpush v26, $0xF  }
0x407: {  	v40 =	vmul.f32 v40, v7;
	v0 =	vmul.f32 v0, v4;
	(xrf2) =	vadd.scan.msk.f32 $0xffff, v15;
	v15 =	vld [tilespmem:s21+$0xF0];
	v11 =	vadd.f32 v11, v31;
	v57 =	vpop (erf)  }
0x408: {  	s1 =	simm.s32 $0x6A40;
	v59 =	vmov s22;
	v46 =	vmul.f32 v46, v13;
	[tilespmem:s11+$0x110] =	vst v18;
	v31 =	vld [tilespmem:s21+$0x50];
	v49 =	vmul.f32 v49, v12;
	v60, _, _ =	vpop (xrf2)  }
0x409: {  	v37 =	vmul.f32 $1.442695020e+00, v59;
	[tilespmem:s11+$0x100] =	vst v23;
	v36 =	vsel vm1, v27, v36;
	v26 =	vld [tilespmem:s1+$0x80];
	(xrf2) =	vadd.scan.msk.f32 $0xffff, v11;
	v27 =	vpop (erf)  }
0x40a: {  	v23 =	vmul.f32 v39, v22;
	[tilespmem:s24+$0xF0] =	vst v49;
	v49 =	vld [tilespmem:s21+$0xFFFFFF70];
	v17 =	vmul.f32 v17, v10;
	v10 =	vpop (erf);
	s25 =	spop (v2sf)  }
0x40b: {  	v11 =	vbroadcast v37, $0x0;
	v18 =	vmul.f32 v10, v2;
	v10 =	vld [tilespmem:$0x1FF50];
	s13 =	smul.f32 $1.767766920e-01, s25  }
0x40c: {  	v54 =	vsel vm0, $0x0, v12;
	v15 =	vmul.f32 v15, v56;
	v62 =	vld [tilespmem:s19+$0xF0];
	(v2sf) =	vpush v60, $0xF  }
0x40d: {  	(erf) = vpow2.f32 v11;
	v31 =	vmul.f32 v31, v58;
	v58 =	vld [tilespmem:s21+$0x70];
	[tilespmem:s0+$0xFFFFFFF0] =	vst v24;
	s14 =	spop (v2sf);
	v11 =	vmov s13  }
0x40e: {  	v24 =	vld [tilespmem:s2+$0xFFFFFF70];
	[tilespmem:s24+$0x20] =	vst v44;
	v15 =	vadd.f32 v15, v17;
	v26 =	vmul.f32 v26, v18;
	v17, _, _ =	vpop (xrf2);
	s13 =	smul.f32 $1.767766920e-01, s14;
	v11 =	vmul.f32 $1.442695020e+00, v11  }
0x40f: {  	s22 =	simm.s32 $0x7B20;
	v30 =	vsel vm2, v36, v30;
	[tilespmem:s0+$0xFFFFFF40] =	vst v1;
	v1 =	vsel vm1, v54, v20;
	v47 =	vld [tilespmem:s19+$0x30];
	(v2sf) =	vpush v17, $0xF  }
0x410: {  	[tilespmem:s22+$0x90] =	vst v26;
	s15 =	spop (v2sf);
	v10 =	vsel vm3, v10, v30;
	v30 =	vld [tilespmem:s21+$0xFFFFFF60];
	v26 =	vmov s13;
	v11 =	vbroadcast v11, $0x0  }
0x411: {  	v31 =	vadd.f32 v31, v61;
	(xrf2) =	vadd.scan.msk.f32 $0xffff, v15;
	v15 =	vmul.f32 v55, v2;
	s13 =	smul.f32 $1.767766920e-01, s15;
	v53 =	vld [tilespmem:s1+$0x90];
	v26 =	vmul.f32 $1.442695020e+00, v26  }
0x412: {  	v1 =	vsel vm2, v1, v28;
	v55 =	vld [tilespmem:s2+$0xFFFFFFF0];
	v52, _, _ =	vpop (xrf2);
	v38 =	vmul.f32 v62, v12;
	(erf) = vpow2.f32 v11;
	s25 =	spop (v2sf)  }
0x413: {  	(xrf2) =	vadd.scan.msk.f32 $0xffff, v31;
	(v2sf) =	vpush v52, $0xF;
	v31 =	vmov s13;
	v28, _, _ =	vpop (xrf2);
	v12 =	vbroadcast v26, $0x0;
	v26 =	vld [tilespmem:s21+$0xFFFFFFF0];
	s13 =	smul.f32 $1.767766920e-01, s25  }
0x414: {  	v17 =	vld [tilespmem:s2+$0xFFFFFFE0];
	v24 =	vmul.f32 v49, v24;
	v31 =	vmul.f32 $1.442695020e+00, v31;
	(v2sf) =	vpush v28, $0xF  }
0x415: {  	v28 =	vld [tilespmem:s2+$0x70];
	(erf) = vpow2.f32 v12;
	v12 =	vmul.f32 v57, v2;
	v57 =	vmov s13;
	s13 =	spop (v2sf)  }
0x416: {  	v20 =	vmul.f32 v30, v63;
	v30 =	vld [tilespmem:s2+$0x60];
	v36 =	vmul.f32 v53, v18;
	s2 =	smul.f32 $1.767766920e-01, s13  }
0x417: {  	[tilespmem:s24+$0xFFFFFFA0] =	vst v23;
	v1 =	vsel vm3, v19, v1;
	v52 =	vmul.f32 v47, v33;
	v11 =	vmul.f32 v45, v2  }
0x418: {  	v56 =	vld [tilespmem:s21+$0x60];
	v19 =	vpop (erf);
	v31 =	vbroadcast v31, $0x0;
	[tilespmem:s22+$0xA0] =	vst v36;
	v23 =	vmul.f32 v26, v55;
	v26 =	vmov s2  }
0x419: {  	v17 =	vmul.f32 v50, v17;
	v24 =	vadd.f32 v24, v20;
	v20 =	vmul.f32 v19, v2;
	v19 =	vld [tilespmem:s1+$0xA0]  }
0x41a: {  	[tilespmem:s24+$0xFFFFFF00] =	vst v46;
	(erf) = vpow2.f32 v31;
	v39 =	vmul.f32 $1.442695020e+00, v57  }
0x41b: {  	[tilespmem:s11+$0xFFFFFF30] =	vst v41;
	v60 =	vld [tilespmem:s1+$0xFFFFFF80];
	v28 =	vmul.f32 v58, v28;
	(xrf2) =	vadd.scan.msk.f32 $0xffff, v24;
	s14 =	spop (v2sf);
	v62 =	vmul.f32 $1.442695020e+00, v26;
	v26 =	vpop (erf)  }
0x41c: {  	v59 =	vld [tilespmem:s1+$0xFFFFFF00];
	[tilespmem:s11+$0xFFFFFFD0] =	vst v40;
	v31 =	vsel vm0, $0x0, v11;
	v61, _, _ =	vpop (xrf2);
	v24 =	vbroadcast v39, $0x0;
	s2 =	smul.f32 $1.767766920e-01, s14;
	v26 =	vmul.f32 v26, v2  }
0x41d: {  	[tilespmem:s24+$0x110] =	vst v1;
	v45 =	vld [tilespmem:s19+$0xFFFFFF30];
	(v2sf) =	vpush v61, $0xF;
	v30 =	vmul.f32 v56, v30;
	v1 =	vadd.f32 v23, v17  }
0x41e: {  	[tilespmem:s0+$0x60] =	vst v0;
	(erf) = vpow2.f32 v24;
	v24 =	vmov s2;
	s15 =	spop (v2sf);
	v23 =	vpop (erf);
	v17 =	vmul.f32 v19, v26  }
0x41f: {  	v0 =	vsel vm1, v31, v25;
	v46, _, _ =	vpop (xrf2);
	(xrf2) =	vadd.scan.msk.f32 $0xffff, v1;
	s2 =	smul.f32 $1.767766920e-01, s15;
	v19 =	vmul.f32 $1.442695020e+00, v24;
	v24 =	vmul.f32 v23, v2  }
0x420: {  	[tilespmem:s0+$0xFFFFFFE0] =	vst v34;
	v48 =	vld [tilespmem:s19+$0xFFFFFFC0];
	v31 =	vbroadcast v62, $0x0;
	(v2sf) =	vpush v46, $0xF;
	v23 =	vmul.f32 v60, v20  }
0x421: {  	v34 =	vld [tilespmem:s10+$0xFFFFFFF0];
	v1 =	vmov s2;
	[tilespmem:s22+$0xB0] =	vst v17;
	v17 =	vbroadcast v19, $0x0;
	v19 =	vmul.f32 v59, v24  }
0x422: {  	[tilespmem:s24+$0x30] =	vst v52;
	v63 =	vld [tilespmem:s1+$0x0];
	v0 =	vsel vm2, v0, v13;
	v13 =	vmul.f32 v45, v13;
	s25 =	spop (v2sf);
	v1 =	vmul.f32 $1.442695020e+00, v1  }
0x423: {  	v35 =	vmul.f32 v42, v2;
	v28 =	vadd.f32 v28, v30;
	(erf) = vpow2.f32 v31;
	s13 =	smul.f32 $1.767766920e-01, s25;
	[tilespmem:s22+$0xFFFFFF70] =	vst v23;
	v50 =	vld [tilespmem:s1+$0xB0]  }
0x424: {  	[tilespmem:s24+$0xFFFFFF10] =	vst v13;
	v13 =	vsel vm0, $0x0, v12;
	v51 =	vld [tilespmem:s1+$0xFFFFFF90];
	v1 =	vbroadcast v1, $0x0;
	v23 =	vpop (erf);
	(erf) = vpow2.f32 v17  }
0x425: {  	v55 =	vld [tilespmem:s19+$0x40];
	s14 =	spop (v2sf);
	[tilespmem:s22+$0xFFFFFEE0] =	vst v19;
	v17 =	vmov s13;
	v23 =	vmul.f32 v23, v2;
	v19, _, _ =	vpop (xrf2);
	(xrf2) =	vadd.scan.msk.f32 $0xffff, v28  }
0x426: {  	[tilespmem:s11+$0x50] =	vst v43;
	v54 =	vsel vm1, v13, v35;
	s2 =	smul.f32 $1.767766920e-01, s14;
	v53 =	vld [tilespmem:s1+$0xFFFFFF10];
	v17 =	vmul.f32 $1.442695020e+00, v17;
	(erf) = vpow2.f32 v1  }
0x427: {  	[tilespmem:s11+$0xFFFFFFF0] =	vst v29;
	v30 =	vld [tilespmem:s17+$0xFFFFFF70];
	(v2sf) =	vpush v19, $0xF;
	v37 =	vmul.f32 v63, v23;
	v19 =	vmul.f32 v27, v2  }
0x428: {  	[tilespmem:s0+$0xFFFFFF60] =	vst v14;
	v1 =	vmov s2;
	v27 =	vld [tilespmem:s19+$0xFFFFFF40];
	v13 =	vbroadcast v17, $0x0;
	v17 =	vmul.f32 v50, v26  }
0x429: {  	v49 =	vld [tilespmem:s10+$0xFFFFFF60];
	v1 =	vmul.f32 $1.442695020e+00, v1;
	v61, _, _ =	vpop (xrf2);
	v28 =	vmul.f32 v51, v20;
	[tilespmem:s22+$0x0] =	vst v37  }
0x42a: {  	v22 =	vsel vm2, v54, v22;
	(v2sf) =	vpush v61, $0xF;
	v56 =	vld [tilespmem:s1+$0x10];
	[tilespmem:s22+$0xC0] =	vst v17;
	v17 =	vmul.f32 v48, v35  }
0x42b: {  	v31 =	vld [tilespmem:s10+$0x60];
	v14 =	vpop (erf);
	(erf) = vpow2.f32 v13;
	v13 =	vsel vm3, v32, v0;
	v0 =	vmul.f32 v53, v24;
	[tilespmem:s22+$0xFFFFFF80] =	vst v28  }
0x42c: {  	v16 =	vsel vm3, v16, v22;
	v22 =	vmul.f32 v55, v15;
	v57 =	vpop (erf);
	v28 =	vld [tilespmem:s1+$0xC0];
	[tilespmem:s24+$0xFFFFFFB0] =	vst v17  }
0x42d: {  	s15 =	spop (v2sf);
	v59 =	vsel vm0, $0x0, v19;
	v58 =	vld [tilespmem:s1+$0xFFFFFFA0];
	v27 =	vmul.f32 v27, v25;
	[tilespmem:s22+$0xFFFFFEF0] =	vst v0;
	v0 =	vbroadcast v1, $0x0;
	v1 =	vpop (erf)  }
0x42e: {  	[tilespmem:s24+$0x40] =	vst v22;
	v14 =	vmul.f32 v14, v2;
	s2 =	smul.f32 $1.767766920e-01, s15;
	v22 =	vsel vm1, v59, v15;
	v17 =	vld [tilespmem:s19+$0xFFFFFFD0];
	v32 =	vmul.f32 v1, v2  }
0x42f: {  	v22 =	vsel vm2, v22, v33;
	v60 =	vld [tilespmem:s1+$0xFFFFFF20];
	[tilespmem:s24+$0xFFFFFF20] =	vst v27;
	v27 =	vmul.f32 v57, v2;
	v36 =	vmul.f32 v56, v23;
	v29, _, _ =	vpop (xrf2)  }
0x430: {  	s25 =	spop (v2sf);
	v1 =	vmov s2;
	(erf) = vpow2.f32 v0;
	v0 =	vld [tilespmem:s19+$0xFFFFFF50];
	(v2sf) =	vpush v29, $0xF  }
0x431: {  	v1 =	vmul.f32 $1.442695020e+00, v1;
	v28 =	vmul.f32 v28, v32;
	[tilespmem:s22+$0x10] =	vst v36;
	v36 =	vld [tilespmem:s19+$0x50]  }
0x432: {  	[tilespmem:s24+$0x100] =	vst v38;
	v33 =	vmul.f32 v49, v5;
	s2 =	smul.f32 $1.767766920e-01, s25;
	v40 =	vmul.f32 v58, v27;
	v37 =	vld [tilespmem:s1+$0x20]  }
0x433: {  	v21 =	vsel vm3, v21, v22;
	v22 =	vpop (erf);
	v1 =	vbroadcast v1, $0x0;
	[tilespmem:s22+$0xD0] =	vst v28;
	v17 =	vmul.f32 v17, v35;
	v28 =	vld [tilespmem:s17+$0x70]  }
0x434: {  	v22 =	vmul.f32 v22, v2;
	v62 =	vmov s2;
	v41 =	vmul.f32 v60, v14;
	[tilespmem:s22+$0xFFFFFF90] =	vst v40;
	v35 =	vld [tilespmem:s1+$0xD0]  }
0x435: {  	s13 =	simm.s32 $0x4C40;
	v39 =	vmul.f32 $1.442695020e+00, v62;
	v63 =	vpop (erf);
	(erf) = vpow2.f32 v1;
	v38 =	vld [tilespmem:s1+$0xFFFFFFB0];
	[tilespmem:s24+$0xFFFFFFC0] =	vst v17  }
0x436: {  	s2 =	simm.s32 $0xC;
	s17 =	simm.s32 $0x6A40;
	[tilespmem:s22+$0xFFFFFF00] =	vst v41;
	v17 =	vmul.f32 v63, v2;
	v25 =	vmul.f32 v0, v25;
	v29 =	vld [tilespmem:s19+$0xFFFFFFE0];
	s14 =	spop (v2sf)  }
.LBB2_9:
0x437: {  	v0 =	vld [tilespmem:s13+$0x80];
	s14 =	smul.f32 $1.767766920e-01, s14;
	v1 =	vmul.f32 v37, v22;
	v37 =	vbroadcast v39, $0x0;
	s21 =	sadd.s32 $0x200, s21;
	[tilespmem:s11+$0xFFFFFF40] =	vst v33  }
0x438: {  	v15 =	vmul.f32 v36, v15;
	v31 =	vmul.f32 v31, v8;
	v33 =	vld [tilespmem:s21+$0x80];
	[tilespmem:s24+$0xFFFFFF30] =	vst v25  }
0x439: {  	v36 =	vld [tilespmem:s13+$0x90];
	v39 =	vmov s14;
	[tilespmem:s22+$0x20] =	vst v1;
	v1 =	vmul.f32 v35, v32;
	v25 =	vpop (erf);
	s14 =	spop (v2sf);
	(erf) = vpow2.f32 v37  }
0x43a: {  	s2 =	sadd.s32 $0x4, s2;
	v35 =	vld [tilespmem:s21+$0x90];
	v37 =	vmul.f32 v38, v27;
	v25 =	vmul.f32 v25, v2;
	s14 =	smul.f32 $1.767766920e-01, s14;
	[tilespmem:s24+$0x50] =	vst v15  }
0x43b: {  	p0 =	slt.u32 s2, $0x1C;
	v15 =	vmul.f32 $1.442695020e+00, v39;
	v38 =	vld [tilespmem:s21+$0xFFFFFF00];
	[tilespmem:s22+$0xE0] =	vst v1;
	v1 =	vmul.f32 v29, v12  }
0x43c: {  	v34 =	vmul.f32 v34, v7;
	v30 =	vmul.f32 v30, v3;
	v3 =	vmovc v5;
	v5 =	vmovc v11;
	[tilespmem:s22+$0xFFFFFFA0] =	vst v37;
	v29 =	vmov s14;
	v37 =	vld [tilespmem:s1+$0xE0]  }
0x43d: {  	v7 =	vmov v12;
	v15 =	vbroadcast v15, $0x0;
	v11 =	vld [tilespmem:s13+$0xFFFFFF10];
	v29 =	vmul.f32 $1.442695020e+00, v29;
	[tilespmem:s24+$0xFFFFFFD0] =	vst v1  }
0x43e: {  	v28 =	vmul.f32 v28, v4;
	v4 =	vmov v8;
	v0 =	vmul.f32 v33, v0;
	v1 =	vld [tilespmem:s21+$0xFFFFFF10];
	v12 =	vpop (erf);
	[tilespmem:s11+$0x60] =	vst v31  }
0x43f: {  	v8 =	vmov v19;
	v31 =	vld [tilespmem:s13+$0xFFFFFF80];
	v33 =	vmul.f32 v35, v36;
	v12 =	vmul.f32 v12, v2;
	s14 =	spop (v2sf);
	[tilespmem:s0+$0xFFFFFF50] =	vst v30  }
0x440: {  	v29 =	vbroadcast v29, $0x0;
	v19 =	vld [tilespmem:s21+$0xFFFFFF80];
	s14 =	smul.f32 $1.767766920e-01, s14;
	(erf) = vpow2.f32 v15;
	[tilespmem:s11+$0xFFFFFFE0] =	vst v34  }
0x441: {  	v30 =	vld [tilespmem:s13+$0xFFFFFF90];
	v0 =	vadd.f32 v33, v0;
	v33 =	vmul.f32 v37, v12;
	v35 =	vsel vm0, $0x0, v12;
	[tilespmem:s0+$0x70] =	vst v28  }
0x442: {  	v28 =	vld [tilespmem:s21+$0xFFFFFF90];
	v34 =	vmov s14;
	v32 =	vsel vm1, v35, v32;
	(erf) = vpow2.f32 v29;
	v15 =	vpop (erf);
	[tilespmem:s0+$0x80] =	vst v6;
	s0 =	smov.u32 s11;
	s11 =	smov.u32 s24;
	s24 =	smov.u32 s22  }
0x443: {  	v6 =	vmovc v10;
	v1 =	vmul.f32 v1, v11;
	v11 =	vld [tilespmem:s13+$0x0];
	(xrf2) =	vadd.scan.msk.f32 $0xffff, v0;
	v15 =	vmul.f32 v15, v2;
	[tilespmem:s22+$0xF0] =	vst v33  }
0x444: {  	v10 =	vmov v21;
	v0 =	vmul.f32 $1.442695020e+00, v34;
	v26 =	vsel vm2, v32, v26;
	v29 =	vld [tilespmem:s1+$0xF0]  }
0x445: {  	v18 =	vsel vm3, v18, v26;
	v19 =	vmul.f32 v19, v31;
	v21 =	vld [tilespmem:s21+$0x0]  }
0x446: {  	v0 =	vbroadcast v0, $0x0;
	v26 =	vld [tilespmem:s13+$0x10];
	[tilespmem:s22+$0x110] =	vst v18  }
0x447: {  	v18 =	vmul.f32 v28, v30;
	v28 =	vld [tilespmem:s13+$0xA0]  }
0x448: {  	v30 =	vld [tilespmem:s21+$0xA0];
	(erf) = vpow2.f32 v0  }
0x449: {  	v31 =	vadd.f32 v18, v19;
	v18 =	vld [tilespmem:s13+$0xB0];
	v12 =	vmul.f32 v29, v12;
	v19 =	vpop (erf)  }
0x44a: {  	v21 =	vmul.f32 v21, v11;
	v29 =	vld [tilespmem:s21+$0xB0];
	v11 =	vmul.f32 v19, v2  }
0x44b: {  	v19 =	vld [tilespmem:s21+$0x10];
	(xrf2) =	vadd.scan.msk.f32 $0xffff, v31;
	[tilespmem:s22+$0x100] =	vst v12;
	v0 =	vpop (erf)  }
0x44c: {  	v31 =	vld [tilespmem:s13+$0xFFFFFF00];
	v32 =	vsel vm0, $0x0, v11;
	v12 =	vmul.f32 v0, v2  }
0x44d: {  	v0 =	vld [tilespmem:s13+$0xFFFFFF20];
	v33, _, _ =	vpop (xrf2);
	v32 =	vsel vm1, v32, v17  }
0x44e: {  	v34 =	vld [tilespmem:s21+$0xFFFFFF20];
	(v2sf) =	vpush v33, $0xF;
	v32 =	vsel vm2, v32, v14;
	v33 =	vsel vm0, $0x0, v12  }
0x44f: {  	v28 =	vmul.f32 v30, v28;
	v35 =	vld [tilespmem:s13+$0xFFFFFF30];
	v18 =	vmul.f32 v29, v18;
	v30 =	vsel vm1, v33, v25  }
0x450: {  	v29 =	vsel vm3, v24, v32;
	v33 =	vld [tilespmem:s21+$0xFFFFFF30];
	v19 =	vmul.f32 v19, v26;
	v24 =	vsel vm2, v30, v27  }
0x451: {  	v26 =	vmul.f32 v38, v31;
	v27 =	vld [tilespmem:s13+$0xFFFFFFA0];
	v18 =	vadd.f32 v18, v28;
	v28 =	vsel vm3, v20, v24;
	v20 =	vpop (erf)  }
0x452: {  	v24 =	vld [tilespmem:s21+$0xFFFFFFA0];
	v30 =	vadd.f32 v19, v21;
	v19 =	vmul.f32 v20, v2  }
0x453: {  	v0 =	vmul.f32 v34, v0;
	v1 =	vadd.f32 v1, v26;
	v20 =	vld [tilespmem:s13+$0xFFFFFFB0];
	(xrf2) =	vadd.scan.msk.f32 $0xffff, v18  }
0x454: {  	v18 =	vld [tilespmem:s21+$0xFFFFFFB0];
	v21 =	vsel vm0, $0x0, v19  }
0x455: {  	v26 =	vmul.f32 v33, v35;
	v31 =	vld [tilespmem:s13+$0x20];
	v32, _, _ =	vpop (xrf2);
	v21 =	vsel vm1, v21, v15  }
0x456: {  	v33 =	vld [tilespmem:s21+$0x20];
	(xrf2) =	vadd.scan.msk.f32 $0xffff, v1;
	(v2sf) =	vpush v32, $0xF;
	v1 =	vsel vm2, v21, v22  }
0x457: {  	v0 =	vadd.f32 v26, v0;
	v24 =	vmul.f32 v24, v27;
	v26 =	vld [tilespmem:s13+$0xC0];
	v21 =	vsel vm3, v23, v1  }
0x458: {  	v1 =	vld [tilespmem:s21+$0xC0]  }
0x459: {  	v18 =	vmul.f32 v18, v20;
	v20 =	vld [tilespmem:s13+$0xD0];
	(xrf2) =	vadd.scan.msk.f32 $0xffff, v30  }
0x45a: {  	v23 =	vld [tilespmem:s21+$0xD0]  }
0x45b: {  	v18 =	vadd.f32 v18, v24;
	v24 =	vmul.f32 v33, v31;
	v27 =	vld [tilespmem:s13+$0x30]  }
0x45c: {  	v30 =	vld [tilespmem:s21+$0x30];
	(xrf2) =	vadd.scan.msk.f32 $0xffff, v0  }
0x45d: {  	v0 =	vld [tilespmem:s13+$0xFFFFFF40];
	s14 =	spop (v2sf);
	v31, _, _ =	vpop (xrf2)  }
0x45e: {  	v32 =	vld [tilespmem:s21+$0xFFFFFF40];
	s14 =	smul.f32 $1.767766920e-01, s14;
	(v2sf) =	vpush v31, $0xF  }
0x45f: {  	v1 =	vmul.f32 v1, v26;
	v31 =	vld [tilespmem:s13+$0xFFFFFF50];
	v20 =	vmul.f32 v23, v20;
	(xrf2) =	vadd.scan.msk.f32 $0xffff, v18  }
0x460: {  	v18 =	vld [tilespmem:s21+$0xFFFFFF50];
	v23 =	vmov s14;
	v26, _, _ =	vpop (xrf2)  }
0x461: {  	v33 =	vld [tilespmem:s13+$0xFFFFFFC0];
	v23 =	vmul.f32 $1.442695020e+00, v23;
	v1 =	vadd.f32 v20, v1;
	(v2sf) =	vpush v26, $0xF  }
0x462: {  	v26 =	vmul.f32 v30, v27;
	v20 =	vld [tilespmem:s21+$0xFFFFFFC0]  }
0x463: {  	v0 =	vmul.f32 v32, v0;
	v27 =	vld [tilespmem:s13+$0xFFFFFFD0];
	v23 =	vbroadcast v23, $0x0;
	v30, _, _ =	vpop (xrf2);
	(xrf2) =	vadd.scan.msk.f32 $0xffff, v1  }
0x464: {  	v24 =	vadd.f32 v26, v24;
	v1 =	vld [tilespmem:s21+$0xFFFFFFD0];
	(v2sf) =	vpush v30, $0xF  }
0x465: {  	v18 =	vmul.f32 v18, v31;
	v26 =	vld [tilespmem:s13+$0x40];
	s14 =	spop (v2sf);
	(erf) = vpow2.f32 v23  }
0x466: {  	s14 =	smul.f32 $1.767766920e-01, s14;
	v23 =	vld [tilespmem:s21+$0x40];
	v30, _, _ =	vpop (xrf2);
	(xrf2) =	vadd.scan.msk.f32 $0xffff, v24  }
0x467: {  	v31 =	vadd.f32 v18, v0;
	v18 =	vmul.f32 v20, v33;
	v20 =	vld [tilespmem:s13+$0xE0];
	(v2sf) =	vpush v30, $0xF  }
0x468: {  	v24 =	vmov s14;
	v30 =	vld [tilespmem:s21+$0xE0]  }
0x469: {  	v1 =	vmul.f32 v1, v27;
	v24 =	vmul.f32 $1.442695020e+00, v24;
	v27 =	vld [tilespmem:s13+$0xF0];
	(xrf2) =	vadd.scan.msk.f32 $0xffff, v31;
	v0, _, _ =	vpop (xrf2)  }
0x46a: {  	v31 =	vld [tilespmem:s21+$0xF0];
	(v2sf) =	vpush v0, $0xF  }
0x46b: {  	s1 =	sadd.s32 $0x200, s1;
	v33 =	vbroadcast v24, $0x0;
	v1 =	vadd.f32 v1, v18;
	v23 =	vmul.f32 v23, v26;
	v24 =	vld [tilespmem:s13+$0x50]  }
0x46c: {  	v26 =	vld [tilespmem:s1+$0x80]  }
0x46d: {  	v32 =	vld [tilespmem:s21+$0x50];
	(erf) = vpow2.f32 v33;
	(xrf2) =	vadd.scan.msk.f32 $0xffff, v1;
	s14 =	spop (v2sf);
	v0, _, _ =	vpop (xrf2)  }
0x46e: {  	v20 =	vmul.f32 v30, v20;
	v1 =	vld [tilespmem:s13+$0xFFFFFF60];
	s14 =	smul.f32 $1.767766920e-01, s14;
	v18 =	vpop (erf);
	(v2sf) =	vpush v0, $0xF  }
0x46f: {  	v0 =	vld [tilespmem:s21+$0xFFFFFF60];
	v27 =	vmul.f32 v31, v27;
	v18 =	vmul.f32 v18, v2  }
0x470: {  	v30 =	vld [tilespmem:s13+$0xFFFFFF70];
	v31 =	vmov s14;
	s14 =	spop (v2sf);
	v33, _, _ =	vpop (xrf2)  }
0x471: {  	v34 =	vld [tilespmem:s21+$0xFFFFFF70];
	s14 =	smul.f32 $1.767766920e-01, s14;
	v26 =	vmul.f32 v26, v18;
	v35 =	vmul.f32 $1.442695020e+00, v31;
	v20 =	vadd.f32 v27, v20  }
0x472: {  	s22 =	sadd.s32 $0x240, s22;
	v27 =	vld [tilespmem:s13+$0xFFFFFFE0];
	v24 =	vmul.f32 v32, v24;
	(v2sf) =	vpush v33, $0xF  }
0x473: {  	v32 =	vmov s14;
	v33 =	vld [tilespmem:s21+$0xFFFFFFE0];
	[tilespmem:s22+$0x90] =	vst v26;
	v26 =	vbroadcast v35, $0x0;
	v31, _, _ =	vpop (xrf2);
	s14 =	spop (v2sf);
	(xrf2) =	vadd.scan.msk.f32 $0xffff, v20  }
0x474: {  	v35 =	vmul.f32 $1.442695020e+00, v32;
	s14 =	smul.f32 $1.767766920e-01, s14;
	v23 =	vadd.f32 v24, v23;
	v24 =	vld [tilespmem:s1+$0x90];
	(v2sf) =	vpush v31, $0xF  }
0x475: {  	v0 =	vmul.f32 v0, v1;
	v1 =	vld [tilespmem:s13+$0xFFFFFFF0];
	(erf) = vpow2.f32 v26  }
0x476: {  	v26 =	vmul.f32 v34, v30;
	v30 =	vbroadcast v35, $0x0;
	v31 =	vld [tilespmem:s21+$0xFFFFFFF0];
	v32 =	vmov s14;
	s14 =	spop (v2sf);
	v20 =	vpop (erf);
	(xrf2) =	vadd.scan.msk.f32 $0xffff, v23  }
0x477: {  	s14 =	smul.f32 $1.767766920e-01, s14;
	v20 =	vmul.f32 v20, v2;
	v23 =	vld [tilespmem:s13+$0x60];
	v32 =	vmul.f32 $1.442695020e+00, v32;
	v34, _, _ =	vpop (xrf2)  }
0x478: {  	v27 =	vmul.f32 v33, v27;
	v33 =	vld [tilespmem:s21+$0x60];
	(erf) = vpow2.f32 v30;
	(v2sf) =	vpush v34, $0xF  }
0x479: {  	v30 =	vmov s14;
	v34 =	vld [tilespmem:s13+$0x70];
	v32 =	vbroadcast v32, $0x0;
	v24 =	vmul.f32 v24, v18;
	s14 =	spop (v2sf)  }
0x47a: {  	v0 =	vadd.f32 v26, v0;
	v30 =	vmul.f32 $1.442695020e+00, v30;
	s14 =	smul.f32 $1.767766920e-01, s14;
	v26 =	vld [tilespmem:s21+$0x70]  }
0x47b: {  	v35 =	vld [tilespmem:s1+$0xFFFFFF00];
	v1 =	vmul.f32 v31, v1;
	[tilespmem:s22+$0xA0] =	vst v24;
	(erf) = vpow2.f32 v32  }
0x47c: {  	v36 =	vbroadcast v30, $0x0;
	v30 =	vmov s14;
	v31 =	vld [tilespmem:s1+$0xA0];
	(xrf2) =	vadd.scan.msk.f32 $0xffff, v0  }
0x47d: {  	v0 =	vld [tilespmem:s1+$0xFFFFFF80];
	v30 =	vmul.f32 $1.442695020e+00, v30;
	v1 =	vadd.f32 v1, v27;
	v23 =	vmul.f32 v33, v23;
	s14 =	spop (v2sf);
	v27, _, _ =	vpop (xrf2)  }
0x47e: {  	v32 =	vld [tilespmem:s1+$0x0];
	s14 =	smul.f32 $1.767766920e-01, s14;
	(erf) = vpow2.f32 v36;
	v24 =	vpop (erf);
	(v2sf) =	vpush v27, $0xF  }
0x47f: {  	v27 =	vmul.f32 v26, v34;
	v26 =	vmul.f32 v24, v2;
	(xrf2) =	vadd.scan.msk.f32 $0xffff, v1;
	v1 =	vld [tilespmem:s17+$0xFFFFFF30]  }
0x480: {  	v30 =	vbroadcast v30, $0x0;
	v37 =	vmov s14;
	v33, _, _ =	vpop (xrf2);
	v34 =	vld [tilespmem:s17+$0x30]  }
0x481: {  	v31 =	vmul.f32 v31, v26;
	v36 =	vmul.f32 $1.442695020e+00, v37;
	v24 =	vpop (erf);
	s14 =	spop (v2sf);
	(v2sf) =	vpush v33, $0xF;
	v33 =	vld [tilespmem:s17+$0xFFFFFFC0]  }
0x482: {  	v27 =	vadd.f32 v27, v23;
	v24 =	vmul.f32 v24, v2;
	v0 =	vmul.f32 v0, v20;
	s14 =	smul.f32 $1.767766920e-01, s14;
	v38 =	vld [tilespmem:s19+$0xFFFFFF60]  }
0x483: {  	[tilespmem:s22+$0xB0] =	vst v31;
	v36 =	vbroadcast v36, $0x0;
	s15 =	spop (v2sf);
	(erf) = vpow2.f32 v30;
	v31 =	vld [tilespmem:s19+$0x60]  }
0x484: {  	v30 =	vmul.f32 v35, v24;
	s15 =	smul.f32 $1.767766920e-01, s15;
	[tilespmem:s22+$0xFFFFFF70] =	vst v0;
	v0 =	vmov s14;
	v35 =	vld [tilespmem:s1+$0xB0];
	v23 =	vpop (erf);
	v1 =	vmul.f32 v1, v14  }
0x485: {  	v37 =	vld [tilespmem:s1+$0xFFFFFF90];
	v23 =	vmul.f32 v23, v2;
	(xrf2) =	vadd.scan.msk.f32 $0xffff, v27;
	(erf) = vpow2.f32 v36  }
0x486: {  	v0 =	vmul.f32 $1.442695020e+00, v0;
	v22 =	vmul.f32 v34, v22;
	[tilespmem:s22+$0xFFFFFEE0] =	vst v30;
	v39 =	vmov s15;
	v27, _, _ =	vpop (xrf2);
	v30 =	vld [tilespmem:s10+$0xFFFFFF70]  }
0x487: {  	v36 =	vld [tilespmem:s1+$0xFFFFFF10];
	v34 =	vmul.f32 $1.442695020e+00, v39;
	v39 =	vmul.f32 v32, v23;
	v14 =	vpop (erf);
	(v2sf) =	vpush v27, $0xF;
	s14 =	spop (v2sf);
	[tilespmem:s24+$0xFFFFFF10] =	vst v1  }
0x488: {  	v0 =	vbroadcast v0, $0x0;
	v14 =	vmul.f32 v14, v2;
	s14 =	smul.f32 $1.767766920e-01, s14;
	v1 =	vld [tilespmem:s17+$0xFFFFFF40];
	[tilespmem:s24+$0x30] =	vst v22  }
0x489: {  	v22 =	vbroadcast v34, $0x0;
	[tilespmem:s22+$0x0] =	vst v39;
	v40 =	vmul.f32 v35, v26;
	v32, _, _ =	vpop (xrf2);
	v35 =	vld [tilespmem:s17+$0x40]  }
0x48a: {  	v37 =	vmul.f32 v37, v20;
	v39 =	vld [tilespmem:s1+$0x10];
	(v2sf) =	vpush v32, $0xF;
	(erf) = vpow2.f32 v0;
	[tilespmem:s0+$0xFFFFFF60] =	vst v9;
	v9 =	vmovc v13;
	v13 =	vmovc v29  }
0x48b: {  	v0 =	vmov s14;
	v32 =	vmul.f32 v33, v25;
	[tilespmem:s22+$0xC0] =	vst v40;
	(erf) = vpow2.f32 v22;
	v34 =	vld [tilespmem:s19+$0xFFFFFFF0]  }
0x48c: {  	v0 =	vmul.f32 $1.442695020e+00, v0;
	v29 =	vmul.f32 v36, v24;
	[tilespmem:s22+$0xFFFFFF80] =	vst v37;
	v33 =	vld [tilespmem:s1+$0xC0];
	v27 =	vpop (erf)  }
0x48d: {  	v27 =	vmul.f32 v27, v2;
	v37 =	vld [tilespmem:s1+$0xFFFFFFA0];
	s14 =	spop (v2sf);
	v1 =	vmul.f32 v1, v17;
	[tilespmem:s24+$0xFFFFFFB0] =	vst v32  }
0x48e: {  	v0 =	vbroadcast v0, $0x0;
	[tilespmem:s22+$0xFFFFFEF0] =	vst v29;
	s14 =	smul.f32 $1.767766920e-01, s14;
	v22 =	vpop (erf);
	v29 =	vld [tilespmem:s17+$0xFFFFFFD0];
	v35 =	vmul.f32 v35, v15  }
0x48f: {  	v40 =	vld [tilespmem:s1+$0xFFFFFF20];
	v36 =	vmul.f32 v39, v23;
	v32 =	vmul.f32 v22, v2;
	v22, _, _ =	vpop (xrf2);
	[tilespmem:s24+$0xFFFFFF20] =	vst v1  }
0x490: {  	v1 =	vmov s14;
	(erf) = vpow2.f32 v0;
	s14 =	spop (v2sf);
	(v2sf) =	vpush v22, $0xF;
	v0 =	vld [tilespmem:s17+$0xFFFFFF50];
	[tilespmem:s24+$0x40] =	vst v35  }
0x491: {  	[tilespmem:s22+$0x10] =	vst v36;
	s14 =	smul.f32 $1.767766920e-01, s14;
	v41 =	vmul.f32 v33, v32;
	v1 =	vmul.f32 $1.442695020e+00, v1;
	v36 =	vld [tilespmem:s17+$0x50]  }
.Ltmp3:
0x492: {  	v33 =	vmul.f32 v38, v5;
	v35 =	vmul.f32 v37, v27;
	v37 =	vld [tilespmem:s1+$0x20];
	[tilespmem:s11+$0xFFFFFFF0] =	vst v16;
	v16 =	vmov v28;
	(pc) =	sbr.rel @p0 .LBB2_9-.Ltmp3, $4  }
0x493: {  	v39 =	vmov s14;
	[tilespmem:s22+$0xD0] =	vst v41;
	v1 =	vbroadcast v1, $0x0;
	v22 =	vpop (erf);
	v25 =	vmul.f32 v29, v25;
	v28 =	vld [tilespmem:s10+$0x70];
	s10 =	smov.u32 s19;
	s19 =	smov.u32 s17;
	s17 =	smov.u32 s1  }
0x494: {  	v29 =	vmul.f32 v40, v14;
	[tilespmem:s22+$0xFFFFFF90] =	vst v35;
	v22 =	vmul.f32 v22, v2;
	v35 =	vld [tilespmem:s1+$0xD0];
	v40 =	vpop (erf)  }
0x495: {  	v39 =	vmul.f32 $1.442695020e+00, v39;
	v38 =	vld [tilespmem:s1+$0xFFFFFFB0];
	(erf) = vpow2.f32 v1;
	[tilespmem:s24+$0xFFFFFFC0] =	vst v25  }
0x496: {  	s13 =	sadd.s32 $0x200, s13;
	v25 =	vmul.f32 v0, v17;
	v17 =	vmul.f32 v40, v2;
	[tilespmem:s22+$0xFFFFFF00] =	vst v29;
	s14 =	spop (v2sf);
	v29 =	vld [tilespmem:s19+$0xFFFFFFE0]  }
0x497: {  	[tilespmem:s11+$0xFFFFFF40] =	vst v33  }
0x498: {  	v0 =	vmul.f32 v37, v22;
	[tilespmem:s0+$0x80] =	vst v6  }
0x499: {  	v15 =	vmul.f32 v36, v15;
	[tilespmem:s24+$0xFFFFFF30] =	vst v25  }
0x49a: {  	v40 =	vbroadcast v39, $0x0;
	v41 =	vld [tilespmem:s17+$0xFFFFFF30];
	v31 =	vmul.f32 v31, v8;
	[tilespmem:s22+$0x20] =	vst v0  }
0x49b: {  	v3 =	vmul.f32 v30, v3;
	[tilespmem:s24+$0x50] =	vst v15;
	v42 =	vld [tilespmem:s17+$0x30]  }
0x49c: {  	v56 =	vmul.f32 v34, v7;
	(erf) = vpow2.f32 v40;
	[tilespmem:s11+$0x60] =	vst v31  }
0x49d: {  	[tilespmem:s0+$0xFFFFFF50] =	vst v3;
	v1 =	vmul.f32 v38, v27  }
0x49e: {  	v35 =	vmul.f32 v35, v32;
	[tilespmem:s11+$0xFFFFFFE0] =	vst v56  }
0x49f: {  	s2 =	smul.f32 $1.767766920e-01, s14;
	s13 =	spop (v2sf);
	v40 =	vld [tilespmem:s10+$0xFFFFFF70];
	[tilespmem:s22+$0xFFFFFFA0] =	vst v1;
	v0 =	vmul.f32 v41, v14  }
0x4a0: {  	s13 =	smul.f32 $1.767766920e-01, s13;
	[tilespmem:s22+$0xE0] =	vst v35;
	v43 =	vld [tilespmem:s17+$0xFFFFFFC0];
	v1 =	vmul.f32 v42, v22  }
0x4a1: {  	v4 =	vmul.f32 v28, v4;
	v44 =	vpop (erf);
	v45 =	vmov s2;
	v46 =	vld [tilespmem:s1+$0xE0];
	[tilespmem:s22+$0xFFFFFF10] =	vst v0  }
0x4a2: {  	v33 =	vmul.f32 v44, v2;
	v35 =	vmul.f32 $1.442695020e+00, v45;
	v47 =	vmov s13;
	v53 =	vld [tilespmem:s17+$0xFFFFFF40];
	[tilespmem:s22+$0x30] =	vst v1  }
0x4a3: {  	[tilespmem:s11+$0xFFFFFF60] =	vst v9;
	v29 =	vmul.f32 v29, v12;
	v48 =	vmul.f32 $1.442695020e+00, v47;
	v49 =	vpop (erf);
	v55 =	vld [tilespmem:s17+$0x40]  }
0x4a4: {  	v63 =	vld [tilespmem:s19+$0xFFFFFF60];
	[tilespmem:s0+$0x70] =	vst v4;
	v52 =	vbroadcast v35, $0x0;
	v50 =	vmul.f32 v49, v2;
	s21 =	spop (v2sf)  }
0x4a5: {  	[tilespmem:s24+$0xFFFFFFD0] =	vst v29;
	v35 =	vld [tilespmem:s19+$0x60];
	v54 =	vbroadcast v48, $0x0;
	s2 =	smul.f32 $1.767766920e-01, s21;
	v51 =	vmul.f32 v43, v33;
	v58 =	vpop (erf)  }
0x4a6: {  	v42 =	vld [tilespmem:s19+$0xFFFFFFF0];
	[tilespmem:s24+$0xFFFFFFF0] =	vst v16;
	v15 =	vmul.f32 v46, v50;
	v0 =	vmul.f32 v58, v2  }
0x4a7: {  	(erf) = vpow2.f32 v52;
	v62 =	vmov s2;
	[tilespmem:s22+$0xFFFFFFB0] =	vst v51;
	v60 =	vmul.f32 v53, v17  }
0x4a8: {  	[tilespmem:s22+$0xF0] =	vst v15;
	v15 =	vmul.f32 $1.442695020e+00, v62;
	v57 =	vld [tilespmem:s17+$0xFFFFFFD0];
	v34 =	vmul.f32 v55, v0  }
0x4a9: {  	v6 =	vmul.f32 v63, v11;
	(erf) = vpow2.f32 v54;
	[tilespmem:s22+$0xFFFFFF20] =	vst v60  }
0x4aa: {  	v15 =	vbroadcast v15, $0x0;
	v37 =	vld [tilespmem:s17+$0xFFFFFF50];
	[tilespmem:s22+$0x40] =	vst v34  }
0x4ab: {  	[tilespmem:s24+$0xFFFFFF40] =	vst v6;
	v45 =	vmul.f32 v35, v19;
	v38 =	vld [tilespmem:s17+$0x50]  }
0x4ac: {  	v61 =	vsel vm0, $0x0, v50;
	v43 =	vld [tilespmem:s10+$0x70];
	[tilespmem:s11+$0x80] =	vst v10;
	(erf) = vpow2.f32 v15  }
0x4ad: {  	v7 =	vsel vm1, v61, v32;
	[tilespmem:s24+$0x60] =	vst v45;
	v3 =	vmul.f32 v57, v33  }
0x4ae: {  	v36 =	vsel vm2, v7, v26;
	v51 =	vld [tilespmem:s19+$0xFFFFFF70];
	[tilespmem:s24+$0xFFFFFF60] =	vst v13  }
0x4af: {  	v59 =	vld [tilespmem:s1+$0xF0];
	v4 =	vsel vm3, v18, v36;
	[tilespmem:s22+$0xFFFFFFC0] =	vst v3;
	v7 =	vmul.f32 v37, v17  }
0x4b0: {  	[tilespmem:s22+$0x110] =	vst v4;
	v3 =	vld [tilespmem:s17+$0xFFFFFFE0];
	v44 =	vmul.f32 v38, v0  }
0x4b1: {  	v47 =	vmul.f32 v42, v12;
	v39 =	vpop (erf);
	[tilespmem:s22+$0xFFFFFF30] =	vst v7  }
0x4b2: {  	v41 =	vpop (erf);
	v46 =	vld [tilespmem:s17+$0xFFFFFF60];
	[tilespmem:s22+$0x50] =	vst v44  }
0x4b3: {  	[tilespmem:s24+$0xFFFFFFE0] =	vst v47;
	v48 =	vmul.f32 v43, v8;
	v15 =	vmul.f32 v41, v2;
	v6 =	vld [tilespmem:s17+$0x60]  }
0x4b4: {  	v55 =	vld [tilespmem:s19+$0x70];
	[tilespmem:s24+$0x80] =	vst v21;
	v1 =	vmul.f32 v59, v50  }
0x4b5: {  	v49 =	vmul.f32 v39, v2;
	[tilespmem:s11+$0x70] =	vst v48;
	v50 =	vpop (erf);
	v3 =	vmul.f32 v3, v15  }
0x4b6: {  	[tilespmem:s22+$0x100] =	vst v1;
	v1 =	vmul.f32 v40, v5;
	v52 =	vmul.f32 v50, v2  }
0x4b7: {  	[tilespmem:s22+$0xFFFFFFD0] =	vst v3;
	v3 =	vmul.f32 v46, v49  }
0x4b8: {  	[tilespmem:s11+$0xFFFFFF50] =	vst v1;
	v6 =	vmul.f32 v6, v52  }
0x4b9: {  	v5 =	vmul.f32 v51, v11;
	v54 =	vsel vm0, $0x0, v15;
	v53 =	vld [tilespmem:s17+$0xFFFFFFF0];
	[tilespmem:s22+$0xFFFFFF40] =	vst v3  }
0x4ba: {  	v60 =	vsel vm0, $0x0, v49;
	v8 =	vmul.f32 v55, v19;
	v7 =	vsel vm1, v54, v33;
	v57 =	vld [tilespmem:s17+$0xFFFFFF70];
	[tilespmem:s22+$0x60] =	vst v6  }
0x4bb: {  	v61 =	vsel vm1, v60, v17;
	[tilespmem:s24+$0xFFFFFF50] =	vst v5;
	v7 =	vsel vm2, v7, v27;
	v63 =	vsel vm0, $0x0, v52;
	v59 =	vld [tilespmem:s17+$0x70]  }
0x4bc: {  	v62 =	vsel vm2, v61, v14;
	[tilespmem:s24+$0x70] =	vst v8;
	v56 =	vsel vm3, v20, v7;
	v0 =	vsel vm1, v63, v0  }
0x4bd: {  	[tilespmem:s22+$0xFFFFFFF0] =	vst v56;
	v0 =	vsel vm2, v0, v22;
	v3 =	vsel vm3, v24, v62  }
0x4be: {  	v0 =	vsel vm3, v23, v0;
	[tilespmem:s22+$0xFFFFFF60] =	vst v3;
	v58 =	vmul.f32 v53, v15  }
0x4bf: {  	[tilespmem:s22+$0x80] =	vst v0;
	v1 =	vmul.f32 v57, v49  }
0x4c0: {  	[tilespmem:s22+$0xFFFFFFE0] =	vst v58;
	v2 =	vmul.f32 v59, v52  }
0x4c1: {  	[tilespmem:s22+$0xFFFFFF50] =	vst v1  }
0x4c2: {  	s25 =	simm.s32 $0x7340;
	s31 =	sadd.s32 $0x1, s31;
	s24 =	simm.s32 $0x4320;
	[tilespmem:s22+$0x70] =	vst v2  }
0x4c3: {  	[spmem:s16] =	stream.indirect.scatter.add.f32 [tilespmem:s25], [sflag:$0x6], $0x90, s24, s20, $0xb8;
	[tilespmem:$0x1FB50] =	vst v63  }
0x4c4: {  	p0 =	sne.s32 s31, $0x9D;
	_ =	swait.ge [sflag:s28], $0x1200  }
.Ltmp4:
0x4c5: {  	[sflag:s28] =	ssyncset.done $0x0;
	(pc) =	sbr.rel @p0 .LBB2_6-.Ltmp4, $4  }
0x4c6: {  	[sflag:s28] =	ssyncadd.s32 $0xFFFFEE00  }
0x4c7: {  	_ =	swait.ge [sflag:s29], $0x1200  }
0x4c8: {  	[sflag:s29] =	ssyncset.done $0x0  }
0x4c9: {  	[sflag:s29] =	ssyncadd.s32 $0xFFFFEE00  }
0x4ca: {  	_ =	swait.ge [sflag:s23], $0x20  }
0x4cb: {  	[sflag:s23] =	ssyncset.done $0x0  }
0x4cc: {  	[sflag:s23] =	ssyncadd.s32 $0xFFFFFFE0  }
0x4cd: {  	_ =	swait.ge [sflag:s23], $0x20  }
0x4ce: {  	[sflag:s23] =	ssyncset.done $0x0  }
0x4cf: {  	[sflag:s23] =	ssyncadd.s32 $0xFFFFFFE0  }
0x4d0: {  	_ =	swait.ge [sflag:s30], $0x20  }
0x4d1: {  	[sflag:s30] =	ssyncset.done $0x0  }
0x4d2: {  	[sflag:s30] =	ssyncadd.s32 $0xFFFFFFE0  }
0x4d3: {  	_ =	swait.ge [sflag:s30], $0x20  }
0x4d4: {  	s0 =	sadd.s32 $0x0, s5;
	[sflag:s30] =	ssyncset.done $0x0  }
0x4d5: {  	p0 =	sgt.u32 s0, $0xF9;
	[sflag:s30] =	ssyncadd.s32 $0xFFFFFFE0  }
0x4d6: {  	s0 =	simm.s32 @!p0 $0x8540;
	[bflag:$0x0] =	sbarrier.arrive $0xFFFF  }
0x4d7: {  	s2 =	simm.s32 @!p0 $0x8;
	p0 =	por p0, p0;
	s15 =	rddreg [dreg:$0xd]  }
0x4d8: {  	[tilespmem:s0], [sflag:$0x8] =	stream.linear.gather @!p0 [spmem:s15], $0x1680, $0x38;
	[tilespmem:$0x1FB50] =	vst v63  }
0x4d9: {  	_ =	swait.ge @!p0 [sflag:s2], $0x1680  }
0x4da: {  	s31 =	sadd.s32 $0x10, s5;
	s10 =	simm.s32 @!p0 $0x7;
	[sflag:s2] =	ssyncset.done @!p0 $0x0  }
0x4db: {  	s11 =	rddreg [dreg:$0xe];
	[sflag:s2] =	ssyncadd.s32 @!p0 $0xFFFFE980;
	s2 =	simm.s32 @!p0 $0x0  }
0x4dc: {  	[hbm4b:s11+s2] =	stream.linear.scatter @!p0 [tilespmem:s0], [sflag:$0x7], $0x1680, $0x38;
	[tilespmem:$0x1FB50] =	vst v63  }
0x4dd: {  	s1 =	simm.s32 $0x20;
	p1 =	sgt.u32 s31, $0xF9;
	_ =	swait.ge @!p0 [sflag:s10], $0x1680  }
0x4de: {  	s0 =	sadd.s32 $0x2D00, s11;
	s2 =	sadd.s32 $0x16800, s15;
	[sflag:s10] =	ssyncset.done @!p0 $0x0  }
.LBB2_12:
0x4df: {  	s11 =	simm.s32 @!p1 $0x8540;
	s13 =	simm.s32 @!p1 $0x8;
	[sflag:s10] =	ssyncadd.s32 @!p0 $0xFFFFE980  }
0x4e0: {  	s14 =	smov.u32 s1;
	p0 =	por p1, p1;
	s1 =	sadd.s32 $0x10, s1  }
0x4e1: {  	[tilespmem:s11], [sflag:$0x8] =	stream.linear.gather @!p0 [spmem:s2], $0x1680, $0x38;
	[tilespmem:$0x1FB50] =	vst v63  }
0x4e2: {  	p2 =	sne.s32 s1, $0x100;
	_ =	swait.ge @!p0 [sflag:s13], $0x1680  }
.Ltmp5:
0x4e3: {  	[sflag:s13] =	ssyncset.done @!p0 $0x0;
	(pc) =	sbr.rel @p2 .LBB2_12-.Ltmp5, $4  }
0x4e4: {  	s10 =	simm.s32 @!p0 $0x7;
	[sflag:s13] =	ssyncadd.s32 @!p0 $0xFFFFE980;
	s13 =	simm.s32 @!p0 $0x0  }
0x4e5: {  	[hbm4b:s0+s13] =	stream.linear.scatter @!p0 [tilespmem:s11], [sflag:$0x7], $0x1680, $0x38;
	[tilespmem:$0x1FB50] =	vst v63  }
0x4e6: {  	s11 =	sadd.s32 s14, s5;
	s0 =	sadd.s32 $0x2D00, s0;
	_ =	swait.ge @!p0 [sflag:s10], $0x1680  }
0x4e7: {  	s2 =	sadd.s32 $0x16800, s2;
	p1 =	sgt.u32 s11, $0xF9;
	[sflag:s10] =	ssyncset.done @!p0 $0x0  }
0x4e8: {  	s1 =	simm.s32 @!p1 $0x8540  }
0x4e9: {  	s11 =	simm.s32 @!p1 $0x8;
	[sflag:s10] =	ssyncadd.s32 @!p0 $0xFFFFE980;
	p0 =	por p1, p1  }
0x4ea: {  	[tilespmem:s1], [sflag:$0x8] =	stream.linear.gather @!p0 [spmem:s2], $0x1680, $0x38;
	[tilespmem:$0x1FB50] =	vst v63  }
0x4eb: {  	_ =	swait.ge @!p0 [sflag:s11], $0x1680  }
0x4ec: {  	[sflag:s11] =	ssyncset.done @!p0 $0x0  }
0x4ed: {  	s2 =	simm.s32 @!p0 $0x0;
	s10 =	simm.s32 @!p0 $0x7;
	[sflag:s11] =	ssyncadd.s32 @!p0 $0xFFFFE980  }
0x4ee: {  	[hbm4b:s0+s2] =	stream.linear.scatter @!p0 [tilespmem:s1], [sflag:$0x7], $0x1680, $0x38;
	[tilespmem:$0x1FB50] =	vst v63  }
0x4ef: {  	_ =	swait.ge @!p0 [sflag:s10], $0x1680  }
0x4f0: {  	s25 =	rddreg [dreg:$0xf]  }
0x4f1: {  	s31 =	rddreg [dreg:$0xc];
	s1 =	sadd.s32 $0x1, s25  }
0x4f2: {  	p1 =	sne.s32 s1, s31  }
.Ltmp6:
0x4f3: {  	_ = 	snop;
	(pc) =	sbr.rel @p1 .LBB2_1-.Ltmp6, $3  }
0x4f4: {  	_ =	sdelay $0x1  }
0x4f5: {  	[sflag:s10] =	ssyncset.done @!p0 $0x0  }
0x4f6: {  	v0 =	vimm.f32 $0.0e+00;
	[sflag:s10] =	ssyncadd.s32 @!p0 $0xFFFFE980  }
0x4f7: {  	_ =	sfence.sel $0x180000  }
0x4f8: {  	[bflag:$0x0] =	sbarrier.arrive $0xFFFF  }
0x4f9: {  	_ =	strace $0x90000047  }
0x4fa: {  	[bflag:$0x2] =	sbarrier.arrive $0xFFFF  }
0x4fb: {  	p0 =	sne.s32 s5, $0x0;
	s0 =	rddreg [dreg:$0x3]  }
0x4fc: {  	s0 =	sadd.s32 @!p0 $0x100000, s0  }
0x4fd: {  	[sflag:s0] =	ssyncadd.tile.s32 @!p0 $0x1;
	_ =	shalt  }
.Lfunc_end2:
_tile_overlayer_lowered:
.L_overlay_start_2:
0x4fe: {  	(tag) =	ssettag $0x2  }
0x4ff: {  	s0 =	rddreg [dreg:$0x0];
	s2 =	stileid.u32  }
0x500: {  	s1 =	rddreg [dreg:$0x1];
	p0 =	sne.s32 s2, $0x0  }
0x501: {  	s3 =	rddreg [dreg:$0x2];
	[bflag:$0x3] =	sbarrier.arrive $0xFFFF;
	s2 =	simm.s32 @!p0 $0x1C07  }
0x502: {  	[timem:s3], [sflag:s2] =	dma.local @!p0 [hbm:s0], s1  }
0x503: {  	s0 =	simm.s32 @!p0 $0x7  }
0x504: {  	_ =	swait.ge @!p0 [sflag:s0], s1  }
0x505: {  	s1 =	ssub.s32 @!p0 $0x0, s1;
	[sflag:s0] =	ssyncset.done @!p0 $0x0  }
0x506: {  	[sflag:s0] =	ssyncadd.s32 @!p0 s1  }
0x507: {  	[bflag:$0x3] =	sbarrier.arrive $0xFFFF  }
0x508: {  	_ =	shalt  }

</sc_bundles>
